<compile_context>
chip_gen: v7x
topology: tpu7x:2x2x1
jax: 0.10.2.dev20260603
libtpu: 0.0.44.dev20260713+nightly
codegen_flags: <defaults>
</compile_context>

<pallas_src>
import functools

import jax
import jax.numpy as jnp
from jax import lax
from jax.experimental import pallas as pl
from jax.experimental.pallas import tpu as pltpu
from jax.experimental.pallas import tpu_sc as plsc

N = 10000
E = 320000
IN_DIM = 128
HID = 256
OUT_DIM = 128
L = 3

EP = 327680
BLK = 128
NBLK = EP // (16 * BLK)
BN = 2000
GRID = N // BN
PAD_ROWS = 8

_TILE_ROWS = 624
_ROW_CHUNKS = ((0, 128), (128, 128), (256, 128), (384, 128), (512, 112))
_EXTRA_R0 = 16 * _TILE_ROWS
_EXTRA_ALL = 24
_EXTRA_OUT = 16
_ICH = 40


def _sc_agg_build():
  mesh = plsc.VectorSubcoreMesh(core_axis_name="c", subcore_axis_name="s")
  out_type = [jax.ShapeDtypeStruct((2, N, 128), jnp.float32)]
  scratch = [
      pltpu.VMEM((_ICH, 2, BLK), jnp.int32),
      pltpu.VMEM((BLK, 128), jnp.float32),
      pltpu.VMEM((BLK, 128), jnp.float32),
      pltpu.VMEM_SHARED((N + PAD_ROWS, 128), jnp.float32),
      pltpu.SemaphoreType.DMA,
      pltpu.SemaphoreType.DMA,
  ]

  @functools.partial(pl.kernel, mesh=mesh, out_type=out_type,
                     scratch_types=scratch)
  def agg(h2, idx2, z128, *refs):
    agg_out, ibuf, g0, g1, acc, sem0, sem1 = refs
    c = lax.axis_index("c")
    s = lax.axis_index("s")
    r0 = s * _TILE_ROWS

    for off, sz in _ROW_CHUNKS:
      pltpu.sync_copy(z128.at[pl.ds(0, sz)], acc.at[pl.ds(r0 + off, sz)])

    @pl.when(s == 15)
    def _():
      pltpu.sync_copy(z128.at[pl.ds(0, _EXTRA_ALL)],
                      acc.at[pl.ds(_EXTRA_R0, _EXTRA_ALL)])

    plsc.subcore_barrier()

    def chunk_body(k, carry):
      base = s * NBLK + k * _ICH
      pltpu.sync_copy(idx2.at[c, pl.ds(base, _ICH)], ibuf)
      pltpu.async_copy(h2.at[ibuf.at[0, 0]], g0, sem0)

      def body(i, cc):
        b = 2 * i
        pltpu.async_copy(h2.at[ibuf.at[b + 1, 0]], g1, sem1)
        pltpu.make_async_copy(h2.at[ibuf.at[b, 0]], g0, sem0).wait()
        pltpu.sync_copy(g0, acc.at[ibuf.at[b, 1]], add=True)

        @pl.when(i < _ICH // 2 - 1)
        def _():
          pltpu.async_copy(h2.at[ibuf.at[b + 2, 0]], g0, sem0)

        pltpu.make_async_copy(h2.at[ibuf.at[b + 1, 0]], g1, sem1).wait()
        pltpu.sync_copy(g1, acc.at[ibuf.at[b + 1, 1]], add=True)
        return cc

      lax.fori_loop(0, _ICH // 2, body, 0)
      return carry

    lax.fori_loop(0, NBLK // _ICH, chunk_body, 0)
    plsc.subcore_barrier()

    for off, sz in _ROW_CHUNKS:
      pltpu.sync_copy(acc.at[pl.ds(r0 + off, sz)],
                      agg_out.at[c, pl.ds(r0 + off, sz)])

    @pl.when(s == 15)
    def _():
      pltpu.sync_copy(acc.at[pl.ds(_EXTRA_R0, _EXTRA_OUT)],
                      agg_out.at[c, pl.ds(_EXTRA_R0, _EXTRA_OUT)])

  return agg


_CBLK = EP // (32 * BLK)


def _sc_count_build():
  mesh = plsc.VectorSubcoreMesh(core_axis_name="c", subcore_axis_name="s")
  out_type = [jax.ShapeDtypeStruct((2, N, 16), jnp.float32)]
  scratch = [
      pltpu.VMEM((_CBLK, BLK), jnp.int32),
      pltpu.VMEM((BLK, 16), jnp.float32),
      pltpu.VMEM_SHARED((N + PAD_ROWS, 16), jnp.float32),
  ]

  @functools.partial(pl.kernel, mesh=mesh, out_type=out_type,
                     scratch_types=scratch)
  def count(dst2, aux16, cnt_out, idst, ones_v, cacc):
    c = lax.axis_index("c")
    s = lax.axis_index("s")
    r0 = s * _TILE_ROWS

    for off, sz in _ROW_CHUNKS:
      pltpu.sync_copy(aux16.at[pl.ds(0, sz)], cacc.at[pl.ds(r0 + off, sz)])

    @pl.when(s == 15)
    def _():
      pltpu.sync_copy(aux16.at[pl.ds(0, _EXTRA_ALL)],
                      cacc.at[pl.ds(_EXTRA_R0, _EXTRA_ALL)])

    pltpu.sync_copy(aux16.at[pl.ds(128, BLK)], ones_v)
    w = c * 16 + s
    pltpu.sync_copy(dst2.at[pl.ds(w * _CBLK, _CBLK)], idst)
    plsc.subcore_barrier()

    def body(i, carry):
      pltpu.sync_copy(ones_v, cacc.at[idst.at[i]], add=True)
      return carry

    lax.fori_loop(0, _CBLK, body, 0)
    plsc.subcore_barrier()

    for off, sz in _ROW_CHUNKS:
      pltpu.sync_copy(cacc.at[pl.ds(r0 + off, sz)],
                      cnt_out.at[c, pl.ds(r0 + off, sz)])

    @pl.when(s == 15)
    def _():
      pltpu.sync_copy(cacc.at[pl.ds(_EXTRA_R0, _EXTRA_OUT)],
                      cnt_out.at[c, pl.ds(_EXTRA_R0, _EXTRA_OUT)])

  return count


@functools.cache
def _sc_agg_get():
  return _sc_agg_build()


@functools.cache
def _sc_count_get():
  return _sc_count_build()


def _sc_agg(*args):
  return _sc_agg_get()(*args)


def _sc_count(*args):
  return _sc_count_get()(*args)


def _gelu(x):
  return 0.5 * x * (1.0 + lax.erf(x * (2.0 ** -0.5)))


def _in_proj_body(x_ref, mask_ref, w_ref, b_ref, g_ref, beta_ref, out_ref):
  i = pl.program_id(0)
  row = i * BN + lax.broadcasted_iota(jnp.int32, (BN, 1), 0)
  xb = jnp.where(row == 0, mask_ref[...], x_ref[...])
  h = lax.dot_general(xb, w_ref[...], (((1,), (1,)), ((), ())),
                      preferred_element_type=jnp.float32) + b_ref[...]
  mu = jnp.mean(h, axis=1, keepdims=True)
  d = h - mu
  var = jnp.mean(d * d, axis=1, keepdims=True)
  hn = _gelu(d / jnp.sqrt(var + 1e-5) * g_ref[...] + beta_ref[...])
  out_ref[0] = hn[:, :128]
  out_ref[1] = hn[:, 128:]


def _in_proj(x, mask_token, w_in, b_in, ln_g, ln_b):
  return pl.pallas_call(
      _in_proj_body,
      grid=(GRID,),
      in_specs=[
          pl.BlockSpec((BN, IN_DIM), lambda i: (i, 0)),
          pl.BlockSpec((1, IN_DIM), lambda i: (0, 0)),
          pl.BlockSpec((HID, IN_DIM), lambda i: (0, 0)),
          pl.BlockSpec((1, HID), lambda i: (0, 0)),
          pl.BlockSpec((1, HID), lambda i: (0, 0)),
          pl.BlockSpec((1, HID), lambda i: (0, 0)),
      ],
      out_specs=pl.BlockSpec((2, BN, 128), lambda i: (0, i, 0)),
      out_shape=jax.ShapeDtypeStruct((2, N, 128), jnp.float32),
  )(x, mask_token.reshape(1, IN_DIM), w_in, b_in.reshape(1, HID),
    ln_g.reshape(1, HID), ln_b.reshape(1, HID))


def _layer_body(final, agg_ref, cnt_ref, h_ref, wl_ref, wr_ref, bl_ref,
                g_ref, b_ref, *rest):
  if final:
    wout_ref, bout_ref, out_ref, t_s, s1, s2 = rest
  else:
    out_ref, t_s, s1, s2 = rest
  i = pl.program_id(0)

  @pl.when(i < GRID)
  def _():
    @pl.when(i == 0)
    def _():
      s1[...] = jnp.zeros_like(s1)
      s2[...] = jnp.zeros_like(s2)

    cm = jnp.maximum(cnt_ref[0, :, :1] + cnt_ref[1, :, :1], 1.0)
    dn = (((1,), (1,)), ((), ()))
    mean = jnp.concatenate([agg_ref[0], agg_ref[1]], axis=1) / cm
    hf = jnp.concatenate([h_ref[0], h_ref[1]], axis=1)
    t = (lax.dot_general(mean, wl_ref[...], dn,
                         preferred_element_type=jnp.float32)
         + lax.dot_general(hf, wr_ref[...], dn,
                           preferred_element_type=jnp.float32)
         + bl_ref[...])
    t_s[pl.ds(i * BN, BN)] = t
    s1[...] += jnp.sum(t, axis=0, keepdims=True)
    s2[...] += jnp.sum(t * t, axis=0, keepdims=True)

  @pl.when(i >= GRID)
  def _():
    j = i - GRID
    t = t_s[pl.ds(j * BN, BN)]
    mu = s1[...] / N
    var = s2[...] / N - mu * mu
    tn = (t - mu) / jnp.sqrt(var + 1e-5) * g_ref[...] + b_ref[...]
    hn = jnp.concatenate([h_ref[0], h_ref[1]], axis=1) + _gelu(tn)
    if final:
      out_ref[...] = lax.dot_general(
          hn, wout_ref[...], (((1,), (1,)), ((), ())),
          preferred_element_type=jnp.float32) + bout_ref[...]
    else:
      out_ref[0] = hn[:, :128]
      out_ref[1] = hn[:, 128:]


def _layer(agg, cnt, h, wl, wr, bl, bn_g, bn_b, w_out=None, b_out=None):
  final = w_out is not None
  in_specs = [
      pl.BlockSpec((2, BN, 128), lambda i: (0, jnp.minimum(i, GRID - 1), 0)),
      pl.BlockSpec((2, BN, 16), lambda i: (0, jnp.minimum(i, GRID - 1), 0)),
      pl.BlockSpec((2, BN, 128),
                   lambda i: (0, jnp.where(i < GRID, i, i - GRID), 0)),
      pl.BlockSpec((HID, HID), lambda i: (0, 0)),
      pl.BlockSpec((HID, HID), lambda i: (0, 0)),
      pl.BlockSpec((1, HID), lambda i: (0, 0)),
      pl.BlockSpec((1, HID), lambda i: (0, 0)),
      pl.BlockSpec((1, HID), lambda i: (0, 0)),
  ]
  args = [agg, cnt, h, wl, wr, bl, bn_g.reshape(1, HID), bn_b.reshape(1, HID)]
  if final:
    in_specs += [
        pl.BlockSpec((OUT_DIM, HID), lambda i: (0, 0)),
        pl.BlockSpec((1, OUT_DIM), lambda i: (0, 0)),
    ]
    args += [w_out, b_out.reshape(1, OUT_DIM)]
    out_specs = pl.BlockSpec((BN, OUT_DIM),
                             lambda i: (jnp.maximum(i - GRID, 0), 0))
    out_shape = jax.ShapeDtypeStruct((N, OUT_DIM), jnp.float32)
  else:
    out_specs = pl.BlockSpec(
        (2, BN, 128), lambda i: (0, jnp.maximum(i - GRID, 0), 0))
    out_shape = jax.ShapeDtypeStruct((2, N, 128), jnp.float32)
  return pl.pallas_call(
      functools.partial(_layer_body, final),
      grid=(2 * GRID,),
      in_specs=in_specs,
      out_specs=out_specs,
      out_shape=out_shape,
      scratch_shapes=[
          pltpu.VMEM((N, HID), jnp.float32),
          pltpu.VMEM((1, HID), jnp.float32),
          pltpu.VMEM((1, HID), jnp.float32),
      ],
  )(*args)


def kernel(x, edge_index, mask_token, W_in, b_in, ln_g, ln_b, Wl, bl, Wr,
           bn_g, bn_b, W_out, b_out):
  src = edge_index[0]
  dst = edge_index[1]
  padi = jnp.arange(EP - E, dtype=jnp.int32)
  src_p = jnp.concatenate([src, padi % N])
  dst_p = jnp.concatenate([dst, N + (padi % PAD_ROWS)])
  srcs = jnp.stack([src_p, src_p + N]).reshape(2, EP // BLK, 1, BLK)
  dstb = jnp.broadcast_to(dst_p.reshape(1, EP // BLK, 1, BLK),
                          (2, EP // BLK, 1, BLK))
  idx2 = jnp.concatenate([srcs, dstb], axis=2)
  dst2 = dst_p.reshape(EP // BLK, BLK)
  z128 = jnp.zeros((128, 128), jnp.float32)
  aux16 = jnp.concatenate(
      [jnp.zeros((128, 16), jnp.float32), jnp.ones((128, 16), jnp.float32)])

  h = _in_proj(x, mask_token, W_in, b_in, ln_g, ln_b)
  cnt, = _sc_count(dst2, aux16)
  out = None
  for i in range(L):
    agg, = _sc_agg(h.reshape(2 * N, 128), idx2, z128)
    if i == L - 1:
      out = _layer(agg, cnt, h, Wl[i], Wr[i], bl[i].reshape(1, HID),
                   bn_g[i], bn_b[i], W_out, b_out)
    else:
      h = _layer(agg, cnt, h, Wl[i], Wr[i], bl[i].reshape(1, HID),
                 bn_g[i], bn_b[i])
  return out

# --- scband reference (transcript-rebuilt; emitter-appended) ---
"""Pipeline reference for scband-embedder-gnnv4-85555748536463 (READ-ONLY COPY).

The authoritative reference and input builder live on the scoring server;
editing this copy changes nothing except your own understanding.
"""

import jax, jax.numpy as jnp
import numpy as np

N = 10000
E = 320000
IN_DIM = 128
HID = 256
OUT_DIM = 128
L = 3


def setup_inputs(seed: int = 0) -> dict:
    key = jax.random.key(seed)
    ks = jax.random.split(key, 16)
    x = jax.random.normal(ks[0], (N, IN_DIM), dtype=jnp.float32)
    edge_index = jax.random.randint(ks[1], (2, E), 0, N, dtype=jnp.int32)
    mask_token = jax.random.normal(ks[2], (IN_DIM,), dtype=jnp.float32)
    W_in = jax.random.normal(ks[3], (HID, IN_DIM), dtype=jnp.float32) * (1.0 / np.sqrt(IN_DIM))
    b_in = jnp.zeros((HID,), dtype=jnp.float32)
    ln_g = jnp.ones((HID,), dtype=jnp.float32)
    ln_b = jnp.zeros((HID,), dtype=jnp.float32)
    Wl = jax.random.normal(ks[4], (L, HID, HID), dtype=jnp.float32) * (1.0 / np.sqrt(HID))
    bl = jnp.zeros((L, HID), dtype=jnp.float32)
    Wr = jax.random.normal(ks[5], (L, HID, HID), dtype=jnp.float32) * (1.0 / np.sqrt(HID))
    bn_g = jnp.ones((L, HID), dtype=jnp.float32)
    bn_b = jnp.zeros((L, HID), dtype=jnp.float32)
    W_out = jax.random.normal(ks[6], (OUT_DIM, HID), dtype=jnp.float32) * (1.0 / np.sqrt(HID))
    b_out = jnp.zeros((OUT_DIM,), dtype=jnp.float32)
    return {"x": x, "edge_index": edge_index, "mask_token": mask_token,
            "W_in": W_in, "b_in": b_in, "ln_g": ln_g, "ln_b": ln_b,
            "Wl": Wl, "bl": bl, "Wr": Wr, "bn_g": bn_g, "bn_b": bn_b,
            "W_out": W_out, "b_out": b_out}


def _layer_norm(h, g, b, eps=1e-5):
    mu = jnp.mean(h, axis=-1, keepdims=True)
    var = jnp.var(h, axis=-1, keepdims=True)
    return (h - mu) / jnp.sqrt(var + eps) * g + b


def _batch_norm(h, g, b, eps=1e-5):
    mu = jnp.mean(h, axis=0, keepdims=True)
    var = jnp.var(h, axis=0, keepdims=True)
    return (h - mu) / jnp.sqrt(var + eps) * g + b


def _sage_conv(x, src, dst, Wl_i, bl_i, Wr_i):
    # mean aggregation of source-node features at destination nodes
    msg = jnp.take(x, src, axis=0)
    summed = jax.ops.segment_sum(msg, dst, num_segments=N)
    cnt = jax.ops.segment_sum(jnp.ones((msg.shape[0], 1), dtype=x.dtype), dst, num_segments=N)
    mean = summed / jnp.maximum(cnt, 1.0)
    return mean @ Wl_i.T + bl_i + x @ Wr_i.T


def reference(x, edge_index, mask_token, W_in, b_in, ln_g, ln_b, Wl, bl, Wr, bn_g, bn_b, W_out, b_out):
    src, dst = edge_index[0], edge_index[1]
    # masking: row 0 replaced by mask_token, rest detached
    x_masked = jnp.concatenate([mask_token[None, :], jax.lax.stop_gradient(x[1:])], axis=0)
    h = x_masked @ W_in.T + b_in
    h = _layer_norm(h, ln_g, ln_b)
    h = jax.nn.gelu(h, approximate=False)
    # dropout omitted (eval-mode deterministic reference)
    for i in range(L):
        t = _sage_conv(h, src, dst, Wl[i], bl[i], Wr[i])
        t = _batch_norm(t, bn_g[i], bn_b[i])
        t = jax.nn.gelu(t, approximate=False)
        h = h + t
    return h @ W_out.T + b_out

if __name__ == "__main__":
    import jax
    _d = setup_inputs()
    print(jax.jit(kernel)(*tuple(_d.values())))

</pallas_src>

<mosaic_0001>
#map = affine_map<(d0, d1) -> (0, 0)>
#map1 = affine_map<(d0, d1) -> (0, 0, 0)>
module attributes {stable_mosaic.version = 14 : i64} {
  func.func @count(%arg0: i32, %arg1: i32, %arg2: memref<2560x128xi32, #tpu.memory_space<hbm>>, %arg3: memref<256x16xf32, #tpu.memory_space<hbm>>, %arg4: memref<2x10000x16xf32, #tpu.memory_space<hbm>>, %arg5: memref<80x128xi32, #tpu.memory_space<vmem>>, %arg6: memref<128x16xf32, #tpu.memory_space<vmem>>, %arg7: memref<10008x16xf32, #tpu.memory_space<vmem_shared>>) attributes {dimension_semantics = [#tpu.dimension_semantics<core_parallel>, #tpu.dimension_semantics<subcore_parallel>], iteration_bounds = array<i64: 2, 16>, scalar_prefetch = 0 : i64, scratch_operands = 3 : i64, tpu.core_type = #tpu.core_type<sc_vector_subcore>, window_params = [{transform_indices = #map}, {transform_indices = #map}, {transform_indices = #map1}]} {
    %mul3A = arith.constant 624 : i32
    %mul3A_0 = arith.muli %arg1, %mul3A : i32
    %add3A = arith.constant 0 : i32
    %add3A_1 = arith.addi %mul3A_0, %add3A : i32
    "tpu.region"() ({
      %run_scoped3A = tpu.sem_alloc : memref<!tpu.dma_semaphore, #tpu.memory_space<semaphore_mem>>
      %dma_start3A = arith.constant 0 : i32
      %dma_start3A_48 = tpu.memref_slice %arg7[%add3A_1, %dma_start3A] : memref<10008x16xf32, #tpu.memory_space<vmem_shared>> -> memref<128x16xf32, #tpu.memory_space<vmem_shared>>
      %dma_start3A_49 = arith.constant 0 : i32
      %dma_start3A_50 = arith.constant 0 : i32
      %dma_start3A_51 = tpu.memref_slice %arg3[%dma_start3A_49, %dma_start3A_50] : memref<256x16xf32, #tpu.memory_space<hbm>> -> memref<128x16xf32, #tpu.memory_space<hbm>>
      tpu.enqueue_dma source(%dma_start3A_51 : memref<128x16xf32, #tpu.memory_space<hbm>>) target(%dma_start3A_48 : memref<128x16xf32, #tpu.memory_space<vmem_shared>>) target_semaphore(%run_scoped3A : memref<!tpu.dma_semaphore, #tpu.memory_space<semaphore_mem>>)
      %dma_wait3A = arith.constant 0 : i32
      %dma_wait3A_52 = tpu.memref_slice %arg7[%add3A_1, %dma_wait3A] : memref<10008x16xf32, #tpu.memory_space<vmem_shared>> -> memref<128x16xf32, #tpu.memory_space<vmem_shared>>
      %dma_wait3A_53 = arith.constant 0 : i32
      %dma_wait3A_54 = arith.constant 0 : i32
      %dma_wait3A_55 = tpu.memref_slice %arg3[%dma_wait3A_53, %dma_wait3A_54] : memref<256x16xf32, #tpu.memory_space<hbm>> -> memref<128x16xf32, #tpu.memory_space<hbm>>
      tpu.wait_dma2 semaphore(%run_scoped3A : memref<!tpu.dma_semaphore, #tpu.memory_space<semaphore_mem>>) src(%dma_wait3A_55 : memref<128x16xf32, #tpu.memory_space<hbm>>) dst(%dma_wait3A_52 : memref<128x16xf32, #tpu.memory_space<vmem_shared>>)
      tpu.yield
    }) : () -> ()
    %add3A_2 = arith.constant 128 : i32
    %add3A_3 = arith.addi %mul3A_0, %add3A_2 : i32
    "tpu.region"() ({
      %run_scoped3A = tpu.sem_alloc : memref<!tpu.dma_semaphore, #tpu.memory_space<semaphore_mem>>
      %dma_start3A = arith.constant 0 : i32
      %dma_start3A_48 = tpu.memref_slice %arg7[%add3A_3, %dma_start3A] : memref<10008x16xf32, #tpu.memory_space<vmem_shared>> -> memref<128x16xf32, #tpu.memory_space<vmem_shared>>
      %dma_start3A_49 = arith.constant 0 : i32
      %dma_start3A_50 = arith.constant 0 : i32
      %dma_start3A_51 = tpu.memref_slice %arg3[%dma_start3A_49, %dma_start3A_50] : memref<256x16xf32, #tpu.memory_space<hbm>> -> memref<128x16xf32, #tpu.memory_space<hbm>>
      tpu.enqueue_dma source(%dma_start3A_51 : memref<128x16xf32, #tpu.memory_space<hbm>>) target(%dma_start3A_48 : memref<128x16xf32, #tpu.memory_space<vmem_shared>>) target_semaphore(%run_scoped3A : memref<!tpu.dma_semaphore, #tpu.memory_space<semaphore_mem>>)
      %dma_wait3A = arith.constant 0 : i32
      %dma_wait3A_52 = tpu.memref_slice %arg7[%add3A_3, %dma_wait3A] : memref<10008x16xf32, #tpu.memory_space<vmem_shared>> -> memref<128x16xf32, #tpu.memory_space<vmem_shared>>
      %dma_wait3A_53 = arith.constant 0 : i32
      %dma_wait3A_54 = arith.constant 0 : i32
      %dma_wait3A_55 = tpu.memref_slice %arg3[%dma_wait3A_53, %dma_wait3A_54] : memref<256x16xf32, #tpu.memory_space<hbm>> -> memref<128x16xf32, #tpu.memory_space<hbm>>
      tpu.wait_dma2 semaphore(%run_scoped3A : memref<!tpu.dma_semaphore, #tpu.memory_space<semaphore_mem>>) src(%dma_wait3A_55 : memref<128x16xf32, #tpu.memory_space<hbm>>) dst(%dma_wait3A_52 : memref<128x16xf32, #tpu.memory_space<vmem_shared>>)
      tpu.yield
    }) : () -> ()
    %add3A_4 = arith.constant 256 : i32
    %add3A_5 = arith.addi %mul3A_0, %add3A_4 : i32
    "tpu.region"() ({
      %run_scoped3A = tpu.sem_alloc : memref<!tpu.dma_semaphore, #tpu.memory_space<semaphore_mem>>
      %dma_start3A = arith.constant 0 : i32
      %dma_start3A_48 = tpu.memref_slice %arg7[%add3A_5, %dma_start3A] : memref<10008x16xf32, #tpu.memory_space<vmem_shared>> -> memref<128x16xf32, #tpu.memory_space<vmem_shared>>
      %dma_start3A_49 = arith.constant 0 : i32
      %dma_start3A_50 = arith.constant 0 : i32
      %dma_start3A_51 = tpu.memref_slice %arg3[%dma_start3A_49, %dma_start3A_50] : memref<256x16xf32, #tpu.memory_space<hbm>> -> memref<128x16xf32, #tpu.memory_space<hbm>>
      tpu.enqueue_dma source(%dma_start3A_51 : memref<128x16xf32, #tpu.memory_space<hbm>>) target(%dma_start3A_48 : memref<128x16xf32, #tpu.memory_space<vmem_shared>>) target_semaphore(%run_scoped3A : memref<!tpu.dma_semaphore, #tpu.memory_space<semaphore_mem>>)
      %dma_wait3A = arith.constant 0 : i32
      %dma_wait3A_52 = tpu.memref_slice %arg7[%add3A_5, %dma_wait3A] : memref<10008x16xf32, #tpu.memory_space<vmem_shared>> -> memref<128x16xf32, #tpu.memory_space<vmem_shared>>
      %dma_wait3A_53 = arith.constant 0 : i32
      %dma_wait3A_54 = arith.constant 0 : i32
      %dma_wait3A_55 = tpu.memref_slice %arg3[%dma_wait3A_53, %dma_wait3A_54] : memref<256x16xf32, #tpu.memory_space<hbm>> -> memref<128x16xf32, #tpu.memory_space<hbm>>
      tpu.wait_dma2 semaphore(%run_scoped3A : memref<!tpu.dma_semaphore, #tpu.memory_space<semaphore_mem>>) src(%dma_wait3A_55 : memref<128x16xf32, #tpu.memory_space<hbm>>) dst(%dma_wait3A_52 : memref<128x16xf32, #tpu.memory_space<vmem_shared>>)
      tpu.yield
    }) : () -> ()
    %add3A_6 = arith.constant 384 : i32
    %add3A_7 = arith.addi %mul3A_0, %add3A_6 : i32
    "tpu.region"() ({
      %run_scoped3A = tpu.sem_alloc : memref<!tpu.dma_semaphore, #tpu.memory_space<semaphore_mem>>
      %dma_start3A = arith.constant 0 : i32
      %dma_start3A_48 = tpu.memref_slice %arg7[%add3A_7, %dma_start3A] : memref<10008x16xf32, #tpu.memory_space<vmem_shared>> -> memref<128x16xf32, #tpu.memory_space<vmem_shared>>
      %dma_start3A_49 = arith.constant 0 : i32
      %dma_start3A_50 = arith.constant 0 : i32
      %dma_start3A_51 = tpu.memref_slice %arg3[%dma_start3A_49, %dma_start3A_50] : memref<256x16xf32, #tpu.memory_space<hbm>> -> memref<128x16xf32, #tpu.memory_space<hbm>>
      tpu.enqueue_dma source(%dma_start3A_51 : memref<128x16xf32, #tpu.memory_space<hbm>>) target(%dma_start3A_48 : memref<128x16xf32, #tpu.memory_space<vmem_shared>>) target_semaphore(%run_scoped3A : memref<!tpu.dma_semaphore, #tpu.memory_space<semaphore_mem>>)
      %dma_wait3A = arith.constant 0 : i32
      %dma_wait3A_52 = tpu.memref_slice %arg7[%add3A_7, %dma_wait3A] : memref<10008x16xf32, #tpu.memory_space<vmem_shared>> -> memref<128x16xf32, #tpu.memory_space<vmem_shared>>
      %dma_wait3A_53 = arith.constant 0 : i32
      %dma_wait3A_54 = arith.constant 0 : i32
      %dma_wait3A_55 = tpu.memref_slice %arg3[%dma_wait3A_53, %dma_wait3A_54] : memref<256x16xf32, #tpu.memory_space<hbm>> -> memref<128x16xf32, #tpu.memory_space<hbm>>
      tpu.wait_dma2 semaphore(%run_scoped3A : memref<!tpu.dma_semaphore, #tpu.memory_space<semaphore_mem>>) src(%dma_wait3A_55 : memref<128x16xf32, #tpu.memory_space<hbm>>) dst(%dma_wait3A_52 : memref<128x16xf32, #tpu.memory_space<vmem_shared>>)
      tpu.yield
    }) : () -> ()
    %add3A_8 = arith.constant 512 : i32
    %add3A_9 = arith.addi %mul3A_0, %add3A_8 : i32
    "tpu.region"() ({
      %run_scoped3A = tpu.sem_alloc : memref<!tpu.dma_semaphore, #tpu.memory_space<semaphore_mem>>
      %dma_start3A = arith.constant 0 : i32
      %dma_start3A_48 = tpu.memref_slice %arg7[%add3A_9, %dma_start3A] : memref<10008x16xf32, #tpu.memory_space<vmem_shared>> -> memref<112x16xf32, #tpu.memory_space<vmem_shared>>
      %dma_start3A_49 = arith.constant 0 : i32
      %dma_start3A_50 = arith.constant 0 : i32
      %dma_start3A_51 = tpu.memref_slice %arg3[%dma_start3A_49, %dma_start3A_50] : memref<256x16xf32, #tpu.memory_space<hbm>> -> memref<112x16xf32, #tpu.memory_space<hbm>>
      tpu.enqueue_dma source(%dma_start3A_51 : memref<112x16xf32, #tpu.memory_space<hbm>>) target(%dma_start3A_48 : memref<112x16xf32, #tpu.memory_space<vmem_shared>>) target_semaphore(%run_scoped3A : memref<!tpu.dma_semaphore, #tpu.memory_space<semaphore_mem>>)
      %dma_wait3A = arith.constant 0 : i32
      %dma_wait3A_52 = tpu.memref_slice %arg7[%add3A_9, %dma_wait3A] : memref<10008x16xf32, #tpu.memory_space<vmem_shared>> -> memref<112x16xf32, #tpu.memory_space<vmem_shared>>
      %dma_wait3A_53 = arith.constant 0 : i32
      %dma_wait3A_54 = arith.constant 0 : i32
      %dma_wait3A_55 = tpu.memref_slice %arg3[%dma_wait3A_53, %dma_wait3A_54] : memref<256x16xf32, #tpu.memory_space<hbm>> -> memref<112x16xf32, #tpu.memory_space<hbm>>
      tpu.wait_dma2 semaphore(%run_scoped3A : memref<!tpu.dma_semaphore, #tpu.memory_space<semaphore_mem>>) src(%dma_wait3A_55 : memref<112x16xf32, #tpu.memory_space<hbm>>) dst(%dma_wait3A_52 : memref<112x16xf32, #tpu.memory_space<vmem_shared>>)
      tpu.yield
    }) : () -> ()
    %eq3A = arith.constant 15 : i32
    %eq3A_10 = arith.cmpi eq, %arg1, %eq3A : i32
    %convert_element_type3A = arith.extui %eq3A_10 : i1 to i32
    %cond3A = arith.constant 0 : i32
    %cond3A_11 = arith.cmpi ne, %convert_element_type3A, %cond3A : i32
    scf.if %cond3A_11 {
      "tpu.region"() ({
        %run_scoped3A = tpu.sem_alloc : memref<!tpu.dma_semaphore, #tpu.memory_space<semaphore_mem>>
        %dma_start3A = arith.constant 9984 : i32
        %dma_start3A_48 = arith.constant 0 : i32
        %dma_start3A_49 = tpu.memref_slice %arg7[%dma_start3A, %dma_start3A_48] : memref<10008x16xf32, #tpu.memory_space<vmem_shared>> -> memref<24x16xf32, #tpu.memory_space<vmem_shared>>
        %dma_start3A_50 = arith.constant 0 : i32
        %dma_start3A_51 = arith.constant 0 : i32
        %dma_start3A_52 = tpu.memref_slice %arg3[%dma_start3A_50, %dma_start3A_51] : memref<256x16xf32, #tpu.memory_space<hbm>> -> memref<24x16xf32, #tpu.memory_space<hbm>>
        tpu.enqueue_dma source(%dma_start3A_52 : memref<24x16xf32, #tpu.memory_space<hbm>>) target(%dma_start3A_49 : memref<24x16xf32, #tpu.memory_space<vmem_shared>>) target_semaphore(%run_scoped3A : memref<!tpu.dma_semaphore, #tpu.memory_space<semaphore_mem>>)
        %dma_wait3A = arith.constant 9984 : i32
        %dma_wait3A_53 = arith.constant 0 : i32
        %dma_wait3A_54 = tpu.memref_slice %arg7[%dma_wait3A, %dma_wait3A_53] : memref<10008x16xf32, #tpu.memory_space<vmem_shared>> -> memref<24x16xf32, #tpu.memory_space<vmem_shared>>
        %dma_wait3A_55 = arith.constant 0 : i32
        %dma_wait3A_56 = arith.constant 0 : i32
        %dma_wait3A_57 = tpu.memref_slice %arg3[%dma_wait3A_55, %dma_wait3A_56] : memref<256x16xf32, #tpu.memory_space<hbm>> -> memref<24x16xf32, #tpu.memory_space<hbm>>
        tpu.wait_dma2 semaphore(%run_scoped3A : memref<!tpu.dma_semaphore, #tpu.memory_space<semaphore_mem>>) src(%dma_wait3A_57 : memref<24x16xf32, #tpu.memory_space<hbm>>) dst(%dma_wait3A_54 : memref<24x16xf32, #tpu.memory_space<vmem_shared>>)
        tpu.yield
      }) : () -> ()
    } else {
    }
    "tpu.region"() ({
      %run_scoped3A = tpu.sem_alloc : memref<!tpu.dma_semaphore, #tpu.memory_space<semaphore_mem>>
      %dma_start3A = arith.constant 128 : i32
      %dma_start3A_48 = arith.constant 0 : i32
      %dma_start3A_49 = tpu.memref_slice %arg3[%dma_start3A, %dma_start3A_48] : memref<256x16xf32, #tpu.memory_space<hbm>> -> memref<128x16xf32, #tpu.memory_space<hbm>>
      %dma_start3A_50 = arith.constant 128 : i32
      %dma_start3A_51 = arith.constant 0 : i32
      %dma_start3A_52 = tpu.memref_slice %arg3[%dma_start3A_50, %dma_start3A_51] : memref<256x16xf32, #tpu.memory_space<hbm>> -> memref<128x16xf32, #tpu.memory_space<hbm>>
      tpu.enqueue_dma source(%dma_start3A_52 : memref<128x16xf32, #tpu.memory_space<hbm>>) target(%arg6 : memref<128x16xf32, #tpu.memory_space<vmem>>) target_semaphore(%run_scoped3A : memref<!tpu.dma_semaphore, #tpu.memory_space<semaphore_mem>>)
      %dma_wait3A = arith.constant 128 : i32
      %dma_wait3A_53 = arith.constant 0 : i32
      %dma_wait3A_54 = tpu.memref_slice %arg3[%dma_wait3A, %dma_wait3A_53] : memref<256x16xf32, #tpu.memory_space<hbm>> -> memref<128x16xf32, #tpu.memory_space<hbm>>
      %dma_wait3A_55 = arith.constant 128 : i32
      %dma_wait3A_56 = arith.constant 0 : i32
      %dma_wait3A_57 = tpu.memref_slice %arg3[%dma_wait3A_55, %dma_wait3A_56] : memref<256x16xf32, #tpu.memory_space<hbm>> -> memref<128x16xf32, #tpu.memory_space<hbm>>
      tpu.wait_dma2 semaphore(%run_scoped3A : memref<!tpu.dma_semaphore, #tpu.memory_space<semaphore_mem>>) src(%dma_wait3A_57 : memref<128x16xf32, #tpu.memory_space<hbm>>) dst(%arg6 : memref<128x16xf32, #tpu.memory_space<vmem>>)
      tpu.yield
    }) : () -> ()
    %mul3A_12 = arith.constant 16 : i32
    %mul3A_13 = arith.muli %arg0, %mul3A_12 : i32
    %add3A_14 = arith.addi %mul3A_13, %arg1 : i32
    %mul3A_15 = arith.constant 80 : i32
    %mul3A_16 = arith.muli %add3A_14, %mul3A_15 : i32
    "tpu.region"() ({
      %run_scoped3A = tpu.sem_alloc : memref<!tpu.dma_semaphore, #tpu.memory_space<semaphore_mem>>
      %dma_start3A = arith.constant 0 : i32
      %dma_start3A_48 = tpu.memref_slice %arg2[%mul3A_16, %dma_start3A] : memref<2560x128xi32, #tpu.memory_space<hbm>> -> memref<80x128xi32, #tpu.memory_space<hbm>>
      %dma_start3A_49 = arith.constant 0 : i32
      %dma_start3A_50 = tpu.memref_slice %arg2[%mul3A_16, %dma_start3A_49] : memref<2560x128xi32, #tpu.memory_space<hbm>> -> memref<80x128xi32, #tpu.memory_space<hbm>>
      tpu.enqueue_dma source(%dma_start3A_50 : memref<80x128xi32, #tpu.memory_space<hbm>>) target(%arg5 : memref<80x128xi32, #tpu.memory_space<vmem>>) target_semaphore(%run_scoped3A : memref<!tpu.dma_semaphore, #tpu.memory_space<semaphore_mem>>)
      %dma_wait3A = arith.constant 0 : i32
      %dma_wait3A_51 = tpu.memref_slice %arg2[%mul3A_16, %dma_wait3A] : memref<2560x128xi32, #tpu.memory_space<hbm>> -> memref<80x128xi32, #tpu.memory_space<hbm>>
      %dma_wait3A_52 = arith.constant 0 : i32
      %dma_wait3A_53 = tpu.memref_slice %arg2[%mul3A_16, %dma_wait3A_52] : memref<2560x128xi32, #tpu.memory_space<hbm>> -> memref<80x128xi32, #tpu.memory_space<hbm>>
      tpu.wait_dma2 semaphore(%run_scoped3A : memref<!tpu.dma_semaphore, #tpu.memory_space<semaphore_mem>>) src(%dma_wait3A_53 : memref<80x128xi32, #tpu.memory_space<hbm>>) dst(%arg5 : memref<80x128xi32, #tpu.memory_space<vmem>>)
      tpu.yield
    }) : () -> ()
    %barrier3A = arith.constant 0 : index
    tpu.barrier barrier_id(%barrier3A)
    %scan3A = arith.constant 0 : i32
    %scan3A_17 = arith.constant 0 : i32
    %scan3A_18 = arith.constant 80 : i32
    %scan3A_19 = arith.addi %scan3A_17, %scan3A_18 : i32
    %scan3A_20 = arith.constant 1 : i32
    scf.for %scan3A_48 = %scan3A_17 to %scan3A_19 step %scan3A_20  : i32 {
      "tpu.region"() ({
        %run_scoped3A = tpu.sem_alloc : memref<!tpu.dma_semaphore, #tpu.memory_space<semaphore_mem>>
        %dma_start3A = arith.constant 0 : i32
        %dma_start3A_49 = tpu.memref_slice %arg5[%scan3A_48, %dma_start3A] : memref<80x128xi32, #tpu.memory_space<vmem>> -> memref<1x128xi32, #tpu.memory_space<vmem>>
        %dma_start3A_50 = tpu.memref_squeeze %dma_start3A_49 : memref<1x128xi32, #tpu.memory_space<vmem>> -> memref<128xi32, #tpu.memory_space<vmem>>
        %dma_start3A_51 = arith.constant 0 : i32
        %dma_start3A_52 = arith.constant 0 : i32
        %dma_start3A_53 = tpu.memref_slice %arg7[%dma_start3A_51, %dma_start3A_52] : memref<10008x16xf32, #tpu.memory_space<vmem_shared>> -> memref<10008x16xf32, #tpu.memory_space<vmem_shared>>
        tpu.enqueue_indirect_dma source(%arg6 : memref<128x16xf32, #tpu.memory_space<vmem>>) target(%dma_start3A_53 : memref<10008x16xf32, #tpu.memory_space<vmem_shared>>) offsets(%dma_start3A_50 : memref<128xi32, #tpu.memory_space<vmem>>) semaphore(%run_scoped3A : memref<!tpu.dma_semaphore, #tpu.memory_space<semaphore_mem>>) {add = true}
        %dma_wait3A = arith.constant 0 : i32
        %dma_wait3A_54 = tpu.memref_slice %arg5[%scan3A_48, %dma_wait3A] : memref<80x128xi32, #tpu.memory_space<vmem>> -> memref<1x128xi32, #tpu.memory_space<vmem>>
        %dma_wait3A_55 = tpu.memref_squeeze %dma_wait3A_54 : memref<1x128xi32, #tpu.memory_space<vmem>> -> memref<128xi32, #tpu.memory_space<vmem>>
        %dma_wait3A_56 = arith.constant 0 : i32
        %dma_wait3A_57 = arith.constant 0 : i32
        %dma_wait3A_58 = tpu.memref_slice %arg7[%dma_wait3A_56, %dma_wait3A_57] : memref<10008x16xf32, #tpu.memory_space<vmem_shared>> -> memref<10008x16xf32, #tpu.memory_space<vmem_shared>>
        tpu.wait_indirect_dma semaphore(%run_scoped3A : memref<!tpu.dma_semaphore, #tpu.memory_space<semaphore_mem>>) src(%arg6 : memref<128x16xf32, #tpu.memory_space<vmem>>) dst(%dma_wait3A_58 : memref<10008x16xf32, #tpu.memory_space<vmem_shared>>)
        tpu.yield
      }) : () -> ()
    }
    %scan3A_21 = arith.constant 80 : i32
    %barrier3A_22 = arith.constant 0 : index
    tpu.barrier barrier_id(%barrier3A_22)
    %add3A_23 = arith.constant 0 : i32
    %add3A_24 = arith.addi %mul3A_0, %add3A_23 : i32
    %add3A_25 = arith.constant 0 : i32
    %add3A_26 = arith.addi %mul3A_0, %add3A_25 : i32
    "tpu.region"() ({
      %run_scoped3A = tpu.sem_alloc : memref<!tpu.dma_semaphore, #tpu.memory_space<semaphore_mem>>
      %dma_start3A = arith.constant 0 : i32
      %dma_start3A_48 = tpu.memref_slice %arg4[%arg0, %add3A_26, %dma_start3A] : memref<2x10000x16xf32, #tpu.memory_space<hbm>> -> memref<1x128x16xf32, #tpu.memory_space<hbm>>
      %dma_start3A_49 = tpu.memref_squeeze %dma_start3A_48 : memref<1x128x16xf32, #tpu.memory_space<hbm>> -> memref<128x16xf32, #tpu.memory_space<hbm>>
      %dma_start3A_50 = arith.constant 0 : i32
      %dma_start3A_51 = tpu.memref_slice %arg7[%add3A_24, %dma_start3A_50] : memref<10008x16xf32, #tpu.memory_space<vmem_shared>> -> memref<128x16xf32, #tpu.memory_space<vmem_shared>>
      tpu.enqueue_dma source(%dma_start3A_51 : memref<128x16xf32, #tpu.memory_space<vmem_shared>>) target(%dma_start3A_49 : memref<128x16xf32, #tpu.memory_space<hbm>>) target_semaphore(%run_scoped3A : memref<!tpu.dma_semaphore, #tpu.memory_space<semaphore_mem>>)
      %dma_wait3A = arith.constant 0 : i32
      %dma_wait3A_52 = tpu.memref_slice %arg4[%arg0, %add3A_26, %dma_wait3A] : memref<2x10000x16xf32, #tpu.memory_space<hbm>> -> memref<1x128x16xf32, #tpu.memory_space<hbm>>
      %dma_wait3A_53 = tpu.memref_squeeze %dma_wait3A_52 : memref<1x128x16xf32, #tpu.memory_space<hbm>> -> memref<128x16xf32, #tpu.memory_space<hbm>>
      %dma_wait3A_54 = arith.constant 0 : i32
      %dma_wait3A_55 = tpu.memref_slice %arg7[%add3A_24, %dma_wait3A_54] : memref<10008x16xf32, #tpu.memory_space<vmem_shared>> -> memref<128x16xf32, #tpu.memory_space<vmem_shared>>
      tpu.wait_dma2 semaphore(%run_scoped3A : memref<!tpu.dma_semaphore, #tpu.memory_space<semaphore_mem>>) src(%dma_wait3A_55 : memref<128x16xf32, #tpu.memory_space<vmem_shared>>) dst(%dma_wait3A_53 : memref<128x16xf32, #tpu.memory_space<hbm>>)
      tpu.yield
    }) : () -> ()
    %add3A_27 = arith.constant 128 : i32
    %add3A_28 = arith.addi %mul3A_0, %add3A_27 : i32
    %add3A_29 = arith.constant 128 : i32
    %add3A_30 = arith.addi %mul3A_0, %add3A_29 : i32
    "tpu.region"() ({
      %run_scoped3A = tpu.sem_alloc : memref<!tpu.dma_semaphore, #tpu.memory_space<semaphore_mem>>
      %dma_start3A = arith.constant 0 : i32
      %dma_start3A_48 = tpu.memref_slice %arg4[%arg0, %add3A_30, %dma_start3A] : memref<2x10000x16xf32, #tpu.memory_space<hbm>> -> memref<1x128x16xf32, #tpu.memory_space<hbm>>
      %dma_start3A_49 = tpu.memref_squeeze %dma_start3A_48 : memref<1x128x16xf32, #tpu.memory_space<hbm>> -> memref<128x16xf32, #tpu.memory_space<hbm>>
      %dma_start3A_50 = arith.constant 0 : i32
      %dma_start3A_51 = tpu.memref_slice %arg7[%add3A_28, %dma_start3A_50] : memref<10008x16xf32, #tpu.memory_space<vmem_shared>> -> memref<128x16xf32, #tpu.memory_space<vmem_shared>>
      tpu.enqueue_dma source(%dma_start3A_51 : memref<128x16xf32, #tpu.memory_space<vmem_shared>>) target(%dma_start3A_49 : memref<128x16xf32, #tpu.memory_space<hbm>>) target_semaphore(%run_scoped3A : memref<!tpu.dma_semaphore, #tpu.memory_space<semaphore_mem>>)
      %dma_wait3A = arith.constant 0 : i32
      %dma_wait3A_52 = tpu.memref_slice %arg4[%arg0, %add3A_30, %dma_wait3A] : memref<2x10000x16xf32, #tpu.memory_space<hbm>> -> memref<1x128x16xf32, #tpu.memory_space<hbm>>
      %dma_wait3A_53 = tpu.memref_squeeze %dma_wait3A_52 : memref<1x128x16xf32, #tpu.memory_space<hbm>> -> memref<128x16xf32, #tpu.memory_space<hbm>>
      %dma_wait3A_54 = arith.constant 0 : i32
      %dma_wait3A_55 = tpu.memref_slice %arg7[%add3A_28, %dma_wait3A_54] : memref<10008x16xf32, #tpu.memory_space<vmem_shared>> -> memref<128x16xf32, #tpu.memory_space<vmem_shared>>
      tpu.wait_dma2 semaphore(%run_scoped3A : memref<!tpu.dma_semaphore, #tpu.memory_space<semaphore_mem>>) src(%dma_wait3A_55 : memref<128x16xf32, #tpu.memory_space<vmem_shared>>) dst(%dma_wait3A_53 : memref<128x16xf32, #tpu.memory_space<hbm>>)
      tpu.yield
    }) : () -> ()
    %add3A_31 = arith.constant 256 : i32
    %add3A_32 = arith.addi %mul3A_0, %add3A_31 : i32
    %add3A_33 = arith.constant 256 : i32
    %add3A_34 = arith.addi %mul3A_0, %add3A_33 : i32
    "tpu.region"() ({
      %run_scoped3A = tpu.sem_alloc : memref<!tpu.dma_semaphore, #tpu.memory_space<semaphore_mem>>
      %dma_start3A = arith.constant 0 : i32
      %dma_start3A_48 = tpu.memref_slice %arg4[%arg0, %add3A_34, %dma_start3A] : memref<2x10000x16xf32, #tpu.memory_space<hbm>> -> memref<1x128x16xf32, #tpu.memory_space<hbm>>
      %dma_start3A_49 = tpu.memref_squeeze %dma_start3A_48 : memref<1x128x16xf32, #tpu.memory_space<hbm>> -> memref<128x16xf32, #tpu.memory_space<hbm>>
      %dma_start3A_50 = arith.constant 0 : i32
      %dma_start3A_51 = tpu.memref_slice %arg7[%add3A_32, %dma_start3A_50] : memref<10008x16xf32, #tpu.memory_space<vmem_shared>> -> memref<128x16xf32, #tpu.memory_space<vmem_shared>>
      tpu.enqueue_dma source(%dma_start3A_51 : memref<128x16xf32, #tpu.memory_space<vmem_shared>>) target(%dma_start3A_49 : memref<128x16xf32, #tpu.memory_space<hbm>>) target_semaphore(%run_scoped3A : memref<!tpu.dma_semaphore, #tpu.memory_space<semaphore_mem>>)
      %dma_wait3A = arith.constant 0 : i32
      %dma_wait3A_52 = tpu.memref_slice %arg4[%arg0, %add3A_34, %dma_wait3A] : memref<2x10000x16xf32, #tpu.memory_space<hbm>> -> memref<1x128x16xf32, #tpu.memory_space<hbm>>
      %dma_wait3A_53 = tpu.memref_squeeze %dma_wait3A_52 : memref<1x128x16xf32, #tpu.memory_space<hbm>> -> memref<128x16xf32, #tpu.memory_space<hbm>>
      %dma_wait3A_54 = arith.constant 0 : i32
      %dma_wait3A_55 = tpu.memref_slice %arg7[%add3A_32, %dma_wait3A_54] : memref<10008x16xf32, #tpu.memory_space<vmem_shared>> -> memref<128x16xf32, #tpu.memory_space<vmem_shared>>
      tpu.wait_dma2 semaphore(%run_scoped3A : memref<!tpu.dma_semaphore, #tpu.memory_space<semaphore_mem>>) src(%dma_wait3A_55 : memref<128x16xf32, #tpu.memory_space<vmem_shared>>) dst(%dma_wait3A_53 : memref<128x16xf32, #tpu.memory_space<hbm>>)
      tpu.yield
    }) : () -> ()
    %add3A_35 = arith.constant 384 : i32
    %add3A_36 = arith.addi %mul3A_0, %add3A_35 : i32
    %add3A_37 = arith.constant 384 : i32
    %add3A_38 = arith.addi %mul3A_0, %add3A_37 : i32
    "tpu.region"() ({
      %run_scoped3A = tpu.sem_alloc : memref<!tpu.dma_semaphore, #tpu.memory_space<semaphore_mem>>
      %dma_start3A = arith.constant 0 : i32
      %dma_start3A_48 = tpu.memref_slice %arg4[%arg0, %add3A_38, %dma_start3A] : memref<2x10000x16xf32, #tpu.memory_space<hbm>> -> memref<1x128x16xf32, #tpu.memory_space<hbm>>
      %dma_start3A_49 = tpu.memref_squeeze %dma_start3A_48 : memref<1x128x16xf32, #tpu.memory_space<hbm>> -> memref<128x16xf32, #tpu.memory_space<hbm>>
      %dma_start3A_50 = arith.constant 0 : i32
      %dma_start3A_51 = tpu.memref_slice %arg7[%add3A_36, %dma_start3A_50] : memref<10008x16xf32, #tpu.memory_space<vmem_shared>> -> memref<128x16xf32, #tpu.memory_space<vmem_shared>>
      tpu.enqueue_dma source(%dma_start3A_51 : memref<128x16xf32, #tpu.memory_space<vmem_shared>>) target(%dma_start3A_49 : memref<128x16xf32, #tpu.memory_space<hbm>>) target_semaphore(%run_scoped3A : memref<!tpu.dma_semaphore, #tpu.memory_space<semaphore_mem>>)
      %dma_wait3A = arith.constant 0 : i32
      %dma_wait3A_52 = tpu.memref_slice %arg4[%arg0, %add3A_38, %dma_wait3A] : memref<2x10000x16xf32, #tpu.memory_space<hbm>> -> memref<1x128x16xf32, #tpu.memory_space<hbm>>
      %dma_wait3A_53 = tpu.memref_squeeze %dma_wait3A_52 : memref<1x128x16xf32, #tpu.memory_space<hbm>> -> memref<128x16xf32, #tpu.memory_space<hbm>>
      %dma_wait3A_54 = arith.constant 0 : i32
      %dma_wait3A_55 = tpu.memref_slice %arg7[%add3A_36, %dma_wait3A_54] : memref<10008x16xf32, #tpu.memory_space<vmem_shared>> -> memref<128x16xf32, #tpu.memory_space<vmem_shared>>
      tpu.wait_dma2 semaphore(%run_scoped3A : memref<!tpu.dma_semaphore, #tpu.memory_space<semaphore_mem>>) src(%dma_wait3A_55 : memref<128x16xf32, #tpu.memory_space<vmem_shared>>) dst(%dma_wait3A_53 : memref<128x16xf32, #tpu.memory_space<hbm>>)
      tpu.yield
    }) : () -> ()
    %add3A_39 = arith.constant 512 : i32
    %add3A_40 = arith.addi %mul3A_0, %add3A_39 : i32
    %add3A_41 = arith.constant 512 : i32
    %add3A_42 = arith.addi %mul3A_0, %add3A_41 : i32
    "tpu.region"() ({
      %run_scoped3A = tpu.sem_alloc : memref<!tpu.dma_semaphore, #tpu.memory_space<semaphore_mem>>
      %dma_start3A = arith.constant 0 : i32
      %dma_start3A_48 = tpu.memref_slice %arg4[%arg0, %add3A_42, %dma_start3A] : memref<2x10000x16xf32, #tpu.memory_space<hbm>> -> memref<1x112x16xf32, #tpu.memory_space<hbm>>
      %dma_start3A_49 = tpu.memref_squeeze %dma_start3A_48 : memref<1x112x16xf32, #tpu.memory_space<hbm>> -> memref<112x16xf32, #tpu.memory_space<hbm>>
      %dma_start3A_50 = arith.constant 0 : i32
      %dma_start3A_51 = tpu.memref_slice %arg7[%add3A_40, %dma_start3A_50] : memref<10008x16xf32, #tpu.memory_space<vmem_shared>> -> memref<112x16xf32, #tpu.memory_space<vmem_shared>>
      tpu.enqueue_dma source(%dma_start3A_51 : memref<112x16xf32, #tpu.memory_space<vmem_shared>>) target(%dma_start3A_49 : memref<112x16xf32, #tpu.memory_space<hbm>>) target_semaphore(%run_scoped3A : memref<!tpu.dma_semaphore, #tpu.memory_space<semaphore_mem>>)
      %dma_wait3A = arith.constant 0 : i32
      %dma_wait3A_52 = tpu.memref_slice %arg4[%arg0, %add3A_42, %dma_wait3A] : memref<2x10000x16xf32, #tpu.memory_space<hbm>> -> memref<1x112x16xf32, #tpu.memory_space<hbm>>
      %dma_wait3A_53 = tpu.memref_squeeze %dma_wait3A_52 : memref<1x112x16xf32, #tpu.memory_space<hbm>> -> memref<112x16xf32, #tpu.memory_space<hbm>>
      %dma_wait3A_54 = arith.constant 0 : i32
      %dma_wait3A_55 = tpu.memref_slice %arg7[%add3A_40, %dma_wait3A_54] : memref<10008x16xf32, #tpu.memory_space<vmem_shared>> -> memref<112x16xf32, #tpu.memory_space<vmem_shared>>
      tpu.wait_dma2 semaphore(%run_scoped3A : memref<!tpu.dma_semaphore, #tpu.memory_space<semaphore_mem>>) src(%dma_wait3A_55 : memref<112x16xf32, #tpu.memory_space<vmem_shared>>) dst(%dma_wait3A_53 : memref<112x16xf32, #tpu.memory_space<hbm>>)
      tpu.yield
    }) : () -> ()
    %eq3A_43 = arith.constant 15 : i32
    %eq3A_44 = arith.cmpi eq, %arg1, %eq3A_43 : i32
    %convert_element_type3A_45 = arith.extui %eq3A_44 : i1 to i32
    %cond3A_46 = arith.constant 0 : i32
    %cond3A_47 = arith.cmpi ne, %convert_element_type3A_45, %cond3A_46 : i32
    scf.if %cond3A_47 {
      "tpu.region"() ({
        %run_scoped3A = tpu.sem_alloc : memref<!tpu.dma_semaphore, #tpu.memory_space<semaphore_mem>>
        %dma_start3A = arith.constant 9984 : i32
        %dma_start3A_48 = arith.constant 0 : i32
        %dma_start3A_49 = tpu.memref_slice %arg4[%arg0, %dma_start3A, %dma_start3A_48] : memref<2x10000x16xf32, #tpu.memory_space<hbm>> -> memref<1x16x16xf32, #tpu.memory_space<hbm>>
        %dma_start3A_50 = tpu.memref_squeeze %dma_start3A_49 : memref<1x16x16xf32, #tpu.memory_space<hbm>> -> memref<16x16xf32, #tpu.memory_space<hbm>>
        %dma_start3A_51 = arith.constant 9984 : i32
        %dma_start3A_52 = arith.constant 0 : i32
        %dma_start3A_53 = tpu.memref_slice %arg7[%dma_start3A_51, %dma_start3A_52] : memref<10008x16xf32, #tpu.memory_space<vmem_shared>> -> memref<16x16xf32, #tpu.memory_space<vmem_shared>>
        tpu.enqueue_dma source(%dma_start3A_53 : memref<16x16xf32, #tpu.memory_space<vmem_shared>>) target(%dma_start3A_50 : memref<16x16xf32, #tpu.memory_space<hbm>>) target_semaphore(%run_scoped3A : memref<!tpu.dma_semaphore, #tpu.memory_space<semaphore_mem>>)
        %dma_wait3A = arith.constant 9984 : i32
        %dma_wait3A_54 = arith.constant 0 : i32
        %dma_wait3A_55 = tpu.memref_slice %arg4[%arg0, %dma_wait3A, %dma_wait3A_54] : memref<2x10000x16xf32, #tpu.memory_space<hbm>> -> memref<1x16x16xf32, #tpu.memory_space<hbm>>
        %dma_wait3A_56 = tpu.memref_squeeze %dma_wait3A_55 : memref<1x16x16xf32, #tpu.memory_space<hbm>> -> memref<16x16xf32, #tpu.memory_space<hbm>>
        %dma_wait3A_57 = arith.constant 9984 : i32
        %dma_wait3A_58 = arith.constant 0 : i32
        %dma_wait3A_59 = tpu.memref_slice %arg7[%dma_wait3A_57, %dma_wait3A_58] : memref<10008x16xf32, #tpu.memory_space<vmem_shared>> -> memref<16x16xf32, #tpu.memory_space<vmem_shared>>
        tpu.wait_dma2 semaphore(%run_scoped3A : memref<!tpu.dma_semaphore, #tpu.memory_space<semaphore_mem>>) src(%dma_wait3A_59 : memref<16x16xf32, #tpu.memory_space<vmem_shared>>) dst(%dma_wait3A_56 : memref<16x16xf32, #tpu.memory_space<hbm>>)
        tpu.yield
      }) : () -> ()
    } else {
    }
    return
  }
}

#map = affine_map<(d0, d1) -> (0, 0)>
#map1 = affine_map<(d0, d1) -> (0, 0, 0, 0)>
#map2 = affine_map<(d0, d1) -> (0, 0, 0)>
module attributes {stable_mosaic.version = 14 : i64} {
  func.func @agg(%arg0: i32, %arg1: i32, %arg2: memref<20000x128xf32, #tpu.memory_space<hbm>>, %arg3: memref<2x2560x2x128xi32, #tpu.memory_space<hbm>>, %arg4: memref<128x128xf32, #tpu.memory_space<hbm>>, %arg5: memref<2x10000x128xf32, #tpu.memory_space<hbm>>, %arg6: memref<40x2x128xi32, #tpu.memory_space<vmem>>, %arg7: memref<128x128xf32, #tpu.memory_space<vmem>>, %arg8: memref<128x128xf32, #tpu.memory_space<vmem>>, %arg9: memref<10008x128xf32, #tpu.memory_space<vmem_shared>>, %arg10: memref<!tpu.dma_semaphore, #tpu.memory_space<semaphore_mem>>, %arg11: memref<!tpu.dma_semaphore, #tpu.memory_space<semaphore_mem>>) attributes {dimension_semantics = [#tpu.dimension_semantics<core_parallel>, #tpu.dimension_semantics<subcore_parallel>], iteration_bounds = array<i64: 2, 16>, scalar_prefetch = 0 : i64, scratch_operands = 6 : i64, tpu.core_type = #tpu.core_type<sc_vector_subcore>, window_params = [{transform_indices = #map}, {transform_indices = #map1}, {transform_indices = #map}, {transform_indices = #map2}]} {
    %mul3A = arith.constant 624 : i32
    %mul3A_0 = arith.muli %arg1, %mul3A : i32
    %add3A = arith.constant 0 : i32
    %add3A_1 = arith.addi %mul3A_0, %add3A : i32
    "tpu.region"() ({
      %run_scoped3A = tpu.sem_alloc : memref<!tpu.dma_semaphore, #tpu.memory_space<semaphore_mem>>
      %dma_start3A = arith.constant 0 : i32
      %dma_start3A_43 = tpu.memref_slice %arg9[%add3A_1, %dma_start3A] : memref<10008x128xf32, #tpu.memory_space<vmem_shared>> -> memref<128x128xf32, #tpu.memory_space<vmem_shared>>
      %dma_start3A_44 = arith.constant 0 : i32
      %dma_start3A_45 = arith.constant 0 : i32
      %dma_start3A_46 = tpu.memref_slice %arg4[%dma_start3A_44, %dma_start3A_45] : memref<128x128xf32, #tpu.memory_space<hbm>> -> memref<128x128xf32, #tpu.memory_space<hbm>>
      tpu.enqueue_dma source(%dma_start3A_46 : memref<128x128xf32, #tpu.memory_space<hbm>>) target(%dma_start3A_43 : memref<128x128xf32, #tpu.memory_space<vmem_shared>>) target_semaphore(%run_scoped3A : memref<!tpu.dma_semaphore, #tpu.memory_space<semaphore_mem>>)
      %dma_wait3A = arith.constant 0 : i32
      %dma_wait3A_47 = tpu.memref_slice %arg9[%add3A_1, %dma_wait3A] : memref<10008x128xf32, #tpu.memory_space<vmem_shared>> -> memref<128x128xf32, #tpu.memory_space<vmem_shared>>
      %dma_wait3A_48 = arith.constant 0 : i32
      %dma_wait3A_49 = arith.constant 0 : i32
      %dma_wait3A_50 = tpu.memref_slice %arg4[%dma_wait3A_48, %dma_wait3A_49] : memref<128x128xf32, #tpu.memory_space<hbm>> -> memref<128x128xf32, #tpu.memory_space<hbm>>
      tpu.wait_dma2 semaphore(%run_scoped3A : memref<!tpu.dma_semaphore, #tpu.memory_space<semaphore_mem>>) src(%dma_wait3A_50 : memref<128x128xf32, #tpu.memory_space<hbm>>) dst(%dma_wait3A_47 : memref<128x128xf32, #tpu.memory_space<vmem_shared>>)
      tpu.yield
    }) : () -> ()
    %add3A_2 = arith.constant 128 : i32
    %add3A_3 = arith.addi %mul3A_0, %add3A_2 : i32
    "tpu.region"() ({
      %run_scoped3A = tpu.sem_alloc : memref<!tpu.dma_semaphore, #tpu.memory_space<semaphore_mem>>
      %dma_start3A = arith.constant 0 : i32
      %dma_start3A_43 = tpu.memref_slice %arg9[%add3A_3, %dma_start3A] : memref<10008x128xf32, #tpu.memory_space<vmem_shared>> -> memref<128x128xf32, #tpu.memory_space<vmem_shared>>
      %dma_start3A_44 = arith.constant 0 : i32
      %dma_start3A_45 = arith.constant 0 : i32
      %dma_start3A_46 = tpu.memref_slice %arg4[%dma_start3A_44, %dma_start3A_45] : memref<128x128xf32, #tpu.memory_space<hbm>> -> memref<128x128xf32, #tpu.memory_space<hbm>>
      tpu.enqueue_dma source(%dma_start3A_46 : memref<128x128xf32, #tpu.memory_space<hbm>>) target(%dma_start3A_43 : memref<128x128xf32, #tpu.memory_space<vmem_shared>>) target_semaphore(%run_scoped3A : memref<!tpu.dma_semaphore, #tpu.memory_space<semaphore_mem>>)
      %dma_wait3A = arith.constant 0 : i32
      %dma_wait3A_47 = tpu.memref_slice %arg9[%add3A_3, %dma_wait3A] : memref<10008x128xf32, #tpu.memory_space<vmem_shared>> -> memref<128x128xf32, #tpu.memory_space<vmem_shared>>
      %dma_wait3A_48 = arith.constant 0 : i32
      %dma_wait3A_49 = arith.constant 0 : i32
      %dma_wait3A_50 = tpu.memref_slice %arg4[%dma_wait3A_48, %dma_wait3A_49] : memref<128x128xf32, #tpu.memory_space<hbm>> -> memref<128x128xf32, #tpu.memory_space<hbm>>
      tpu.wait_dma2 semaphore(%run_scoped3A : memref<!tpu.dma_semaphore, #tpu.memory_space<semaphore_mem>>) src(%dma_wait3A_50 : memref<128x128xf32, #tpu.memory_space<hbm>>) dst(%dma_wait3A_47 : memref<128x128xf32, #tpu.memory_space<vmem_shared>>)
      tpu.yield
    }) : () -> ()
    %add3A_4 = arith.constant 256 : i32
    %add3A_5 = arith.addi %mul3A_0, %add3A_4 : i32
    "tpu.region"() ({
      %run_scoped3A = tpu.sem_alloc : memref<!tpu.dma_semaphore, #tpu.memory_space<semaphore_mem>>
      %dma_start3A = arith.constant 0 : i32
      %dma_start3A_43 = tpu.memref_slice %arg9[%add3A_5, %dma_start3A] : memref<10008x128xf32, #tpu.memory_space<vmem_shared>> -> memref<128x128xf32, #tpu.memory_space<vmem_shared>>
      %dma_start3A_44 = arith.constant 0 : i32
      %dma_start3A_45 = arith.constant 0 : i32
      %dma_start3A_46 = tpu.memref_slice %arg4[%dma_start3A_44, %dma_start3A_45] : memref<128x128xf32, #tpu.memory_space<hbm>> -> memref<128x128xf32, #tpu.memory_space<hbm>>
      tpu.enqueue_dma source(%dma_start3A_46 : memref<128x128xf32, #tpu.memory_space<hbm>>) target(%dma_start3A_43 : memref<128x128xf32, #tpu.memory_space<vmem_shared>>) target_semaphore(%run_scoped3A : memref<!tpu.dma_semaphore, #tpu.memory_space<semaphore_mem>>)
      %dma_wait3A = arith.constant 0 : i32
      %dma_wait3A_47 = tpu.memref_slice %arg9[%add3A_5, %dma_wait3A] : memref<10008x128xf32, #tpu.memory_space<vmem_shared>> -> memref<128x128xf32, #tpu.memory_space<vmem_shared>>
      %dma_wait3A_48 = arith.constant 0 : i32
      %dma_wait3A_49 = arith.constant 0 : i32
      %dma_wait3A_50 = tpu.memref_slice %arg4[%dma_wait3A_48, %dma_wait3A_49] : memref<128x128xf32, #tpu.memory_space<hbm>> -> memref<128x128xf32, #tpu.memory_space<hbm>>
      tpu.wait_dma2 semaphore(%run_scoped3A : memref<!tpu.dma_semaphore, #tpu.memory_space<semaphore_mem>>) src(%dma_wait3A_50 : memref<128x128xf32, #tpu.memory_space<hbm>>) dst(%dma_wait3A_47 : memref<128x128xf32, #tpu.memory_space<vmem_shared>>)
      tpu.yield
    }) : () -> ()
    %add3A_6 = arith.constant 384 : i32
    %add3A_7 = arith.addi %mul3A_0, %add3A_6 : i32
    "tpu.region"() ({
      %run_scoped3A = tpu.sem_alloc : memref<!tpu.dma_semaphore, #tpu.memory_space<semaphore_mem>>
      %dma_start3A = arith.constant 0 : i32
      %dma_start3A_43 = tpu.memref_slice %arg9[%add3A_7, %dma_start3A] : memref<10008x128xf32, #tpu.memory_space<vmem_shared>> -> memref<128x128xf32, #tpu.memory_space<vmem_shared>>
      %dma_start3A_44 = arith.constant 0 : i32
      %dma_start3A_45 = arith.constant 0 : i32
      %dma_start3A_46 = tpu.memref_slice %arg4[%dma_start3A_44, %dma_start3A_45] : memref<128x128xf32, #tpu.memory_space<hbm>> -> memref<128x128xf32, #tpu.memory_space<hbm>>
      tpu.enqueue_dma source(%dma_start3A_46 : memref<128x128xf32, #tpu.memory_space<hbm>>) target(%dma_start3A_43 : memref<128x128xf32, #tpu.memory_space<vmem_shared>>) target_semaphore(%run_scoped3A : memref<!tpu.dma_semaphore, #tpu.memory_space<semaphore_mem>>)
      %dma_wait3A = arith.constant 0 : i32
      %dma_wait3A_47 = tpu.memref_slice %arg9[%add3A_7, %dma_wait3A] : memref<10008x128xf32, #tpu.memory_space<vmem_shared>> -> memref<128x128xf32, #tpu.memory_space<vmem_shared>>
      %dma_wait3A_48 = arith.constant 0 : i32
      %dma_wait3A_49 = arith.constant 0 : i32
      %dma_wait3A_50 = tpu.memref_slice %arg4[%dma_wait3A_48, %dma_wait3A_49] : memref<128x128xf32, #tpu.memory_space<hbm>> -> memref<128x128xf32, #tpu.memory_space<hbm>>
      tpu.wait_dma2 semaphore(%run_scoped3A : memref<!tpu.dma_semaphore, #tpu.memory_space<semaphore_mem>>) src(%dma_wait3A_50 : memref<128x128xf32, #tpu.memory_space<hbm>>) dst(%dma_wait3A_47 : memref<128x128xf32, #tpu.memory_space<vmem_shared>>)
      tpu.yield
    }) : () -> ()
    %add3A_8 = arith.constant 512 : i32
    %add3A_9 = arith.addi %mul3A_0, %add3A_8 : i32
    "tpu.region"() ({
      %run_scoped3A = tpu.sem_alloc : memref<!tpu.dma_semaphore, #tpu.memory_space<semaphore_mem>>
      %dma_start3A = arith.constant 0 : i32
      %dma_start3A_43 = tpu.memref_slice %arg9[%add3A_9, %dma_start3A] : memref<10008x128xf32, #tpu.memory_space<vmem_shared>> -> memref<112x128xf32, #tpu.memory_space<vmem_shared>>
      %dma_start3A_44 = arith.constant 0 : i32
      %dma_start3A_45 = arith.constant 0 : i32
      %dma_start3A_46 = tpu.memref_slice %arg4[%dma_start3A_44, %dma_start3A_45] : memref<128x128xf32, #tpu.memory_space<hbm>> -> memref<112x128xf32, #tpu.memory_space<hbm>>
      tpu.enqueue_dma source(%dma_start3A_46 : memref<112x128xf32, #tpu.memory_space<hbm>>) target(%dma_start3A_43 : memref<112x128xf32, #tpu.memory_space<vmem_shared>>) target_semaphore(%run_scoped3A : memref<!tpu.dma_semaphore, #tpu.memory_space<semaphore_mem>>)
      %dma_wait3A = arith.constant 0 : i32
      %dma_wait3A_47 = tpu.memref_slice %arg9[%add3A_9, %dma_wait3A] : memref<10008x128xf32, #tpu.memory_space<vmem_shared>> -> memref<112x128xf32, #tpu.memory_space<vmem_shared>>
      %dma_wait3A_48 = arith.constant 0 : i32
      %dma_wait3A_49 = arith.constant 0 : i32
      %dma_wait3A_50 = tpu.memref_slice %arg4[%dma_wait3A_48, %dma_wait3A_49] : memref<128x128xf32, #tpu.memory_space<hbm>> -> memref<112x128xf32, #tpu.memory_space<hbm>>
      tpu.wait_dma2 semaphore(%run_scoped3A : memref<!tpu.dma_semaphore, #tpu.memory_space<semaphore_mem>>) src(%dma_wait3A_50 : memref<112x128xf32, #tpu.memory_space<hbm>>) dst(%dma_wait3A_47 : memref<112x128xf32, #tpu.memory_space<vmem_shared>>)
      tpu.yield
    }) : () -> ()
    %eq3A = arith.constant 15 : i32
    %eq3A_10 = arith.cmpi eq, %arg1, %eq3A : i32
    %convert_element_type3A = arith.extui %eq3A_10 : i1 to i32
    %cond3A = arith.constant 0 : i32
    %cond3A_11 = arith.cmpi ne, %convert_element_type3A, %cond3A : i32
    scf.if %cond3A_11 {
      "tpu.region"() ({
        %run_scoped3A = tpu.sem_alloc : memref<!tpu.dma_semaphore, #tpu.memory_space<semaphore_mem>>
        %dma_start3A = arith.constant 9984 : i32
        %dma_start3A_43 = arith.constant 0 : i32
        %dma_start3A_44 = tpu.memref_slice %arg9[%dma_start3A, %dma_start3A_43] : memref<10008x128xf32, #tpu.memory_space<vmem_shared>> -> memref<24x128xf32, #tpu.memory_space<vmem_shared>>
        %dma_start3A_45 = arith.constant 0 : i32
        %dma_start3A_46 = arith.constant 0 : i32
        %dma_start3A_47 = tpu.memref_slice %arg4[%dma_start3A_45, %dma_start3A_46] : memref<128x128xf32, #tpu.memory_space<hbm>> -> memref<24x128xf32, #tpu.memory_space<hbm>>
        tpu.enqueue_dma source(%dma_start3A_47 : memref<24x128xf32, #tpu.memory_space<hbm>>) target(%dma_start3A_44 : memref<24x128xf32, #tpu.memory_space<vmem_shared>>) target_semaphore(%run_scoped3A : memref<!tpu.dma_semaphore, #tpu.memory_space<semaphore_mem>>)
        %dma_wait3A = arith.constant 9984 : i32
        %dma_wait3A_48 = arith.constant 0 : i32
        %dma_wait3A_49 = tpu.memref_slice %arg9[%dma_wait3A, %dma_wait3A_48] : memref<10008x128xf32, #tpu.memory_space<vmem_shared>> -> memref<24x128xf32, #tpu.memory_space<vmem_shared>>
        %dma_wait3A_50 = arith.constant 0 : i32
        %dma_wait3A_51 = arith.constant 0 : i32
        %dma_wait3A_52 = tpu.memref_slice %arg4[%dma_wait3A_50, %dma_wait3A_51] : memref<128x128xf32, #tpu.memory_space<hbm>> -> memref<24x128xf32, #tpu.memory_space<hbm>>
        tpu.wait_dma2 semaphore(%run_scoped3A : memref<!tpu.dma_semaphore, #tpu.memory_space<semaphore_mem>>) src(%dma_wait3A_52 : memref<24x128xf32, #tpu.memory_space<hbm>>) dst(%dma_wait3A_49 : memref<24x128xf32, #tpu.memory_space<vmem_shared>>)
        tpu.yield
      }) : () -> ()
    } else {
    }
    %barrier3A = arith.constant 0 : index
    tpu.barrier barrier_id(%barrier3A)
    %scan3A = arith.constant 0 : i32
    %scan3A_12 = arith.constant 0 : i32
    %scan3A_13 = arith.constant 4 : i32
    %scan3A_14 = arith.addi %scan3A_12, %scan3A_13 : i32
    %scan3A_15 = arith.constant 1 : i32
    scf.for %scan3A_43 = %scan3A_12 to %scan3A_14 step %scan3A_15  : i32 {
      %mul3A_44 = arith.constant 160 : i32
      %mul3A_45 = arith.muli %arg1, %mul3A_44 : i32
      %mul3A_46 = arith.constant 40 : i32
      %mul3A_47 = arith.muli %scan3A_43, %mul3A_46 : i32
      %add3A_48 = arith.addi %mul3A_45, %mul3A_47 : i32
      "tpu.region"() ({
        %run_scoped3A = tpu.sem_alloc : memref<!tpu.dma_semaphore, #tpu.memory_space<semaphore_mem>>
        %dma_start3A_62 = arith.constant 0 : i32
        %dma_start3A_63 = arith.constant 0 : i32
        %dma_start3A_64 = tpu.memref_slice %arg3[%arg0, %add3A_48, %dma_start3A_62, %dma_start3A_63] : memref<2x2560x2x128xi32, #tpu.memory_space<hbm>> -> memref<1x40x2x128xi32, #tpu.memory_space<hbm>>
        %dma_start3A_65 = tpu.memref_squeeze %dma_start3A_64 : memref<1x40x2x128xi32, #tpu.memory_space<hbm>> -> memref<40x2x128xi32, #tpu.memory_space<hbm>>
        %dma_start3A_66 = arith.constant 0 : i32
        %dma_start3A_67 = arith.constant 0 : i32
        %dma_start3A_68 = tpu.memref_slice %arg3[%arg0, %add3A_48, %dma_start3A_66, %dma_start3A_67] : memref<2x2560x2x128xi32, #tpu.memory_space<hbm>> -> memref<1x40x2x128xi32, #tpu.memory_space<hbm>>
        %dma_start3A_69 = tpu.memref_squeeze %dma_start3A_68 : memref<1x40x2x128xi32, #tpu.memory_space<hbm>> -> memref<40x2x128xi32, #tpu.memory_space<hbm>>
        tpu.enqueue_dma source(%dma_start3A_69 : memref<40x2x128xi32, #tpu.memory_space<hbm>>) target(%arg6 : memref<40x2x128xi32, #tpu.memory_space<vmem>>) target_semaphore(%run_scoped3A : memref<!tpu.dma_semaphore, #tpu.memory_space<semaphore_mem>>)
        %dma_wait3A = arith.constant 0 : i32
        %dma_wait3A_70 = arith.constant 0 : i32
        %dma_wait3A_71 = tpu.memref_slice %arg3[%arg0, %add3A_48, %dma_wait3A, %dma_wait3A_70] : memref<2x2560x2x128xi32, #tpu.memory_space<hbm>> -> memref<1x40x2x128xi32, #tpu.memory_space<hbm>>
        %dma_wait3A_72 = tpu.memref_squeeze %dma_wait3A_71 : memref<1x40x2x128xi32, #tpu.memory_space<hbm>> -> memref<40x2x128xi32, #tpu.memory_space<hbm>>
        %dma_wait3A_73 = arith.constant 0 : i32
        %dma_wait3A_74 = arith.constant 0 : i32
        %dma_wait3A_75 = tpu.memref_slice %arg3[%arg0, %add3A_48, %dma_wait3A_73, %dma_wait3A_74] : memref<2x2560x2x128xi32, #tpu.memory_space<hbm>> -> memref<1x40x2x128xi32, #tpu.memory_space<hbm>>
        %dma_wait3A_76 = tpu.memref_squeeze %dma_wait3A_75 : memref<1x40x2x128xi32, #tpu.memory_space<hbm>> -> memref<40x2x128xi32, #tpu.memory_space<hbm>>
        tpu.wait_dma2 semaphore(%run_scoped3A : memref<!tpu.dma_semaphore, #tpu.memory_space<semaphore_mem>>) src(%dma_wait3A_76 : memref<40x2x128xi32, #tpu.memory_space<hbm>>) dst(%arg6 : memref<40x2x128xi32, #tpu.memory_space<vmem>>)
        tpu.yield
      }) : () -> ()
      %dma_start3A = arith.constant 0 : i32
      %dma_start3A_49 = arith.constant 0 : i32
      %dma_start3A_50 = arith.constant 0 : i32
      %dma_start3A_51 = tpu.memref_slice %arg6[%dma_start3A, %dma_start3A_49, %dma_start3A_50] : memref<40x2x128xi32, #tpu.memory_space<vmem>> -> memref<1x1x128xi32, #tpu.memory_space<vmem>>
      %dma_start3A_52 = tpu.memref_squeeze %dma_start3A_51 : memref<1x1x128xi32, #tpu.memory_space<vmem>> -> memref<128xi32, #tpu.memory_space<vmem>>
      %dma_start3A_53 = arith.constant 0 : i32
      %dma_start3A_54 = arith.constant 0 : i32
      %dma_start3A_55 = tpu.memref_slice %arg2[%dma_start3A_53, %dma_start3A_54] : memref<20000x128xf32, #tpu.memory_space<hbm>> -> memref<20000x128xf32, #tpu.memory_space<hbm>>
      tpu.enqueue_indirect_dma source(%dma_start3A_55 : memref<20000x128xf32, #tpu.memory_space<hbm>>) target(%arg7 : memref<128x128xf32, #tpu.memory_space<vmem>>) offsets(%dma_start3A_52 : memref<128xi32, #tpu.memory_space<vmem>>) semaphore(%arg10 : memref<!tpu.dma_semaphore, #tpu.memory_space<semaphore_mem>>)
      %scan3A_56 = arith.constant 0 : i32
      %scan3A_57 = arith.constant 0 : i32
      %scan3A_58 = arith.constant 20 : i32
      %scan3A_59 = arith.addi %scan3A_57, %scan3A_58 : i32
      %scan3A_60 = arith.constant 1 : i32
      scf.for %scan3A_62 = %scan3A_57 to %scan3A_59 step %scan3A_60  : i32 {
        %mul3A_63 = arith.constant 2 : i32
        %mul3A_64 = arith.muli %mul3A_63, %scan3A_62 : i32
        %add3A_65 = arith.constant 1 : i32
        %add3A_66 = arith.addi %mul3A_64, %add3A_65 : i32
        %dma_start3A_67 = arith.constant 0 : i32
        %dma_start3A_68 = arith.constant 0 : i32
        %dma_start3A_69 = tpu.memref_slice %arg6[%add3A_66, %dma_start3A_67, %dma_start3A_68] : memref<40x2x128xi32, #tpu.memory_space<vmem>> -> memref<1x1x128xi32, #tpu.memory_space<vmem>>
        %dma_start3A_70 = tpu.memref_squeeze %dma_start3A_69 : memref<1x1x128xi32, #tpu.memory_space<vmem>> -> memref<128xi32, #tpu.memory_space<vmem>>
        %dma_start3A_71 = arith.constant 0 : i32
        %dma_start3A_72 = arith.constant 0 : i32
        %dma_start3A_73 = tpu.memref_slice %arg2[%dma_start3A_71, %dma_start3A_72] : memref<20000x128xf32, #tpu.memory_space<hbm>> -> memref<20000x128xf32, #tpu.memory_space<hbm>>
        tpu.enqueue_indirect_dma source(%dma_start3A_73 : memref<20000x128xf32, #tpu.memory_space<hbm>>) target(%arg8 : memref<128x128xf32, #tpu.memory_space<vmem>>) offsets(%dma_start3A_70 : memref<128xi32, #tpu.memory_space<vmem>>) semaphore(%arg11 : memref<!tpu.dma_semaphore, #tpu.memory_space<semaphore_mem>>)
        %dma_wait3A = arith.constant 0 : i32
        %dma_wait3A_74 = arith.constant 0 : i32
        %dma_wait3A_75 = tpu.memref_slice %arg6[%mul3A_64, %dma_wait3A, %dma_wait3A_74] : memref<40x2x128xi32, #tpu.memory_space<vmem>> -> memref<1x1x128xi32, #tpu.memory_space<vmem>>
        %dma_wait3A_76 = tpu.memref_squeeze %dma_wait3A_75 : memref<1x1x128xi32, #tpu.memory_space<vmem>> -> memref<128xi32, #tpu.memory_space<vmem>>
        %dma_wait3A_77 = arith.constant 0 : i32
        %dma_wait3A_78 = arith.constant 0 : i32
        %dma_wait3A_79 = tpu.memref_slice %arg2[%dma_wait3A_77, %dma_wait3A_78] : memref<20000x128xf32, #tpu.memory_space<hbm>> -> memref<20000x128xf32, #tpu.memory_space<hbm>>
        tpu.wait_indirect_dma semaphore(%arg10 : memref<!tpu.dma_semaphore, #tpu.memory_space<semaphore_mem>>) src(%dma_wait3A_79 : memref<20000x128xf32, #tpu.memory_space<hbm>>) dst(%arg7 : memref<128x128xf32, #tpu.memory_space<vmem>>)
        %run_scoped3A = arith.constant 1 : i32
        "tpu.region"() ({
          %run_scoped3A_96 = tpu.sem_alloc : memref<!tpu.dma_semaphore, #tpu.memory_space<semaphore_mem>>
          %dma_start3A_97 = arith.constant 0 : i32
          %dma_start3A_98 = tpu.memref_slice %arg6[%mul3A_64, %run_scoped3A, %dma_start3A_97] : memref<40x2x128xi32, #tpu.memory_space<vmem>> -> memref<1x1x128xi32, #tpu.memory_space<vmem>>
          %dma_start3A_99 = tpu.memref_squeeze %dma_start3A_98 : memref<1x1x128xi32, #tpu.memory_space<vmem>> -> memref<128xi32, #tpu.memory_space<vmem>>
          %dma_start3A_100 = arith.constant 0 : i32
          %dma_start3A_101 = arith.constant 0 : i32
          %dma_start3A_102 = tpu.memref_slice %arg9[%dma_start3A_100, %dma_start3A_101] : memref<10008x128xf32, #tpu.memory_space<vmem_shared>> -> memref<10008x128xf32, #tpu.memory_space<vmem_shared>>
          tpu.enqueue_indirect_dma source(%arg7 : memref<128x128xf32, #tpu.memory_space<vmem>>) target(%dma_start3A_102 : memref<10008x128xf32, #tpu.memory_space<vmem_shared>>) offsets(%dma_start3A_99 : memref<128xi32, #tpu.memory_space<vmem>>) semaphore(%run_scoped3A_96 : memref<!tpu.dma_semaphore, #tpu.memory_space<semaphore_mem>>) {add = true}
          %dma_wait3A_103 = arith.constant 0 : i32
          %dma_wait3A_104 = tpu.memref_slice %arg6[%mul3A_64, %run_scoped3A, %dma_wait3A_103] : memref<40x2x128xi32, #tpu.memory_space<vmem>> -> memref<1x1x128xi32, #tpu.memory_space<vmem>>
          %dma_wait3A_105 = tpu.memref_squeeze %dma_wait3A_104 : memref<1x1x128xi32, #tpu.memory_space<vmem>> -> memref<128xi32, #tpu.memory_space<vmem>>
          %dma_wait3A_106 = arith.constant 0 : i32
          %dma_wait3A_107 = arith.constant 0 : i32
          %dma_wait3A_108 = tpu.memref_slice %arg9[%dma_wait3A_106, %dma_wait3A_107] : memref<10008x128xf32, #tpu.memory_space<vmem_shared>> -> memref<10008x128xf32, #tpu.memory_space<vmem_shared>>
          tpu.wait_indirect_dma semaphore(%run_scoped3A_96 : memref<!tpu.dma_semaphore, #tpu.memory_space<semaphore_mem>>) src(%arg7 : memref<128x128xf32, #tpu.memory_space<vmem>>) dst(%dma_wait3A_108 : memref<10008x128xf32, #tpu.memory_space<vmem_shared>>)
          tpu.yield
        }) : () -> ()
        %lt3A = arith.constant 19 : i32
        %lt3A_80 = arith.cmpi slt, %scan3A_62, %lt3A : i32
        %convert_element_type3A_81 = arith.extui %lt3A_80 : i1 to i32
        %cond3A_82 = arith.constant 0 : i32
        %cond3A_83 = arith.cmpi ne, %convert_element_type3A_81, %cond3A_82 : i32
        scf.if %cond3A_83 {
          %add3A_96 = arith.constant 2 : i32
          %add3A_97 = arith.addi %mul3A_64, %add3A_96 : i32
          %dma_start3A_98 = arith.constant 0 : i32
          %dma_start3A_99 = arith.constant 0 : i32
          %dma_start3A_100 = tpu.memref_slice %arg6[%add3A_97, %dma_start3A_98, %dma_start3A_99] : memref<40x2x128xi32, #tpu.memory_space<vmem>> -> memref<1x1x128xi32, #tpu.memory_space<vmem>>
          %dma_start3A_101 = tpu.memref_squeeze %dma_start3A_100 : memref<1x1x128xi32, #tpu.memory_space<vmem>> -> memref<128xi32, #tpu.memory_space<vmem>>
          %dma_start3A_102 = arith.constant 0 : i32
          %dma_start3A_103 = arith.constant 0 : i32
          %dma_start3A_104 = tpu.memref_slice %arg2[%dma_start3A_102, %dma_start3A_103] : memref<20000x128xf32, #tpu.memory_space<hbm>> -> memref<20000x128xf32, #tpu.memory_space<hbm>>
          tpu.enqueue_indirect_dma source(%dma_start3A_104 : memref<20000x128xf32, #tpu.memory_space<hbm>>) target(%arg7 : memref<128x128xf32, #tpu.memory_space<vmem>>) offsets(%dma_start3A_101 : memref<128xi32, #tpu.memory_space<vmem>>) semaphore(%arg10 : memref<!tpu.dma_semaphore, #tpu.memory_space<semaphore_mem>>)
        } else {
        }
        %add3A_84 = arith.constant 1 : i32
        %add3A_85 = arith.addi %mul3A_64, %add3A_84 : i32
        %dma_wait3A_86 = arith.constant 0 : i32
        %dma_wait3A_87 = arith.constant 0 : i32
        %dma_wait3A_88 = tpu.memref_slice %arg6[%add3A_85, %dma_wait3A_86, %dma_wait3A_87] : memref<40x2x128xi32, #tpu.memory_space<vmem>> -> memref<1x1x128xi32, #tpu.memory_space<vmem>>
        %dma_wait3A_89 = tpu.memref_squeeze %dma_wait3A_88 : memref<1x1x128xi32, #tpu.memory_space<vmem>> -> memref<128xi32, #tpu.memory_space<vmem>>
        %dma_wait3A_90 = arith.constant 0 : i32
        %dma_wait3A_91 = arith.constant 0 : i32
        %dma_wait3A_92 = tpu.memref_slice %arg2[%dma_wait3A_90, %dma_wait3A_91] : memref<20000x128xf32, #tpu.memory_space<hbm>> -> memref<20000x128xf32, #tpu.memory_space<hbm>>
        tpu.wait_indirect_dma semaphore(%arg11 : memref<!tpu.dma_semaphore, #tpu.memory_space<semaphore_mem>>) src(%dma_wait3A_92 : memref<20000x128xf32, #tpu.memory_space<hbm>>) dst(%arg8 : memref<128x128xf32, #tpu.memory_space<vmem>>)
        %add3A_93 = arith.constant 1 : i32
        %add3A_94 = arith.addi %mul3A_64, %add3A_93 : i32
        %run_scoped3A_95 = arith.constant 1 : i32
        "tpu.region"() ({
          %run_scoped3A_96 = tpu.sem_alloc : memref<!tpu.dma_semaphore, #tpu.memory_space<semaphore_mem>>
          %dma_start3A_97 = arith.constant 0 : i32
          %dma_start3A_98 = tpu.memref_slice %arg6[%add3A_94, %run_scoped3A_95, %dma_start3A_97] : memref<40x2x128xi32, #tpu.memory_space<vmem>> -> memref<1x1x128xi32, #tpu.memory_space<vmem>>
          %dma_start3A_99 = tpu.memref_squeeze %dma_start3A_98 : memref<1x1x128xi32, #tpu.memory_space<vmem>> -> memref<128xi32, #tpu.memory_space<vmem>>
          %dma_start3A_100 = arith.constant 0 : i32
          %dma_start3A_101 = arith.constant 0 : i32
          %dma_start3A_102 = tpu.memref_slice %arg9[%dma_start3A_100, %dma_start3A_101] : memref<10008x128xf32, #tpu.memory_space<vmem_shared>> -> memref<10008x128xf32, #tpu.memory_space<vmem_shared>>
          tpu.enqueue_indirect_dma source(%arg8 : memref<128x128xf32, #tpu.memory_space<vmem>>) target(%dma_start3A_102 : memref<10008x128xf32, #tpu.memory_space<vmem_shared>>) offsets(%dma_start3A_99 : memref<128xi32, #tpu.memory_space<vmem>>) semaphore(%run_scoped3A_96 : memref<!tpu.dma_semaphore, #tpu.memory_space<semaphore_mem>>) {add = true}
          %dma_wait3A_103 = arith.constant 0 : i32
          %dma_wait3A_104 = tpu.memref_slice %arg6[%add3A_94, %run_scoped3A_95, %dma_wait3A_103] : memref<40x2x128xi32, #tpu.memory_space<vmem>> -> memref<1x1x128xi32, #tpu.memory_space<vmem>>
          %dma_wait3A_105 = tpu.memref_squeeze %dma_wait3A_104 : memref<1x1x128xi32, #tpu.memory_space<vmem>> -> memref<128xi32, #tpu.memory_space<vmem>>
          %dma_wait3A_106 = arith.constant 0 : i32
          %dma_wait3A_107 = arith.constant 0 : i32
          %dma_wait3A_108 = tpu.memref_slice %arg9[%dma_wait3A_106, %dma_wait3A_107] : memref<10008x128xf32, #tpu.memory_space<vmem_shared>> -> memref<10008x128xf32, #tpu.memory_space<vmem_shared>>
          tpu.wait_indirect_dma semaphore(%run_scoped3A_96 : memref<!tpu.dma_semaphore, #tpu.memory_space<semaphore_mem>>) src(%arg8 : memref<128x128xf32, #tpu.memory_space<vmem>>) dst(%dma_wait3A_108 : memref<10008x128xf32, #tpu.memory_space<vmem_shared>>)
          tpu.yield
        }) : () -> ()
      }
      %scan3A_61 = arith.constant 20 : i32
    }
    %scan3A_16 = arith.constant 4 : i32
    %barrier3A_17 = arith.constant 0 : index
    tpu.barrier barrier_id(%barrier3A_17)
    %add3A_18 = arith.constant 0 : i32
    %add3A_19 = arith.addi %mul3A_0, %add3A_18 : i32
    %add3A_20 = arith.constant 0 : i32
    %add3A_21 = arith.addi %mul3A_0, %add3A_20 : i32
    "tpu.region"() ({
      %run_scoped3A = tpu.sem_alloc : memref<!tpu.dma_semaphore, #tpu.memory_space<semaphore_mem>>
      %dma_start3A = arith.constant 0 : i32
      %dma_start3A_43 = tpu.memref_slice %arg5[%arg0, %add3A_21, %dma_start3A] : memref<2x10000x128xf32, #tpu.memory_space<hbm>> -> memref<1x128x128xf32, #tpu.memory_space<hbm>>
      %dma_start3A_44 = tpu.memref_squeeze %dma_start3A_43 : memref<1x128x128xf32, #tpu.memory_space<hbm>> -> memref<128x128xf32, #tpu.memory_space<hbm>>
      %dma_start3A_45 = arith.constant 0 : i32
      %dma_start3A_46 = tpu.memref_slice %arg9[%add3A_19, %dma_start3A_45] : memref<10008x128xf32, #tpu.memory_space<vmem_shared>> -> memref<128x128xf32, #tpu.memory_space<vmem_shared>>
      tpu.enqueue_dma source(%dma_start3A_46 : memref<128x128xf32, #tpu.memory_space<vmem_shared>>) target(%dma_start3A_44 : memref<128x128xf32, #tpu.memory_space<hbm>>) target_semaphore(%run_scoped3A : memref<!tpu.dma_semaphore, #tpu.memory_space<semaphore_mem>>)
      %dma_wait3A = arith.constant 0 : i32
      %dma_wait3A_47 = tpu.memref_slice %arg5[%arg0, %add3A_21, %dma_wait3A] : memref<2x10000x128xf32, #tpu.memory_space<hbm>> -> memref<1x128x128xf32, #tpu.memory_space<hbm>>
      %dma_wait3A_48 = tpu.memref_squeeze %dma_wait3A_47 : memref<1x128x128xf32, #tpu.memory_space<hbm>> -> memref<128x128xf32, #tpu.memory_space<hbm>>
      %dma_wait3A_49 = arith.constant 0 : i32
      %dma_wait3A_50 = tpu.memref_slice %arg9[%add3A_19, %dma_wait3A_49] : memref<10008x128xf32, #tpu.memory_space<vmem_shared>> -> memref<128x128xf32, #tpu.memory_space<vmem_shared>>
      tpu.wait_dma2 semaphore(%run_scoped3A : memref<!tpu.dma_semaphore, #tpu.memory_space<semaphore_mem>>) src(%dma_wait3A_50 : memref<128x128xf32, #tpu.memory_space<vmem_shared>>) dst(%dma_wait3A_48 : memref<128x128xf32, #tpu.memory_space<hbm>>)
      tpu.yield
    }) : () -> ()
    %add3A_22 = arith.constant 128 : i32
    %add3A_23 = arith.addi %mul3A_0, %add3A_22 : i32
    %add3A_24 = arith.constant 128 : i32
    %add3A_25 = arith.addi %mul3A_0, %add3A_24 : i32
    "tpu.region"() ({
      %run_scoped3A = tpu.sem_alloc : memref<!tpu.dma_semaphore, #tpu.memory_space<semaphore_mem>>
      %dma_start3A = arith.constant 0 : i32
      %dma_start3A_43 = tpu.memref_slice %arg5[%arg0, %add3A_25, %dma_start3A] : memref<2x10000x128xf32, #tpu.memory_space<hbm>> -> memref<1x128x128xf32, #tpu.memory_space<hbm>>
      %dma_start3A_44 = tpu.memref_squeeze %dma_start3A_43 : memref<1x128x128xf32, #tpu.memory_space<hbm>> -> memref<128x128xf32, #tpu.memory_space<hbm>>
      %dma_start3A_45 = arith.constant 0 : i32
      %dma_start3A_46 = tpu.memref_slice %arg9[%add3A_23, %dma_start3A_45] : memref<10008x128xf32, #tpu.memory_space<vmem_shared>> -> memref<128x128xf32, #tpu.memory_space<vmem_shared>>
      tpu.enqueue_dma source(%dma_start3A_46 : memref<128x128xf32, #tpu.memory_space<vmem_shared>>) target(%dma_start3A_44 : memref<128x128xf32, #tpu.memory_space<hbm>>) target_semaphore(%run_scoped3A : memref<!tpu.dma_semaphore, #tpu.memory_space<semaphore_mem>>)
      %dma_wait3A = arith.constant 0 : i32
      %dma_wait3A_47 = tpu.memref_slice %arg5[%arg0, %add3A_25, %dma_wait3A] : memref<2x10000x128xf32, #tpu.memory_space<hbm>> -> memref<1x128x128xf32, #tpu.memory_space<hbm>>
      %dma_wait3A_48 = tpu.memref_squeeze %dma_wait3A_47 : memref<1x128x128xf32, #tpu.memory_space<hbm>> -> memref<128x128xf32, #tpu.memory_space<hbm>>
      %dma_wait3A_49 = arith.constant 0 : i32
      %dma_wait3A_50 = tpu.memref_slice %arg9[%add3A_23, %dma_wait3A_49] : memref<10008x128xf32, #tpu.memory_space<vmem_shared>> -> memref<128x128xf32, #tpu.memory_space<vmem_shared>>
      tpu.wait_dma2 semaphore(%run_scoped3A : memref<!tpu.dma_semaphore, #tpu.memory_space<semaphore_mem>>) src(%dma_wait3A_50 : memref<128x128xf32, #tpu.memory_space<vmem_shared>>) dst(%dma_wait3A_48 : memref<128x128xf32, #tpu.memory_space<hbm>>)
      tpu.yield
    }) : () -> ()
    %add3A_26 = arith.constant 256 : i32
    %add3A_27 = arith.addi %mul3A_0, %add3A_26 : i32
    %add3A_28 = arith.constant 256 : i32
    %add3A_29 = arith.addi %mul3A_0, %add3A_28 : i32
    "tpu.region"() ({
      %run_scoped3A = tpu.sem_alloc : memref<!tpu.dma_semaphore, #tpu.memory_space<semaphore_mem>>
      %dma_start3A = arith.constant 0 : i32
      %dma_start3A_43 = tpu.memref_slice %arg5[%arg0, %add3A_29, %dma_start3A] : memref<2x10000x128xf32, #tpu.memory_space<hbm>> -> memref<1x128x128xf32, #tpu.memory_space<hbm>>
      %dma_start3A_44 = tpu.memref_squeeze %dma_start3A_43 : memref<1x128x128xf32, #tpu.memory_space<hbm>> -> memref<128x128xf32, #tpu.memory_space<hbm>>
      %dma_start3A_45 = arith.constant 0 : i32
      %dma_start3A_46 = tpu.memref_slice %arg9[%add3A_27, %dma_start3A_45] : memref<10008x128xf32, #tpu.memory_space<vmem_shared>> -> memref<128x128xf32, #tpu.memory_space<vmem_shared>>
      tpu.enqueue_dma source(%dma_start3A_46 : memref<128x128xf32, #tpu.memory_space<vmem_shared>>) target(%dma_start3A_44 : memref<128x128xf32, #tpu.memory_space<hbm>>) target_semaphore(%run_scoped3A : memref<!tpu.dma_semaphore, #tpu.memory_space<semaphore_mem>>)
      %dma_wait3A = arith.constant 0 : i32
      %dma_wait3A_47 = tpu.memref_slice %arg5[%arg0, %add3A_29, %dma_wait3A] : memref<2x10000x128xf32, #tpu.memory_space<hbm>> -> memref<1x128x128xf32, #tpu.memory_space<hbm>>
      %dma_wait3A_48 = tpu.memref_squeeze %dma_wait3A_47 : memref<1x128x128xf32, #tpu.memory_space<hbm>> -> memref<128x128xf32, #tpu.memory_space<hbm>>
      %dma_wait3A_49 = arith.constant 0 : i32
      %dma_wait3A_50 = tpu.memref_slice %arg9[%add3A_27, %dma_wait3A_49] : memref<10008x128xf32, #tpu.memory_space<vmem_shared>> -> memref<128x128xf32, #tpu.memory_space<vmem_shared>>
      tpu.wait_dma2 semaphore(%run_scoped3A : memref<!tpu.dma_semaphore, #tpu.memory_space<semaphore_mem>>) src(%dma_wait3A_50 : memref<128x128xf32, #tpu.memory_space<vmem_shared>>) dst(%dma_wait3A_48 : memref<128x128xf32, #tpu.memory_space<hbm>>)
      tpu.yield
    }) : () -> ()
    %add3A_30 = arith.constant 384 : i32
    %add3A_31 = arith.addi %mul3A_0, %add3A_30 : i32
    %add3A_32 = arith.constant 384 : i32
    %add3A_33 = arith.addi %mul3A_0, %add3A_32 : i32
    "tpu.region"() ({
      %run_scoped3A = tpu.sem_alloc : memref<!tpu.dma_semaphore, #tpu.memory_space<semaphore_mem>>
      %dma_start3A = arith.constant 0 : i32
      %dma_start3A_43 = tpu.memref_slice %arg5[%arg0, %add3A_33, %dma_start3A] : memref<2x10000x128xf32, #tpu.memory_space<hbm>> -> memref<1x128x128xf32, #tpu.memory_space<hbm>>
      %dma_start3A_44 = tpu.memref_squeeze %dma_start3A_43 : memref<1x128x128xf32, #tpu.memory_space<hbm>> -> memref<128x128xf32, #tpu.memory_space<hbm>>
      %dma_start3A_45 = arith.constant 0 : i32
      %dma_start3A_46 = tpu.memref_slice %arg9[%add3A_31, %dma_start3A_45] : memref<10008x128xf32, #tpu.memory_space<vmem_shared>> -> memref<128x128xf32, #tpu.memory_space<vmem_shared>>
      tpu.enqueue_dma source(%dma_start3A_46 : memref<128x128xf32, #tpu.memory_space<vmem_shared>>) target(%dma_start3A_44 : memref<128x128xf32, #tpu.memory_space<hbm>>) target_semaphore(%run_scoped3A : memref<!tpu.dma_semaphore, #tpu.memory_space<semaphore_mem>>)
      %dma_wait3A = arith.constant 0 : i32
      %dma_wait3A_47 = tpu.memref_slice %arg5[%arg0, %add3A_33, %dma_wait3A] : memref<2x10000x128xf32, #tpu.memory_space<hbm>> -> memref<1x128x128xf32, #tpu.memory_space<hbm>>
      %dma_wait3A_48 = tpu.memref_squeeze %dma_wait3A_47 : memref<1x128x128xf32, #tpu.memory_space<hbm>> -> memref<128x128xf32, #tpu.memory_space<hbm>>
      %dma_wait3A_49 = arith.constant 0 : i32
      %dma_wait3A_50 = tpu.memref_slice %arg9[%add3A_31, %dma_wait3A_49] : memref<10008x128xf32, #tpu.memory_space<vmem_shared>> -> memref<128x128xf32, #tpu.memory_space<vmem_shared>>
      tpu.wait_dma2 semaphore(%run_scoped3A : memref<!tpu.dma_semaphore, #tpu.memory_space<semaphore_mem>>) src(%dma_wait3A_50 : memref<128x128xf32, #tpu.memory_space<vmem_shared>>) dst(%dma_wait3A_48 : memref<128x128xf32, #tpu.memory_space<hbm>>)
      tpu.yield
    }) : () -> ()
    %add3A_34 = arith.constant 512 : i32
    %add3A_35 = arith.addi %mul3A_0, %add3A_34 : i32
    %add3A_36 = arith.constant 512 : i32
    %add3A_37 = arith.addi %mul3A_0, %add3A_36 : i32
    "tpu.region"() ({
      %run_scoped3A = tpu.sem_alloc : memref<!tpu.dma_semaphore, #tpu.memory_space<semaphore_mem>>
      %dma_start3A = arith.constant 0 : i32
      %dma_start3A_43 = tpu.memref_slice %arg5[%arg0, %add3A_37, %dma_start3A] : memref<2x10000x128xf32, #tpu.memory_space<hbm>> -> memref<1x112x128xf32, #tpu.memory_space<hbm>>
      %dma_start3A_44 = tpu.memref_squeeze %dma_start3A_43 : memref<1x112x128xf32, #tpu.memory_space<hbm>> -> memref<112x128xf32, #tpu.memory_space<hbm>>
      %dma_start3A_45 = arith.constant 0 : i32
      %dma_start3A_46 = tpu.memref_slice %arg9[%add3A_35, %dma_start3A_45] : memref<10008x128xf32, #tpu.memory_space<vmem_shared>> -> memref<112x128xf32, #tpu.memory_space<vmem_shared>>
      tpu.enqueue_dma source(%dma_start3A_46 : memref<112x128xf32, #tpu.memory_space<vmem_shared>>) target(%dma_start3A_44 : memref<112x128xf32, #tpu.memory_space<hbm>>) target_semaphore(%run_scoped3A : memref<!tpu.dma_semaphore, #tpu.memory_space<semaphore_mem>>)
      %dma_wait3A = arith.constant 0 : i32
      %dma_wait3A_47 = tpu.memref_slice %arg5[%arg0, %add3A_37, %dma_wait3A] : memref<2x10000x128xf32, #tpu.memory_space<hbm>> -> memref<1x112x128xf32, #tpu.memory_space<hbm>>
      %dma_wait3A_48 = tpu.memref_squeeze %dma_wait3A_47 : memref<1x112x128xf32, #tpu.memory_space<hbm>> -> memref<112x128xf32, #tpu.memory_space<hbm>>
      %dma_wait3A_49 = arith.constant 0 : i32
      %dma_wait3A_50 = tpu.memref_slice %arg9[%add3A_35, %dma_wait3A_49] : memref<10008x128xf32, #tpu.memory_space<vmem_shared>> -> memref<112x128xf32, #tpu.memory_space<vmem_shared>>
      tpu.wait_dma2 semaphore(%run_scoped3A : memref<!tpu.dma_semaphore, #tpu.memory_space<semaphore_mem>>) src(%dma_wait3A_50 : memref<112x128xf32, #tpu.memory_space<vmem_shared>>) dst(%dma_wait3A_48 : memref<112x128xf32, #tpu.memory_space<hbm>>)
      tpu.yield
    }) : () -> ()
    %eq3A_38 = arith.constant 15 : i32
    %eq3A_39 = arith.cmpi eq, %arg1, %eq3A_38 : i32
    %convert_element_type3A_40 = arith.extui %eq3A_39 : i1 to i32
    %cond3A_41 = arith.constant 0 : i32
    %cond3A_42 = arith.cmpi ne, %convert_element_type3A_40, %cond3A_41 : i32
    scf.if %cond3A_42 {
      "tpu.region"() ({
        %run_scoped3A = tpu.sem_alloc : memref<!tpu.dma_semaphore, #tpu.memory_space<semaphore_mem>>
        %dma_start3A = arith.constant 9984 : i32
        %dma_start3A_43 = arith.constant 0 : i32
        %dma_start3A_44 = tpu.memref_slice %arg5[%arg0, %dma_start3A, %dma_start3A_43] : memref<2x10000x128xf32, #tpu.memory_space<hbm>> -> memref<1x16x128xf32, #tpu.memory_space<hbm>>
        %dma_start3A_45 = tpu.memref_squeeze %dma_start3A_44 : memref<1x16x128xf32, #tpu.memory_space<hbm>> -> memref<16x128xf32, #tpu.memory_space<hbm>>
        %dma_start3A_46 = arith.constant 9984 : i32
        %dma_start3A_47 = arith.constant 0 : i32
        %dma_start3A_48 = tpu.memref_slice %arg9[%dma_start3A_46, %dma_start3A_47] : memref<10008x128xf32, #tpu.memory_space<vmem_shared>> -> memref<16x128xf32, #tpu.memory_space<vmem_shared>>
        tpu.enqueue_dma source(%dma_start3A_48 : memref<16x128xf32, #tpu.memory_space<vmem_shared>>) target(%dma_start3A_45 : memref<16x128xf32, #tpu.memory_space<hbm>>) target_semaphore(%run_scoped3A : memref<!tpu.dma_semaphore, #tpu.memory_space<semaphore_mem>>)
        %dma_wait3A = arith.constant 9984 : i32
        %dma_wait3A_49 = arith.constant 0 : i32
        %dma_wait3A_50 = tpu.memref_slice %arg5[%arg0, %dma_wait3A, %dma_wait3A_49] : memref<2x10000x128xf32, #tpu.memory_space<hbm>> -> memref<1x16x128xf32, #tpu.memory_space<hbm>>
        %dma_wait3A_51 = tpu.memref_squeeze %dma_wait3A_50 : memref<1x16x128xf32, #tpu.memory_space<hbm>> -> memref<16x128xf32, #tpu.memory_space<hbm>>
        %dma_wait3A_52 = arith.constant 9984 : i32
        %dma_wait3A_53 = arith.constant 0 : i32
        %dma_wait3A_54 = tpu.memref_slice %arg9[%dma_wait3A_52, %dma_wait3A_53] : memref<10008x128xf32, #tpu.memory_space<vmem_shared>> -> memref<16x128xf32, #tpu.memory_space<vmem_shared>>
        tpu.wait_dma2 semaphore(%run_scoped3A : memref<!tpu.dma_semaphore, #tpu.memory_space<semaphore_mem>>) src(%dma_wait3A_54 : memref<16x128xf32, #tpu.memory_space<vmem_shared>>) dst(%dma_wait3A_51 : memref<16x128xf32, #tpu.memory_space<hbm>>)
        tpu.yield
      }) : () -> ()
    } else {
    }
    return
  }
}

#map = affine_map<(d0, d1) -> (0, 0)>
#map1 = affine_map<(d0, d1) -> (0, 0, 0, 0)>
#map2 = affine_map<(d0, d1) -> (0, 0, 0)>
module attributes {stable_mosaic.version = 14 : i64} {
  func.func @agg(%arg0: i32, %arg1: i32, %arg2: memref<20000x128xf32, #tpu.memory_space<hbm>>, %arg3: memref<2x2560x2x128xi32, #tpu.memory_space<hbm>>, %arg4: memref<128x128xf32, #tpu.memory_space<hbm>>, %arg5: memref<2x10000x128xf32, #tpu.memory_space<hbm>>, %arg6: memref<40x2x128xi32, #tpu.memory_space<vmem>>, %arg7: memref<128x128xf32, #tpu.memory_space<vmem>>, %arg8: memref<128x128xf32, #tpu.memory_space<vmem>>, %arg9: memref<10008x128xf32, #tpu.memory_space<vmem_shared>>, %arg10: memref<!tpu.dma_semaphore, #tpu.memory_space<semaphore_mem>>, %arg11: memref<!tpu.dma_semaphore, #tpu.memory_space<semaphore_mem>>) attributes {dimension_semantics = [#tpu.dimension_semantics<core_parallel>, #tpu.dimension_semantics<subcore_parallel>], iteration_bounds = array<i64: 2, 16>, scalar_prefetch = 0 : i64, scratch_operands = 6 : i64, tpu.core_type = #tpu.core_type<sc_vector_subcore>, window_params = [{transform_indices = #map}, {transform_indices = #map1}, {transform_indices = #map}, {transform_indices = #map2}]} {
    %mul3A = arith.constant 624 : i32
    %mul3A_0 = arith.muli %arg1, %mul3A : i32
    %add3A = arith.constant 0 : i32
    %add3A_1 = arith.addi %mul3A_0, %add3A : i32
    "tpu.region"() ({
      %run_scoped3A = tpu.sem_alloc : memref<!tpu.dma_semaphore, #tpu.memory_space<semaphore_mem>>
      %dma_start3A = arith.constant 0 : i32
      %dma_start3A_43 = tpu.memref_slice %arg9[%add3A_1, %dma_start3A] : memref<10008x128xf32, #tpu.memory_space<vmem_shared>> -> memref<128x128xf32, #tpu.memory_space<vmem_shared>>
      %dma_start3A_44 = arith.constant 0 : i32
      %dma_start3A_45 = arith.constant 0 : i32
      %dma_start3A_46 = tpu.memref_slice %arg4[%dma_start3A_44, %dma_start3A_45] : memref<128x128xf32, #tpu.memory_space<hbm>> -> memref<128x128xf32, #tpu.memory_space<hbm>>
      tpu.enqueue_dma source(%dma_start3A_46 : memref<128x128xf32, #tpu.memory_space<hbm>>) target(%dma_start3A_43 : memref<128x128xf32, #tpu.memory_space<vmem_shared>>) target_semaphore(%run_scoped3A : memref<!tpu.dma_semaphore, #tpu.memory_space<semaphore_mem>>)
      %dma_wait3A = arith.constant 0 : i32
      %dma_wait3A_47 = tpu.memref_slice %arg9[%add3A_1, %dma_wait3A] : memref<10008x128xf32, #tpu.memory_space<vmem_shared>> -> memref<128x128xf32, #tpu.memory_space<vmem_shared>>
      %dma_wait3A_48 = arith.constant 0 : i32
      %dma_wait3A_49 = arith.constant 0 : i32
      %dma_wait3A_50 = tpu.memref_slice %arg4[%dma_wait3A_48, %dma_wait3A_49] : memref<128x128xf32, #tpu.memory_space<hbm>> -> memref<128x128xf32, #tpu.memory_space<hbm>>
      tpu.wait_dma2 semaphore(%run_scoped3A : memref<!tpu.dma_semaphore, #tpu.memory_space<semaphore_mem>>) src(%dma_wait3A_50 : memref<128x128xf32, #tpu.memory_space<hbm>>) dst(%dma_wait3A_47 : memref<128x128xf32, #tpu.memory_space<vmem_shared>>)
      tpu.yield
    }) : () -> ()
    %add3A_2 = arith.constant 128 : i32
    %add3A_3 = arith.addi %mul3A_0, %add3A_2 : i32
    "tpu.region"() ({
      %run_scoped3A = tpu.sem_alloc : memref<!tpu.dma_semaphore, #tpu.memory_space<semaphore_mem>>
      %dma_start3A = arith.constant 0 : i32
      %dma_start3A_43 = tpu.memref_slice %arg9[%add3A_3, %dma_start3A] : memref<10008x128xf32, #tpu.memory_space<vmem_shared>> -> memref<128x128xf32, #tpu.memory_space<vmem_shared>>
      %dma_start3A_44 = arith.constant 0 : i32
      %dma_start3A_45 = arith.constant 0 : i32
      %dma_start3A_46 = tpu.memref_slice %arg4[%dma_start3A_44, %dma_start3A_45] : memref<128x128xf32, #tpu.memory_space<hbm>> -> memref<128x128xf32, #tpu.memory_space<hbm>>
      tpu.enqueue_dma source(%dma_start3A_46 : memref<128x128xf32, #tpu.memory_space<hbm>>) target(%dma_start3A_43 : memref<128x128xf32, #tpu.memory_space<vmem_shared>>) target_semaphore(%run_scoped3A : memref<!tpu.dma_semaphore, #tpu.memory_space<semaphore_mem>>)
      %dma_wait3A = arith.constant 0 : i32
      %dma_wait3A_47 = tpu.memref_slice %arg9[%add3A_3, %dma_wait3A] : memref<10008x128xf32, #tpu.memory_space<vmem_shared>> -> memref<128x128xf32, #tpu.memory_space<vmem_shared>>
      %dma_wait3A_48 = arith.constant 0 : i32
      %dma_wait3A_49 = arith.constant 0 : i32
      %dma_wait3A_50 = tpu.memref_slice %arg4[%dma_wait3A_48, %dma_wait3A_49] : memref<128x128xf32, #tpu.memory_space<hbm>> -> memref<128x128xf32, #tpu.memory_space<hbm>>
      tpu.wait_dma2 semaphore(%run_scoped3A : memref<!tpu.dma_semaphore, #tpu.memory_space<semaphore_mem>>) src(%dma_wait3A_50 : memref<128x128xf32, #tpu.memory_space<hbm>>) dst(%dma_wait3A_47 : memref<128x128xf32, #tpu.memory_space<vmem_shared>>)
      tpu.yield
    }) : () -> ()
    %add3A_4 = arith.constant 256 : i32
    %add3A_5 = arith.addi %mul3A_0, %add3A_4 : i32
    "tpu.region"() ({
      %run_scoped3A = tpu.sem_alloc : memref<!tpu.dma_semaphore, #tpu.memory_space<semaphore_mem>>
      %dma_start3A = arith.constant 0 : i32
      %dma_start3A_43 = tpu.memref_slice %arg9[%add3A_5, %dma_start3A] : memref<10008x128xf32, #tpu.memory_space<vmem_shared>> -> memref<128x128xf32, #tpu.memory_space<vmem_shared>>
      %dma_start3A_44 = arith.constant 0 : i32
      %dma_start3A_45 = arith.constant 0 : i32
      %dma_start3A_46 = tpu.memref_slice %arg4[%dma_start3A_44, %dma_start3A_45] : memref<128x128xf32, #tpu.memory_space<hbm>> -> memref<128x128xf32, #tpu.memory_space<hbm>>
      tpu.enqueue_dma source(%dma_start3A_46 : memref<128x128xf32, #tpu.memory_space<hbm>>) target(%dma_start3A_43 : memref<128x128xf32, #tpu.memory_space<vmem_shared>>) target_semaphore(%run_scoped3A : memref<!tpu.dma_semaphore, #tpu.memory_space<semaphore_mem>>)
      %dma_wait3A = arith.constant 0 : i32
      %dma_wait3A_47 = tpu.memref_slice %arg9[%add3A_5, %dma_wait3A] : memref<10008x128xf32, #tpu.memory_space<vmem_shared>> -> memref<128x128xf32, #tpu.memory_space<vmem_shared>>
      %dma_wait3A_48 = arith.constant 0 : i32
      %dma_wait3A_49 = arith.constant 0 : i32
      %dma_wait3A_50 = tpu.memref_slice %arg4[%dma_wait3A_48, %dma_wait3A_49] : memref<128x128xf32, #tpu.memory_space<hbm>> -> memref<128x128xf32, #tpu.memory_space<hbm>>
      tpu.wait_dma2 semaphore(%run_scoped3A : memref<!tpu.dma_semaphore, #tpu.memory_space<semaphore_mem>>) src(%dma_wait3A_50 : memref<128x128xf32, #tpu.memory_space<hbm>>) dst(%dma_wait3A_47 : memref<128x128xf32, #tpu.memory_space<vmem_shared>>)
      tpu.yield
    }) : () -> ()
    %add3A_6 = arith.constant 384 : i32
    %add3A_7 = arith.addi %mul3A_0, %add3A_6 : i32
    "tpu.region"() ({
      %run_scoped3A = tpu.sem_alloc : memref<!tpu.dma_semaphore, #tpu.memory_space<semaphore_mem>>
      %dma_start3A = arith.constant 0 : i32
      %dma_start3A_43 = tpu.memref_slice %arg9[%add3A_7, %dma_start3A] : memref<10008x128xf32, #tpu.memory_space<vmem_shared>> -> memref<128x128xf32, #tpu.memory_space<vmem_shared>>
      %dma_start3A_44 = arith.constant 0 : i32
      %dma_start3A_45 = arith.constant 0 : i32
      %dma_start3A_46 = tpu.memref_slice %arg4[%dma_start3A_44, %dma_start3A_45] : memref<128x128xf32, #tpu.memory_space<hbm>> -> memref<128x128xf32, #tpu.memory_space<hbm>>
      tpu.enqueue_dma source(%dma_start3A_46 : memref<128x128xf32, #tpu.memory_space<hbm>>) target(%dma_start3A_43 : memref<128x128xf32, #tpu.memory_space<vmem_shared>>) target_semaphore(%run_scoped3A : memref<!tpu.dma_semaphore, #tpu.memory_space<semaphore_mem>>)
      %dma_wait3A = arith.constant 0 : i32
      %dma_wait3A_47 = tpu.memref_slice %arg9[%add3A_7, %dma_wait3A] : memref<10008x128xf32, #tpu.memory_space<vmem_shared>> -> memref<128x128xf32, #tpu.memory_space<vmem_shared>>
      %dma_wait3A_48 = arith.constant 0 : i32
      %dma_wait3A_49 = arith.constant 0 : i32
      %dma_wait3A_50 = tpu.memref_slice %arg4[%dma_wait3A_48, %dma_wait3A_49] : memref<128x128xf32, #tpu.memory_space<hbm>> -> memref<128x128xf32, #tpu.memory_space<hbm>>
      tpu.wait_dma2 semaphore(%run_scoped3A : memref<!tpu.dma_semaphore, #tpu.memory_space<semaphore_mem>>) src(%dma_wait3A_50 : memref<128x128xf32, #tpu.memory_space<hbm>>) dst(%dma_wait3A_47 : memref<128x128xf32, #tpu.memory_space<vmem_shared>>)
      tpu.yield
    }) : () -> ()
    %add3A_8 = arith.constant 512 : i32
    %add3A_9 = arith.addi %mul3A_0, %add3A_8 : i32
    "tpu.region"() ({
      %run_scoped3A = tpu.sem_alloc : memref<!tpu.dma_semaphore, #tpu.memory_space<semaphore_mem>>
      %dma_start3A = arith.constant 0 : i32
      %dma_start3A_43 = tpu.memref_slice %arg9[%add3A_9, %dma_start3A] : memref<10008x128xf32, #tpu.memory_space<vmem_shared>> -> memref<112x128xf32, #tpu.memory_space<vmem_shared>>
      %dma_start3A_44 = arith.constant 0 : i32
      %dma_start3A_45 = arith.constant 0 : i32
      %dma_start3A_46 = tpu.memref_slice %arg4[%dma_start3A_44, %dma_start3A_45] : memref<128x128xf32, #tpu.memory_space<hbm>> -> memref<112x128xf32, #tpu.memory_space<hbm>>
      tpu.enqueue_dma source(%dma_start3A_46 : memref<112x128xf32, #tpu.memory_space<hbm>>) target(%dma_start3A_43 : memref<112x128xf32, #tpu.memory_space<vmem_shared>>) target_semaphore(%run_scoped3A : memref<!tpu.dma_semaphore, #tpu.memory_space<semaphore_mem>>)
      %dma_wait3A = arith.constant 0 : i32
      %dma_wait3A_47 = tpu.memref_slice %arg9[%add3A_9, %dma_wait3A] : memref<10008x128xf32, #tpu.memory_space<vmem_shared>> -> memref<112x128xf32, #tpu.memory_space<vmem_shared>>
      %dma_wait3A_48 = arith.constant 0 : i32
      %dma_wait3A_49 = arith.constant 0 : i32
      %dma_wait3A_50 = tpu.memref_slice %arg4[%dma_wait3A_48, %dma_wait3A_49] : memref<128x128xf32, #tpu.memory_space<hbm>> -> memref<112x128xf32, #tpu.memory_space<hbm>>
      tpu.wait_dma2 semaphore(%run_scoped3A : memref<!tpu.dma_semaphore, #tpu.memory_space<semaphore_mem>>) src(%dma_wait3A_50 : memref<112x128xf32, #tpu.memory_space<hbm>>) dst(%dma_wait3A_47 : memref<112x128xf32, #tpu.memory_space<vmem_shared>>)
      tpu.yield
    }) : () -> ()
    %eq3A = arith.constant 15 : i32
    %eq3A_10 = arith.cmpi eq, %arg1, %eq3A : i32
    %convert_element_type3A = arith.extui %eq3A_10 : i1 to i32
    %cond3A = arith.constant 0 : i32
    %cond3A_11 = arith.cmpi ne, %convert_element_type3A, %cond3A : i32
    scf.if %cond3A_11 {
      "tpu.region"() ({
        %run_scoped3A = tpu.sem_alloc : memref<!tpu.dma_semaphore, #tpu.memory_space<semaphore_mem>>
        %dma_start3A = arith.constant 9984 : i32
        %dma_start3A_43 = arith.constant 0 : i32
        %dma_start3A_44 = tpu.memref_slice %arg9[%dma_start3A, %dma_start3A_43] : memref<10008x128xf32, #tpu.memory_space<vmem_shared>> -> memref<24x128xf32, #tpu.memory_space<vmem_shared>>
        %dma_start3A_45 = arith.constant 0 : i32
        %dma_start3A_46 = arith.constant 0 : i32
        %dma_start3A_47 = tpu.memref_slice %arg4[%dma_start3A_45, %dma_start3A_46] : memref<128x128xf32, #tpu.memory_space<hbm>> -> memref<24x128xf32, #tpu.memory_space<hbm>>
        tpu.enqueue_dma source(%dma_start3A_47 : memref<24x128xf32, #tpu.memory_space<hbm>>) target(%dma_start3A_44 : memref<24x128xf32, #tpu.memory_space<vmem_shared>>) target_semaphore(%run_scoped3A : memref<!tpu.dma_semaphore, #tpu.memory_space<semaphore_mem>>)
        %dma_wait3A = arith.constant 9984 : i32
        %dma_wait3A_48 = arith.constant 0 : i32
        %dma_wait3A_49 = tpu.memref_slice %arg9[%dma_wait3A, %dma_wait3A_48] : memref<10008x128xf32, #tpu.memory_space<vmem_shared>> -> memref<24x128xf32, #tpu.memory_space<vmem_shared>>
        %dma_wait3A_50 = arith.constant 0 : i32
        %dma_wait3A_51 = arith.constant 0 : i32
        %dma_wait3A_52 = tpu.memref_slice %arg4[%dma_wait3A_50, %dma_wait3A_51] : memref<128x128xf32, #tpu.memory_space<hbm>> -> memref<24x128xf32, #tpu.memory_space<hbm>>
        tpu.wait_dma2 semaphore(%run_scoped3A : memref<!tpu.dma_semaphore, #tpu.memory_space<semaphore_mem>>) src(%dma_wait3A_52 : memref<24x128xf32, #tpu.memory_space<hbm>>) dst(%dma_wait3A_49 : memref<24x128xf32, #tpu.memory_space<vmem_shared>>)
        tpu.yield
      }) : () -> ()
    } else {
    }
    %barrier3A = arith.constant 0 : index
    tpu.barrier barrier_id(%barrier3A)
    %scan3A = arith.constant 0 : i32
    %scan3A_12 = arith.constant 0 : i32
    %scan3A_13 = arith.constant 4 : i32
    %scan3A_14 = arith.addi %scan3A_12, %scan3A_13 : i32
    %scan3A_15 = arith.constant 1 : i32
    scf.for %scan3A_43 = %scan3A_12 to %scan3A_14 step %scan3A_15  : i32 {
      %mul3A_44 = arith.constant 160 : i32
      %mul3A_45 = arith.muli %arg1, %mul3A_44 : i32
      %mul3A_46 = arith.constant 40 : i32
      %mul3A_47 = arith.muli %scan3A_43, %mul3A_46 : i32
      %add3A_48 = arith.addi %mul3A_45, %mul3A_47 : i32
      "tpu.region"() ({
        %run_scoped3A = tpu.sem_alloc : memref<!tpu.dma_semaphore, #tpu.memory_space<semaphore_mem>>
        %dma_start3A_62 = arith.constant 0 : i32
        %dma_start3A_63 = arith.constant 0 : i32
        %dma_start3A_64 = tpu.memref_slice %arg3[%arg0, %add3A_48, %dma_start3A_62, %dma_start3A_63] : memref<2x2560x2x128xi32, #tpu.memory_space<hbm>> -> memref<1x40x2x128xi32, #tpu.memory_space<hbm>>
        %dma_start3A_65 = tpu.memref_squeeze %dma_start3A_64 : memref<1x40x2x128xi32, #tpu.memory_space<hbm>> -> memref<40x2x128xi32, #tpu.memory_space<hbm>>
        %dma_start3A_66 = arith.constant 0 : i32
        %dma_start3A_67 = arith.constant 0 : i32
        %dma_start3A_68 = tpu.memref_slice %arg3[%arg0, %add3A_48, %dma_start3A_66, %dma_start3A_67] : memref<2x2560x2x128xi32, #tpu.memory_space<hbm>> -> memref<1x40x2x128xi32, #tpu.memory_space<hbm>>
        %dma_start3A_69 = tpu.memref_squeeze %dma_start3A_68 : memref<1x40x2x128xi32, #tpu.memory_space<hbm>> -> memref<40x2x128xi32, #tpu.memory_space<hbm>>
        tpu.enqueue_dma source(%dma_start3A_69 : memref<40x2x128xi32, #tpu.memory_space<hbm>>) target(%arg6 : memref<40x2x128xi32, #tpu.memory_space<vmem>>) target_semaphore(%run_scoped3A : memref<!tpu.dma_semaphore, #tpu.memory_space<semaphore_mem>>)
        %dma_wait3A = arith.constant 0 : i32
        %dma_wait3A_70 = arith.constant 0 : i32
        %dma_wait3A_71 = tpu.memref_slice %arg3[%arg0, %add3A_48, %dma_wait3A, %dma_wait3A_70] : memref<2x2560x2x128xi32, #tpu.memory_space<hbm>> -> memref<1x40x2x128xi32, #tpu.memory_space<hbm>>
        %dma_wait3A_72 = tpu.memref_squeeze %dma_wait3A_71 : memref<1x40x2x128xi32, #tpu.memory_space<hbm>> -> memref<40x2x128xi32, #tpu.memory_space<hbm>>
        %dma_wait3A_73 = arith.constant 0 : i32
        %dma_wait3A_74 = arith.constant 0 : i32
        %dma_wait3A_75 = tpu.memref_slice %arg3[%arg0, %add3A_48, %dma_wait3A_73, %dma_wait3A_74] : memref<2x2560x2x128xi32, #tpu.memory_space<hbm>> -> memref<1x40x2x128xi32, #tpu.memory_space<hbm>>
        %dma_wait3A_76 = tpu.memref_squeeze %dma_wait3A_75 : memref<1x40x2x128xi32, #tpu.memory_space<hbm>> -> memref<40x2x128xi32, #tpu.memory_space<hbm>>
        tpu.wait_dma2 semaphore(%run_scoped3A : memref<!tpu.dma_semaphore, #tpu.memory_space<semaphore_mem>>) src(%dma_wait3A_76 : memref<40x2x128xi32, #tpu.memory_space<hbm>>) dst(%arg6 : memref<40x2x128xi32, #tpu.memory_space<vmem>>)
        tpu.yield
      }) : () -> ()
      %dma_start3A = arith.constant 0 : i32
      %dma_start3A_49 = arith.constant 0 : i32
      %dma_start3A_50 = arith.constant 0 : i32
      %dma_start3A_51 = tpu.memref_slice %arg6[%dma_start3A, %dma_start3A_49, %dma_start3A_50] : memref<40x2x128xi32, #tpu.memory_space<vmem>> -> memref<1x1x128xi32, #tpu.memory_space<vmem>>
      %dma_start3A_52 = tpu.memref_squeeze %dma_start3A_51 : memref<1x1x128xi32, #tpu.memory_space<vmem>> -> memref<128xi32, #tpu.memory_space<vmem>>
      %dma_start3A_53 = arith.constant 0 : i32
      %dma_start3A_54 = arith.constant 0 : i32
      %dma_start3A_55 = tpu.memref_slice %arg2[%dma_start3A_53, %dma_start3A_54] : memref<20000x128xf32, #tpu.memory_space<hbm>> -> memref<20000x128xf32, #tpu.memory_space<hbm>>
      tpu.enqueue_indirect_dma source(%dma_start3A_55 : memref<20000x128xf32, #tpu.memory_space<hbm>>) target(%arg7 : memref<128x128xf32, #tpu.memory_space<vmem>>) offsets(%dma_start3A_52 : memref<128xi32, #tpu.memory_space<vmem>>) semaphore(%arg10 : memref<!tpu.dma_semaphore, #tpu.memory_space<semaphore_mem>>)
      %scan3A_56 = arith.constant 0 : i32
      %scan3A_57 = arith.constant 0 : i32
      %scan3A_58 = arith.constant 20 : i32
      %scan3A_59 = arith.addi %scan3A_57, %scan3A_58 : i32
      %scan3A_60 = arith.constant 1 : i32
      scf.for %scan3A_62 = %scan3A_57 to %scan3A_59 step %scan3A_60  : i32 {
        %mul3A_63 = arith.constant 2 : i32
        %mul3A_64 = arith.muli %mul3A_63, %scan3A_62 : i32
        %add3A_65 = arith.constant 1 : i32
        %add3A_66 = arith.addi %mul3A_64, %add3A_65 : i32
        %dma_start3A_67 = arith.constant 0 : i32
        %dma_start3A_68 = arith.constant 0 : i32
        %dma_start3A_69 = tpu.memref_slice %arg6[%add3A_66, %dma_start3A_67, %dma_start3A_68] : memref<40x2x128xi32, #tpu.memory_space<vmem>> -> memref<1x1x128xi32, #tpu.memory_space<vmem>>
        %dma_start3A_70 = tpu.memref_squeeze %dma_start3A_69 : memref<1x1x128xi32, #tpu.memory_space<vmem>> -> memref<128xi32, #tpu.memory_space<vmem>>
        %dma_start3A_71 = arith.constant 0 : i32
        %dma_start3A_72 = arith.constant 0 : i32
        %dma_start3A_73 = tpu.memref_slice %arg2[%dma_start3A_71, %dma_start3A_72] : memref<20000x128xf32, #tpu.memory_space<hbm>> -> memref<20000x128xf32, #tpu.memory_space<hbm>>
        tpu.enqueue_indirect_dma source(%dma_start3A_73 : memref<20000x128xf32, #tpu.memory_space<hbm>>) target(%arg8 : memref<128x128xf32, #tpu.memory_space<vmem>>) offsets(%dma_start3A_70 : memref<128xi32, #tpu.memory_space<vmem>>) semaphore(%arg11 : memref<!tpu.dma_semaphore, #tpu.memory_space<semaphore_mem>>)
        %dma_wait3A = arith.constant 0 : i32
        %dma_wait3A_74 = arith.constant 0 : i32
        %dma_wait3A_75 = tpu.memref_slice %arg6[%mul3A_64, %dma_wait3A, %dma_wait3A_74] : memref<40x2x128xi32, #tpu.memory_space<vmem>> -> memref<1x1x128xi32, #tpu.memory_space<vmem>>
        %dma_wait3A_76 = tpu.memref_squeeze %dma_wait3A_75 : memref<1x1x128xi32, #tpu.memory_space<vmem>> -> memref<128xi32, #tpu.memory_space<vmem>>
        %dma_wait3A_77 = arith.constant 0 : i32
        %dma_wait3A_78 = arith.constant 0 : i32
        %dma_wait3A_79 = tpu.memref_slice %arg2[%dma_wait3A_77, %dma_wait3A_78] : memref<20000x128xf32, #tpu.memory_space<hbm>> -> memref<20000x128xf32, #tpu.memory_space<hbm>>
        tpu.wait_indirect_dma semaphore(%arg10 : memref<!tpu.dma_semaphore, #tpu.memory_space<semaphore_mem>>) src(%dma_wait3A_79 : memref<20000x128xf32, #tpu.memory_space<hbm>>) dst(%arg7 : memref<128x128xf32, #tpu.memory_space<vmem>>)
        %run_scoped3A = arith.constant 1 : i32
        "tpu.region"() ({
          %run_scoped3A_96 = tpu.sem_alloc : memref<!tpu.dma_semaphore, #tpu.memory_space<semaphore_mem>>
          %dma_start3A_97 = arith.constant 0 : i32
          %dma_start3A_98 = tpu.memref_slice %arg6[%mul3A_64, %run_scoped3A, %dma_start3A_97] : memref<40x2x128xi32, #tpu.memory_space<vmem>> -> memref<1x1x128xi32, #tpu.memory_space<vmem>>
          %dma_start3A_99 = tpu.memref_squeeze %dma_start3A_98 : memref<1x1x128xi32, #tpu.memory_space<vmem>> -> memref<128xi32, #tpu.memory_space<vmem>>
          %dma_start3A_100 = arith.constant 0 : i32
          %dma_start3A_101 = arith.constant 0 : i32
          %dma_start3A_102 = tpu.memref_slice %arg9[%dma_start3A_100, %dma_start3A_101] : memref<10008x128xf32, #tpu.memory_space<vmem_shared>> -> memref<10008x128xf32, #tpu.memory_space<vmem_shared>>
          tpu.enqueue_indirect_dma source(%arg7 : memref<128x128xf32, #tpu.memory_space<vmem>>) target(%dma_start3A_102 : memref<10008x128xf32, #tpu.memory_space<vmem_shared>>) offsets(%dma_start3A_99 : memref<128xi32, #tpu.memory_space<vmem>>) semaphore(%run_scoped3A_96 : memref<!tpu.dma_semaphore, #tpu.memory_space<semaphore_mem>>) {add = true}
          %dma_wait3A_103 = arith.constant 0 : i32
          %dma_wait3A_104 = tpu.memref_slice %arg6[%mul3A_64, %run_scoped3A, %dma_wait3A_103] : memref<40x2x128xi32, #tpu.memory_space<vmem>> -> memref<1x1x128xi32, #tpu.memory_space<vmem>>
          %dma_wait3A_105 = tpu.memref_squeeze %dma_wait3A_104 : memref<1x1x128xi32, #tpu.memory_space<vmem>> -> memref<128xi32, #tpu.memory_space<vmem>>
          %dma_wait3A_106 = arith.constant 0 : i32
          %dma_wait3A_107 = arith.constant 0 : i32
          %dma_wait3A_108 = tpu.memref_slice %arg9[%dma_wait3A_106, %dma_wait3A_107] : memref<10008x128xf32, #tpu.memory_space<vmem_shared>> -> memref<10008x128xf32, #tpu.memory_space<vmem_shared>>
          tpu.wait_indirect_dma semaphore(%run_scoped3A_96 : memref<!tpu.dma_semaphore, #tpu.memory_space<semaphore_mem>>) src(%arg7 : memref<128x128xf32, #tpu.memory_space<vmem>>) dst(%dma_wait3A_108 : memref<10008x128xf32, #tpu.memory_space<vmem_shared>>)
          tpu.yield
        }) : () -> ()
        %lt3A = arith.constant 19 : i32
        %lt3A_80 = arith.cmpi slt, %scan3A_62, %lt3A : i32
        %convert_element_type3A_81 = arith.extui %lt3A_80 : i1 to i32
        %cond3A_82 = arith.constant 0 : i32
        %cond3A_83 = arith.cmpi ne, %convert_element_type3A_81, %cond3A_82 : i32
        scf.if %cond3A_83 {
          %add3A_96 = arith.constant 2 : i32
          %add3A_97 = arith.addi %mul3A_64, %add3A_96 : i32
          %dma_start3A_98 = arith.constant 0 : i32
          %dma_start3A_99 = arith.constant 0 : i32
          %dma_start3A_100 = tpu.memref_slice %arg6[%add3A_97, %dma_start3A_98, %dma_start3A_99] : memref<40x2x128xi32, #tpu.memory_space<vmem>> -> memref<1x1x128xi32, #tpu.memory_space<vmem>>
          %dma_start3A_101 = tpu.memref_squeeze %dma_start3A_100 : memref<1x1x128xi32, #tpu.memory_space<vmem>> -> memref<128xi32, #tpu.memory_space<vmem>>
          %dma_start3A_102 = arith.constant 0 : i32
          %dma_start3A_103 = arith.constant 0 : i32
          %dma_start3A_104 = tpu.memref_slice %arg2[%dma_start3A_102, %dma_start3A_103] : memref<20000x128xf32, #tpu.memory_space<hbm>> -> memref<20000x128xf32, #tpu.memory_space<hbm>>
          tpu.enqueue_indirect_dma source(%dma_start3A_104 : memref<20000x128xf32, #tpu.memory_space<hbm>>) target(%arg7 : memref<128x128xf32, #tpu.memory_space<vmem>>) offsets(%dma_start3A_101 : memref<128xi32, #tpu.memory_space<vmem>>) semaphore(%arg10 : memref<!tpu.dma_semaphore, #tpu.memory_space<semaphore_mem>>)
        } else {
        }
        %add3A_84 = arith.constant 1 : i32
        %add3A_85 = arith.addi %mul3A_64, %add3A_84 : i32
        %dma_wait3A_86 = arith.constant 0 : i32
        %dma_wait3A_87 = arith.constant 0 : i32
        %dma_wait3A_88 = tpu.memref_slice %arg6[%add3A_85, %dma_wait3A_86, %dma_wait3A_87] : memref<40x2x128xi32, #tpu.memory_space<vmem>> -> memref<1x1x128xi32, #tpu.memory_space<vmem>>
        %dma_wait3A_89 = tpu.memref_squeeze %dma_wait3A_88 : memref<1x1x128xi32, #tpu.memory_space<vmem>> -> memref<128xi32, #tpu.memory_space<vmem>>
        %dma_wait3A_90 = arith.constant 0 : i32
        %dma_wait3A_91 = arith.constant 0 : i32
        %dma_wait3A_92 = tpu.memref_slice %arg2[%dma_wait3A_90, %dma_wait3A_91] : memref<20000x128xf32, #tpu.memory_space<hbm>> -> memref<20000x128xf32, #tpu.memory_space<hbm>>
        tpu.wait_indirect_dma semaphore(%arg11 : memref<!tpu.dma_semaphore, #tpu.memory_space<semaphore_mem>>) src(%dma_wait3A_92 : memref<20000x128xf32, #tpu.memory_space<hbm>>) dst(%arg8 : memref<128x128xf32, #tpu.memory_space<vmem>>)
        %add3A_93 = arith.constant 1 : i32
        %add3A_94 = arith.addi %mul3A_64, %add3A_93 : i32
        %run_scoped3A_95 = arith.constant 1 : i32
        "tpu.region"() ({
          %run_scoped3A_96 = tpu.sem_alloc : memref<!tpu.dma_semaphore, #tpu.memory_space<semaphore_mem>>
          %dma_start3A_97 = arith.constant 0 : i32
          %dma_start3A_98 = tpu.memref_slice %arg6[%add3A_94, %run_scoped3A_95, %dma_start3A_97] : memref<40x2x128xi32, #tpu.memory_space<vmem>> -> memref<1x1x128xi32, #tpu.memory_space<vmem>>
          %dma_start3A_99 = tpu.memref_squeeze %dma_start3A_98 : memref<1x1x128xi32, #tpu.memory_space<vmem>> -> memref<128xi32, #tpu.memory_space<vmem>>
          %dma_start3A_100 = arith.constant 0 : i32
          %dma_start3A_101 = arith.constant 0 : i32
          %dma_start3A_102 = tpu.memref_slice %arg9[%dma_start3A_100, %dma_start3A_101] : memref<10008x128xf32, #tpu.memory_space<vmem_shared>> -> memref<10008x128xf32, #tpu.memory_space<vmem_shared>>
          tpu.enqueue_indirect_dma source(%arg8 : memref<128x128xf32, #tpu.memory_space<vmem>>) target(%dma_start3A_102 : memref<10008x128xf32, #tpu.memory_space<vmem_shared>>) offsets(%dma_start3A_99 : memref<128xi32, #tpu.memory_space<vmem>>) semaphore(%run_scoped3A_96 : memref<!tpu.dma_semaphore, #tpu.memory_space<semaphore_mem>>) {add = true}
          %dma_wait3A_103 = arith.constant 0 : i32
          %dma_wait3A_104 = tpu.memref_slice %arg6[%add3A_94, %run_scoped3A_95, %dma_wait3A_103] : memref<40x2x128xi32, #tpu.memory_space<vmem>> -> memref<1x1x128xi32, #tpu.memory_space<vmem>>
          %dma_wait3A_105 = tpu.memref_squeeze %dma_wait3A_104 : memref<1x1x128xi32, #tpu.memory_space<vmem>> -> memref<128xi32, #tpu.memory_space<vmem>>
          %dma_wait3A_106 = arith.constant 0 : i32
          %dma_wait3A_107 = arith.constant 0 : i32
          %dma_wait3A_108 = tpu.memref_slice %arg9[%dma_wait3A_106, %dma_wait3A_107] : memref<10008x128xf32, #tpu.memory_space<vmem_shared>> -> memref<10008x128xf32, #tpu.memory_space<vmem_shared>>
          tpu.wait_indirect_dma semaphore(%run_scoped3A_96 : memref<!tpu.dma_semaphore, #tpu.memory_space<semaphore_mem>>) src(%arg8 : memref<128x128xf32, #tpu.memory_space<vmem>>) dst(%dma_wait3A_108 : memref<10008x128xf32, #tpu.memory_space<vmem_shared>>)
          tpu.yield
        }) : () -> ()
      }
      %scan3A_61 = arith.constant 20 : i32
    }
    %scan3A_16 = arith.constant 4 : i32
    %barrier3A_17 = arith.constant 0 : index
    tpu.barrier barrier_id(%barrier3A_17)
    %add3A_18 = arith.constant 0 : i32
    %add3A_19 = arith.addi %mul3A_0, %add3A_18 : i32
    %add3A_20 = arith.constant 0 : i32
    %add3A_21 = arith.addi %mul3A_0, %add3A_20 : i32
    "tpu.region"() ({
      %run_scoped3A = tpu.sem_alloc : memref<!tpu.dma_semaphore, #tpu.memory_space<semaphore_mem>>
      %dma_start3A = arith.constant 0 : i32
      %dma_start3A_43 = tpu.memref_slice %arg5[%arg0, %add3A_21, %dma_start3A] : memref<2x10000x128xf32, #tpu.memory_space<hbm>> -> memref<1x128x128xf32, #tpu.memory_space<hbm>>
      %dma_start3A_44 = tpu.memref_squeeze %dma_start3A_43 : memref<1x128x128xf32, #tpu.memory_space<hbm>> -> memref<128x128xf32, #tpu.memory_space<hbm>>
      %dma_start3A_45 = arith.constant 0 : i32
      %dma_start3A_46 = tpu.memref_slice %arg9[%add3A_19, %dma_start3A_45] : memref<10008x128xf32, #tpu.memory_space<vmem_shared>> -> memref<128x128xf32, #tpu.memory_space<vmem_shared>>
      tpu.enqueue_dma source(%dma_start3A_46 : memref<128x128xf32, #tpu.memory_space<vmem_shared>>) target(%dma_start3A_44 : memref<128x128xf32, #tpu.memory_space<hbm>>) target_semaphore(%run_scoped3A : memref<!tpu.dma_semaphore, #tpu.memory_space<semaphore_mem>>)
      %dma_wait3A = arith.constant 0 : i32
      %dma_wait3A_47 = tpu.memref_slice %arg5[%arg0, %add3A_21, %dma_wait3A] : memref<2x10000x128xf32, #tpu.memory_space<hbm>> -> memref<1x128x128xf32, #tpu.memory_space<hbm>>
      %dma_wait3A_48 = tpu.memref_squeeze %dma_wait3A_47 : memref<1x128x128xf32, #tpu.memory_space<hbm>> -> memref<128x128xf32, #tpu.memory_space<hbm>>
      %dma_wait3A_49 = arith.constant 0 : i32
      %dma_wait3A_50 = tpu.memref_slice %arg9[%add3A_19, %dma_wait3A_49] : memref<10008x128xf32, #tpu.memory_space<vmem_shared>> -> memref<128x128xf32, #tpu.memory_space<vmem_shared>>
      tpu.wait_dma2 semaphore(%run_scoped3A : memref<!tpu.dma_semaphore, #tpu.memory_space<semaphore_mem>>) src(%dma_wait3A_50 : memref<128x128xf32, #tpu.memory_space<vmem_shared>>) dst(%dma_wait3A_48 : memref<128x128xf32, #tpu.memory_space<hbm>>)
      tpu.yield
    }) : () -> ()
    %add3A_22 = arith.constant 128 : i32
    %add3A_23 = arith.addi %mul3A_0, %add3A_22 : i32
    %add3A_24 = arith.constant 128 : i32
    %add3A_25 = arith.addi %mul3A_0, %add3A_24 : i32
    "tpu.region"() ({
      %run_scoped3A = tpu.sem_alloc : memref<!tpu.dma_semaphore, #tpu.memory_space<semaphore_mem>>
      %dma_start3A = arith.constant 0 : i32
      %dma_start3A_43 = tpu.memref_slice %arg5[%arg0, %add3A_25, %dma_start3A] : memref<2x10000x128xf32, #tpu.memory_space<hbm>> -> memref<1x128x128xf32, #tpu.memory_space<hbm>>
      %dma_start3A_44 = tpu.memref_squeeze %dma_start3A_43 : memref<1x128x128xf32, #tpu.memory_space<hbm>> -> memref<128x128xf32, #tpu.memory_space<hbm>>
      %dma_start3A_45 = arith.constant 0 : i32
      %dma_start3A_46 = tpu.memref_slice %arg9[%add3A_23, %dma_start3A_45] : memref<10008x128xf32, #tpu.memory_space<vmem_shared>> -> memref<128x128xf32, #tpu.memory_space<vmem_shared>>
      tpu.enqueue_dma source(%dma_start3A_46 : memref<128x128xf32, #tpu.memory_space<vmem_shared>>) target(%dma_start3A_44 : memref<128x128xf32, #tpu.memory_space<hbm>>) target_semaphore(%run_scoped3A : memref<!tpu.dma_semaphore, #tpu.memory_space<semaphore_mem>>)
      %dma_wait3A = arith.constant 0 : i32
      %dma_wait3A_47 = tpu.memref_slice %arg5[%arg0, %add3A_25, %dma_wait3A] : memref<2x10000x128xf32, #tpu.memory_space<hbm>> -> memref<1x128x128xf32, #tpu.memory_space<hbm>>
      %dma_wait3A_48 = tpu.memref_squeeze %dma_wait3A_47 : memref<1x128x128xf32, #tpu.memory_space<hbm>> -> memref<128x128xf32, #tpu.memory_space<hbm>>
      %dma_wait3A_49 = arith.constant 0 : i32
      %dma_wait3A_50 = tpu.memref_slice %arg9[%add3A_23, %dma_wait3A_49] : memref<10008x128xf32, #tpu.memory_space<vmem_shared>> -> memref<128x128xf32, #tpu.memory_space<vmem_shared>>
      tpu.wait_dma2 semaphore(%run_scoped3A : memref<!tpu.dma_semaphore, #tpu.memory_space<semaphore_mem>>) src(%dma_wait3A_50 : memref<128x128xf32, #tpu.memory_space<vmem_shared>>) dst(%dma_wait3A_48 : memref<128x128xf32, #tpu.memory_space<hbm>>)
      tpu.yield
    }) : () -> ()
    %add3A_26 = arith.constant 256 : i32
    %add3A_27 = arith.addi %mul3A_0, %add3A_26 : i32
    %add3A_28 = arith.constant 256 : i32
    %add3A_29 = arith.addi %mul3A_0, %add3A_28 : i32
    "tpu.region"() ({
      %run_scoped3A = tpu.sem_alloc : memref<!tpu.dma_semaphore, #tpu.memory_space<semaphore_mem>>
      %dma_start3A = arith.constant 0 : i32
      %dma_start3A_43 = tpu.memref_slice %arg5[%arg0, %add3A_29, %dma_start3A] : memref<2x10000x128xf32, #tpu.memory_space<hbm>> -> memref<1x128x128xf32, #tpu.memory_space<hbm>>
      %dma_start3A_44 = tpu.memref_squeeze %dma_start3A_43 : memref<1x128x128xf32, #tpu.memory_space<hbm>> -> memref<128x128xf32, #tpu.memory_space<hbm>>
      %dma_start3A_45 = arith.constant 0 : i32
      %dma_start3A_46 = tpu.memref_slice %arg9[%add3A_27, %dma_start3A_45] : memref<10008x128xf32, #tpu.memory_space<vmem_shared>> -> memref<128x128xf32, #tpu.memory_space<vmem_shared>>
      tpu.enqueue_dma source(%dma_start3A_46 : memref<128x128xf32, #tpu.memory_space<vmem_shared>>) target(%dma_start3A_44 : memref<128x128xf32, #tpu.memory_space<hbm>>) target_semaphore(%run_scoped3A : memref<!tpu.dma_semaphore, #tpu.memory_space<semaphore_mem>>)
      %dma_wait3A = arith.constant 0 : i32
      %dma_wait3A_47 = tpu.memref_slice %arg5[%arg0, %add3A_29, %dma_wait3A] : memref<2x10000x128xf32, #tpu.memory_space<hbm>> -> memref<1x128x128xf32, #tpu.memory_space<hbm>>
      %dma_wait3A_48 = tpu.memref_squeeze %dma_wait3A_47 : memref<1x128x128xf32, #tpu.memory_space<hbm>> -> memref<128x128xf32, #tpu.memory_space<hbm>>
      %dma_wait3A_49 = arith.constant 0 : i32
      %dma_wait3A_50 = tpu.memref_slice %arg9[%add3A_27, %dma_wait3A_49] : memref<10008x128xf32, #tpu.memory_space<vmem_shared>> -> memref<128x128xf32, #tpu.memory_space<vmem_shared>>
      tpu.wait_dma2 semaphore(%run_scoped3A : memref<!tpu.dma_semaphore, #tpu.memory_space<semaphore_mem>>) src(%dma_wait3A_50 : memref<128x128xf32, #tpu.memory_space<vmem_shared>>) dst(%dma_wait3A_48 : memref<128x128xf32, #tpu.memory_space<hbm>>)
      tpu.yield
    }) : () -> ()
    %add3A_30 = arith.constant 384 : i32
    %add3A_31 = arith.addi %mul3A_0, %add3A_30 : i32
    %add3A_32 = arith.constant 384 : i32
    %add3A_33 = arith.addi %mul3A_0, %add3A_32 : i32
    "tpu.region"() ({
      %run_scoped3A = tpu.sem_alloc : memref<!tpu.dma_semaphore, #tpu.memory_space<semaphore_mem>>
      %dma_start3A = arith.constant 0 : i32
      %dma_start3A_43 = tpu.memref_slice %arg5[%arg0, %add3A_33, %dma_start3A] : memref<2x10000x128xf32, #tpu.memory_space<hbm>> -> memref<1x128x128xf32, #tpu.memory_space<hbm>>
      %dma_start3A_44 = tpu.memref_squeeze %dma_start3A_43 : memref<1x128x128xf32, #tpu.memory_space<hbm>> -> memref<128x128xf32, #tpu.memory_space<hbm>>
      %dma_start3A_45 = arith.constant 0 : i32
      %dma_start3A_46 = tpu.memref_slice %arg9[%add3A_31, %dma_start3A_45] : memref<10008x128xf32, #tpu.memory_space<vmem_shared>> -> memref<128x128xf32, #tpu.memory_space<vmem_shared>>
      tpu.enqueue_dma source(%dma_start3A_46 : memref<128x128xf32, #tpu.memory_space<vmem_shared>>) target(%dma_start3A_44 : memref<128x128xf32, #tpu.memory_space<hbm>>) target_semaphore(%run_scoped3A : memref<!tpu.dma_semaphore, #tpu.memory_space<semaphore_mem>>)
      %dma_wait3A = arith.constant 0 : i32
      %dma_wait3A_47 = tpu.memref_slice %arg5[%arg0, %add3A_33, %dma_wait3A] : memref<2x10000x128xf32, #tpu.memory_space<hbm>> -> memref<1x128x128xf32, #tpu.memory_space<hbm>>
      %dma_wait3A_48 = tpu.memref_squeeze %dma_wait3A_47 : memref<1x128x128xf32, #tpu.memory_space<hbm>> -> memref<128x128xf32, #tpu.memory_space<hbm>>
      %dma_wait3A_49 = arith.constant 0 : i32
      %dma_wait3A_50 = tpu.memref_slice %arg9[%add3A_31, %dma_wait3A_49] : memref<10008x128xf32, #tpu.memory_space<vmem_shared>> -> memref<128x128xf32, #tpu.memory_space<vmem_shared>>
      tpu.wait_dma2 semaphore(%run_scoped3A : memref<!tpu.dma_semaphore, #tpu.memory_space<semaphore_mem>>) src(%dma_wait3A_50 : memref<128x128xf32, #tpu.memory_space<vmem_shared>>) dst(%dma_wait3A_48 : memref<128x128xf32, #tpu.memory_space<hbm>>)
      tpu.yield
    }) : () -> ()
    %add3A_34 = arith.constant 512 : i32
    %add3A_35 = arith.addi %mul3A_0, %add3A_34 : i32
    %add3A_36 = arith.constant 512 : i32
    %add3A_37 = arith.addi %mul3A_0, %add3A_36 : i32
    "tpu.region"() ({
      %run_scoped3A = tpu.sem_alloc : memref<!tpu.dma_semaphore, #tpu.memory_space<semaphore_mem>>
      %dma_start3A = arith.constant 0 : i32
      %dma_start3A_43 = tpu.memref_slice %arg5[%arg0, %add3A_37, %dma_start3A] : memref<2x10000x128xf32, #tpu.memory_space<hbm>> -> memref<1x112x128xf32, #tpu.memory_space<hbm>>
      %dma_start3A_44 = tpu.memref_squeeze %dma_start3A_43 : memref<1x112x128xf32, #tpu.memory_space<hbm>> -> memref<112x128xf32, #tpu.memory_space<hbm>>
      %dma_start3A_45 = arith.constant 0 : i32
      %dma_start3A_46 = tpu.memref_slice %arg9[%add3A_35, %dma_start3A_45] : memref<10008x128xf32, #tpu.memory_space<vmem_shared>> -> memref<112x128xf32, #tpu.memory_space<vmem_shared>>
      tpu.enqueue_dma source(%dma_start3A_46 : memref<112x128xf32, #tpu.memory_space<vmem_shared>>) target(%dma_start3A_44 : memref<112x128xf32, #tpu.memory_space<hbm>>) target_semaphore(%run_scoped3A : memref<!tpu.dma_semaphore, #tpu.memory_space<semaphore_mem>>)
      %dma_wait3A = arith.constant 0 : i32
      %dma_wait3A_47 = tpu.memref_slice %arg5[%arg0, %add3A_37, %dma_wait3A] : memref<2x10000x128xf32, #tpu.memory_space<hbm>> -> memref<1x112x128xf32, #tpu.memory_space<hbm>>
      %dma_wait3A_48 = tpu.memref_squeeze %dma_wait3A_47 : memref<1x112x128xf32, #tpu.memory_space<hbm>> -> memref<112x128xf32, #tpu.memory_space<hbm>>
      %dma_wait3A_49 = arith.constant 0 : i32
      %dma_wait3A_50 = tpu.memref_slice %arg9[%add3A_35, %dma_wait3A_49] : memref<10008x128xf32, #tpu.memory_space<vmem_shared>> -> memref<112x128xf32, #tpu.memory_space<vmem_shared>>
      tpu.wait_dma2 semaphore(%run_scoped3A : memref<!tpu.dma_semaphore, #tpu.memory_space<semaphore_mem>>) src(%dma_wait3A_50 : memref<112x128xf32, #tpu.memory_space<vmem_shared>>) dst(%dma_wait3A_48 : memref<112x128xf32, #tpu.memory_space<hbm>>)
      tpu.yield
    }) : () -> ()
    %eq3A_38 = arith.constant 15 : i32
    %eq3A_39 = arith.cmpi eq, %arg1, %eq3A_38 : i32
    %convert_element_type3A_40 = arith.extui %eq3A_39 : i1 to i32
    %cond3A_41 = arith.constant 0 : i32
    %cond3A_42 = arith.cmpi ne, %convert_element_type3A_40, %cond3A_41 : i32
    scf.if %cond3A_42 {
      "tpu.region"() ({
        %run_scoped3A = tpu.sem_alloc : memref<!tpu.dma_semaphore, #tpu.memory_space<semaphore_mem>>
        %dma_start3A = arith.constant 9984 : i32
        %dma_start3A_43 = arith.constant 0 : i32
        %dma_start3A_44 = tpu.memref_slice %arg5[%arg0, %dma_start3A, %dma_start3A_43] : memref<2x10000x128xf32, #tpu.memory_space<hbm>> -> memref<1x16x128xf32, #tpu.memory_space<hbm>>
        %dma_start3A_45 = tpu.memref_squeeze %dma_start3A_44 : memref<1x16x128xf32, #tpu.memory_space<hbm>> -> memref<16x128xf32, #tpu.memory_space<hbm>>
        %dma_start3A_46 = arith.constant 9984 : i32
        %dma_start3A_47 = arith.constant 0 : i32
        %dma_start3A_48 = tpu.memref_slice %arg9[%dma_start3A_46, %dma_start3A_47] : memref<10008x128xf32, #tpu.memory_space<vmem_shared>> -> memref<16x128xf32, #tpu.memory_space<vmem_shared>>
        tpu.enqueue_dma source(%dma_start3A_48 : memref<16x128xf32, #tpu.memory_space<vmem_shared>>) target(%dma_start3A_45 : memref<16x128xf32, #tpu.memory_space<hbm>>) target_semaphore(%run_scoped3A : memref<!tpu.dma_semaphore, #tpu.memory_space<semaphore_mem>>)
        %dma_wait3A = arith.constant 9984 : i32
        %dma_wait3A_49 = arith.constant 0 : i32
        %dma_wait3A_50 = tpu.memref_slice %arg5[%arg0, %dma_wait3A, %dma_wait3A_49] : memref<2x10000x128xf32, #tpu.memory_space<hbm>> -> memref<1x16x128xf32, #tpu.memory_space<hbm>>
        %dma_wait3A_51 = tpu.memref_squeeze %dma_wait3A_50 : memref<1x16x128xf32, #tpu.memory_space<hbm>> -> memref<16x128xf32, #tpu.memory_space<hbm>>
        %dma_wait3A_52 = arith.constant 9984 : i32
        %dma_wait3A_53 = arith.constant 0 : i32
        %dma_wait3A_54 = tpu.memref_slice %arg9[%dma_wait3A_52, %dma_wait3A_53] : memref<10008x128xf32, #tpu.memory_space<vmem_shared>> -> memref<16x128xf32, #tpu.memory_space<vmem_shared>>
        tpu.wait_dma2 semaphore(%run_scoped3A : memref<!tpu.dma_semaphore, #tpu.memory_space<semaphore_mem>>) src(%dma_wait3A_54 : memref<16x128xf32, #tpu.memory_space<vmem_shared>>) dst(%dma_wait3A_51 : memref<16x128xf32, #tpu.memory_space<hbm>>)
        tpu.yield
      }) : () -> ()
    } else {
    }
    return
  }
}

#map = affine_map<(d0, d1) -> (0, 0)>
#map1 = affine_map<(d0, d1) -> (0, 0, 0, 0)>
#map2 = affine_map<(d0, d1) -> (0, 0, 0)>
module attributes {stable_mosaic.version = 14 : i64} {
  func.func @agg(%arg0: i32, %arg1: i32, %arg2: memref<20000x128xf32, #tpu.memory_space<hbm>>, %arg3: memref<2x2560x2x128xi32, #tpu.memory_space<hbm>>, %arg4: memref<128x128xf32, #tpu.memory_space<hbm>>, %arg5: memref<2x10000x128xf32, #tpu.memory_space<hbm>>, %arg6: memref<40x2x128xi32, #tpu.memory_space<vmem>>, %arg7: memref<128x128xf32, #tpu.memory_space<vmem>>, %arg8: memref<128x128xf32, #tpu.memory_space<vmem>>, %arg9: memref<10008x128xf32, #tpu.memory_space<vmem_shared>>, %arg10: memref<!tpu.dma_semaphore, #tpu.memory_space<semaphore_mem>>, %arg11: memref<!tpu.dma_semaphore, #tpu.memory_space<semaphore_mem>>) attributes {dimension_semantics = [#tpu.dimension_semantics<core_parallel>, #tpu.dimension_semantics<subcore_parallel>], iteration_bounds = array<i64: 2, 16>, scalar_prefetch = 0 : i64, scratch_operands = 6 : i64, tpu.core_type = #tpu.core_type<sc_vector_subcore>, window_params = [{transform_indices = #map}, {transform_indices = #map1}, {transform_indices = #map}, {transform_indices = #map2}]} {
    %mul3A = arith.constant 624 : i32
    %mul3A_0 = arith.muli %arg1, %mul3A : i32
    %add3A = arith.constant 0 : i32
    %add3A_1 = arith.addi %mul3A_0, %add3A : i32
    "tpu.region"() ({
      %run_scoped3A = tpu.sem_alloc : memref<!tpu.dma_semaphore, #tpu.memory_space<semaphore_mem>>
      %dma_start3A = arith.constant 0 : i32
      %dma_start3A_43 = tpu.memref_slice %arg9[%add3A_1, %dma_start3A] : memref<10008x128xf32, #tpu.memory_space<vmem_shared>> -> memref<128x128xf32, #tpu.memory_space<vmem_shared>>
      %dma_start3A_44 = arith.constant 0 : i32
      %dma_start3A_45 = arith.constant 0 : i32
      %dma_start3A_46 = tpu.memref_slice %arg4[%dma_start3A_44, %dma_start3A_45] : memref<128x128xf32, #tpu.memory_space<hbm>> -> memref<128x128xf32, #tpu.memory_space<hbm>>
      tpu.enqueue_dma source(%dma_start3A_46 : memref<128x128xf32, #tpu.memory_space<hbm>>) target(%dma_start3A_43 : memref<128x128xf32, #tpu.memory_space<vmem_shared>>) target_semaphore(%run_scoped3A : memref<!tpu.dma_semaphore, #tpu.memory_space<semaphore_mem>>)
      %dma_wait3A = arith.constant 0 : i32
      %dma_wait3A_47 = tpu.memref_slice %arg9[%add3A_1, %dma_wait3A] : memref<10008x128xf32, #tpu.memory_space<vmem_shared>> -> memref<128x128xf32, #tpu.memory_space<vmem_shared>>
      %dma_wait3A_48 = arith.constant 0 : i32
      %dma_wait3A_49 = arith.constant 0 : i32
      %dma_wait3A_50 = tpu.memref_slice %arg4[%dma_wait3A_48, %dma_wait3A_49] : memref<128x128xf32, #tpu.memory_space<hbm>> -> memref<128x128xf32, #tpu.memory_space<hbm>>
      tpu.wait_dma2 semaphore(%run_scoped3A : memref<!tpu.dma_semaphore, #tpu.memory_space<semaphore_mem>>) src(%dma_wait3A_50 : memref<128x128xf32, #tpu.memory_space<hbm>>) dst(%dma_wait3A_47 : memref<128x128xf32, #tpu.memory_space<vmem_shared>>)
      tpu.yield
    }) : () -> ()
    %add3A_2 = arith.constant 128 : i32
    %add3A_3 = arith.addi %mul3A_0, %add3A_2 : i32
    "tpu.region"() ({
      %run_scoped3A = tpu.sem_alloc : memref<!tpu.dma_semaphore, #tpu.memory_space<semaphore_mem>>
      %dma_start3A = arith.constant 0 : i32
      %dma_start3A_43 = tpu.memref_slice %arg9[%add3A_3, %dma_start3A] : memref<10008x128xf32, #tpu.memory_space<vmem_shared>> -> memref<128x128xf32, #tpu.memory_space<vmem_shared>>
      %dma_start3A_44 = arith.constant 0 : i32
      %dma_start3A_45 = arith.constant 0 : i32
      %dma_start3A_46 = tpu.memref_slice %arg4[%dma_start3A_44, %dma_start3A_45] : memref<128x128xf32, #tpu.memory_space<hbm>> -> memref<128x128xf32, #tpu.memory_space<hbm>>
      tpu.enqueue_dma source(%dma_start3A_46 : memref<128x128xf32, #tpu.memory_space<hbm>>) target(%dma_start3A_43 : memref<128x128xf32, #tpu.memory_space<vmem_shared>>) target_semaphore(%run_scoped3A : memref<!tpu.dma_semaphore, #tpu.memory_space<semaphore_mem>>)
      %dma_wait3A = arith.constant 0 : i32
      %dma_wait3A_47 = tpu.memref_slice %arg9[%add3A_3, %dma_wait3A] : memref<10008x128xf32, #tpu.memory_space<vmem_shared>> -> memref<128x128xf32, #tpu.memory_space<vmem_shared>>
      %dma_wait3A_48 = arith.constant 0 : i32
      %dma_wait3A_49 = arith.constant 0 : i32
      %dma_wait3A_50 = tpu.memref_slice %arg4[%dma_wait3A_48, %dma_wait3A_49] : memref<128x128xf32, #tpu.memory_space<hbm>> -> memref<128x128xf32, #tpu.memory_space<hbm>>
      tpu.wait_dma2 semaphore(%run_scoped3A : memref<!tpu.dma_semaphore, #tpu.memory_space<semaphore_mem>>) src(%dma_wait3A_50 : memref<128x128xf32, #tpu.memory_space<hbm>>) dst(%dma_wait3A_47 : memref<128x128xf32, #tpu.memory_space<vmem_shared>>)
      tpu.yield
    }) : () -> ()
    %add3A_4 = arith.constant 256 : i32
    %add3A_5 = arith.addi %mul3A_0, %add3A_4 : i32
    "tpu.region"() ({
      %run_scoped3A = tpu.sem_alloc : memref<!tpu.dma_semaphore, #tpu.memory_space<semaphore_mem>>
      %dma_start3A = arith.constant 0 : i32
      %dma_start3A_43 = tpu.memref_slice %arg9[%add3A_5, %dma_start3A] : memref<10008x128xf32, #tpu.memory_space<vmem_shared>> -> memref<128x128xf32, #tpu.memory_space<vmem_shared>>
      %dma_start3A_44 = arith.constant 0 : i32
      %dma_start3A_45 = arith.constant 0 : i32
      %dma_start3A_46 = tpu.memref_slice %arg4[%dma_start3A_44, %dma_start3A_45] : memref<128x128xf32, #tpu.memory_space<hbm>> -> memref<128x128xf32, #tpu.memory_space<hbm>>
      tpu.enqueue_dma source(%dma_start3A_46 : memref<128x128xf32, #tpu.memory_space<hbm>>) target(%dma_start3A_43 : memref<128x128xf32, #tpu.memory_space<vmem_shared>>) target_semaphore(%run_scoped3A : memref<!tpu.dma_semaphore, #tpu.memory_space<semaphore_mem>>)
      %dma_wait3A = arith.constant 0 : i32
      %dma_wait3A_47 = tpu.memref_slice %arg9[%add3A_5, %dma_wait3A] : memref<10008x128xf32, #tpu.memory_space<vmem_shared>> -> memref<128x128xf32, #tpu.memory_space<vmem_shared>>
      %dma_wait3A_48 = arith.constant 0 : i32
      %dma_wait3A_49 = arith.constant 0 : i32
      %dma_wait3A_50 = tpu.memref_slice %arg4[%dma_wait3A_48, %dma_wait3A_49] : memref<128x128xf32, #tpu.memory_space<hbm>> -> memref<128x128xf32, #tpu.memory_space<hbm>>
      tpu.wait_dma2 semaphore(%run_scoped3A : memref<!tpu.dma_semaphore, #tpu.memory_space<semaphore_mem>>) src(%dma_wait3A_50 : memref<128x128xf32, #tpu.memory_space<hbm>>) dst(%dma_wait3A_47 : memref<128x128xf32, #tpu.memory_space<vmem_shared>>)
      tpu.yield
    }) : () -> ()
    %add3A_6 = arith.constant 384 : i32
    %add3A_7 = arith.addi %mul3A_0, %add3A_6 : i32
    "tpu.region"() ({
      %run_scoped3A = tpu.sem_alloc : memref<!tpu.dma_semaphore, #tpu.memory_space<semaphore_mem>>
      %dma_start3A = arith.constant 0 : i32
      %dma_start3A_43 = tpu.memref_slice %arg9[%add3A_7, %dma_start3A] : memref<10008x128xf32, #tpu.memory_space<vmem_shared>> -> memref<128x128xf32, #tpu.memory_space<vmem_shared>>
      %dma_start3A_44 = arith.constant 0 : i32
      %dma_start3A_45 = arith.constant 0 : i32
      %dma_start3A_46 = tpu.memref_slice %arg4[%dma_start3A_44, %dma_start3A_45] : memref<128x128xf32, #tpu.memory_space<hbm>> -> memref<128x128xf32, #tpu.memory_space<hbm>>
      tpu.enqueue_dma source(%dma_start3A_46 : memref<128x128xf32, #tpu.memory_space<hbm>>) target(%dma_start3A_43 : memref<128x128xf32, #tpu.memory_space<vmem_shared>>) target_semaphore(%run_scoped3A : memref<!tpu.dma_semaphore, #tpu.memory_space<semaphore_mem>>)
      %dma_wait3A = arith.constant 0 : i32
      %dma_wait3A_47 = tpu.memref_slice %arg9[%add3A_7, %dma_wait3A] : memref<10008x128xf32, #tpu.memory_space<vmem_shared>> -> memref<128x128xf32, #tpu.memory_space<vmem_shared>>
      %dma_wait3A_48 = arith.constant 0 : i32
      %dma_wait3A_49 = arith.constant 0 : i32
      %dma_wait3A_50 = tpu.memref_slice %arg4[%dma_wait3A_48, %dma_wait3A_49] : memref<128x128xf32, #tpu.memory_space<hbm>> -> memref<128x128xf32, #tpu.memory_space<hbm>>
      tpu.wait_dma2 semaphore(%run_scoped3A : memref<!tpu.dma_semaphore, #tpu.memory_space<semaphore_mem>>) src(%dma_wait3A_50 : memref<128x128xf32, #tpu.memory_space<hbm>>) dst(%dma_wait3A_47 : memref<128x128xf32, #tpu.memory_space<vmem_shared>>)
      tpu.yield
    }) : () -> ()
    %add3A_8 = arith.constant 512 : i32
    %add3A_9 = arith.addi %mul3A_0, %add3A_8 : i32
    "tpu.region"() ({
      %run_scoped3A = tpu.sem_alloc : memref<!tpu.dma_semaphore, #tpu.memory_space<semaphore_mem>>
      %dma_start3A = arith.constant 0 : i32
      %dma_start3A_43 = tpu.memref_slice %arg9[%add3A_9, %dma_start3A] : memref<10008x128xf32, #tpu.memory_space<vmem_shared>> -> memref<112x128xf32, #tpu.memory_space<vmem_shared>>
      %dma_start3A_44 = arith.constant 0 : i32
      %dma_start3A_45 = arith.constant 0 : i32
      %dma_start3A_46 = tpu.memref_slice %arg4[%dma_start3A_44, %dma_start3A_45] : memref<128x128xf32, #tpu.memory_space<hbm>> -> memref<112x128xf32, #tpu.memory_space<hbm>>
      tpu.enqueue_dma source(%dma_start3A_46 : memref<112x128xf32, #tpu.memory_space<hbm>>) target(%dma_start3A_43 : memref<112x128xf32, #tpu.memory_space<vmem_shared>>) target_semaphore(%run_scoped3A : memref<!tpu.dma_semaphore, #tpu.memory_space<semaphore_mem>>)
      %dma_wait3A = arith.constant 0 : i32
      %dma_wait3A_47 = tpu.memref_slice %arg9[%add3A_9, %dma_wait3A] : memref<10008x128xf32, #tpu.memory_space<vmem_shared>> -> memref<112x128xf32, #tpu.memory_space<vmem_shared>>
      %dma_wait3A_48 = arith.constant 0 : i32
      %dma_wait3A_49 = arith.constant 0 : i32
      %dma_wait3A_50 = tpu.memref_slice %arg4[%dma_wait3A_48, %dma_wait3A_49] : memref<128x128xf32, #tpu.memory_space<hbm>> -> memref<112x128xf32, #tpu.memory_space<hbm>>
      tpu.wait_dma2 semaphore(%run_scoped3A : memref<!tpu.dma_semaphore, #tpu.memory_space<semaphore_mem>>) src(%dma_wait3A_50 : memref<112x128xf32, #tpu.memory_space<hbm>>) dst(%dma_wait3A_47 : memref<112x128xf32, #tpu.memory_space<vmem_shared>>)
      tpu.yield
    }) : () -> ()
    %eq3A = arith.constant 15 : i32
    %eq3A_10 = arith.cmpi eq, %arg1, %eq3A : i32
    %convert_element_type3A = arith.extui %eq3A_10 : i1 to i32
    %cond3A = arith.constant 0 : i32
    %cond3A_11 = arith.cmpi ne, %convert_element_type3A, %cond3A : i32
    scf.if %cond3A_11 {
      "tpu.region"() ({
        %run_scoped3A = tpu.sem_alloc : memref<!tpu.dma_semaphore, #tpu.memory_space<semaphore_mem>>
        %dma_start3A = arith.constant 9984 : i32
        %dma_start3A_43 = arith.constant 0 : i32
        %dma_start3A_44 = tpu.memref_slice %arg9[%dma_start3A, %dma_start3A_43] : memref<10008x128xf32, #tpu.memory_space<vmem_shared>> -> memref<24x128xf32, #tpu.memory_space<vmem_shared>>
        %dma_start3A_45 = arith.constant 0 : i32
        %dma_start3A_46 = arith.constant 0 : i32
        %dma_start3A_47 = tpu.memref_slice %arg4[%dma_start3A_45, %dma_start3A_46] : memref<128x128xf32, #tpu.memory_space<hbm>> -> memref<24x128xf32, #tpu.memory_space<hbm>>
        tpu.enqueue_dma source(%dma_start3A_47 : memref<24x128xf32, #tpu.memory_space<hbm>>) target(%dma_start3A_44 : memref<24x128xf32, #tpu.memory_space<vmem_shared>>) target_semaphore(%run_scoped3A : memref<!tpu.dma_semaphore, #tpu.memory_space<semaphore_mem>>)
        %dma_wait3A = arith.constant 9984 : i32
        %dma_wait3A_48 = arith.constant 0 : i32
        %dma_wait3A_49 = tpu.memref_slice %arg9[%dma_wait3A, %dma_wait3A_48] : memref<10008x128xf32, #tpu.memory_space<vmem_shared>> -> memref<24x128xf32, #tpu.memory_space<vmem_shared>>
        %dma_wait3A_50 = arith.constant 0 : i32
        %dma_wait3A_51 = arith.constant 0 : i32
        %dma_wait3A_52 = tpu.memref_slice %arg4[%dma_wait3A_50, %dma_wait3A_51] : memref<128x128xf32, #tpu.memory_space<hbm>> -> memref<24x128xf32, #tpu.memory_space<hbm>>
        tpu.wait_dma2 semaphore(%run_scoped3A : memref<!tpu.dma_semaphore, #tpu.memory_space<semaphore_mem>>) src(%dma_wait3A_52 : memref<24x128xf32, #tpu.memory_space<hbm>>) dst(%dma_wait3A_49 : memref<24x128xf32, #tpu.memory_space<vmem_shared>>)
        tpu.yield
      }) : () -> ()
    } else {
    }
    %barrier3A = arith.constant 0 : index
    tpu.barrier barrier_id(%barrier3A)
    %scan3A = arith.constant 0 : i32
    %scan3A_12 = arith.constant 0 : i32
    %scan3A_13 = arith.constant 4 : i32
    %scan3A_14 = arith.addi %scan3A_12, %scan3A_13 : i32
    %scan3A_15 = arith.constant 1 : i32
    scf.for %scan3A_43 = %scan3A_12 to %scan3A_14 step %scan3A_15  : i32 {
      %mul3A_44 = arith.constant 160 : i32
      %mul3A_45 = arith.muli %arg1, %mul3A_44 : i32
      %mul3A_46 = arith.constant 40 : i32
      %mul3A_47 = arith.muli %scan3A_43, %mul3A_46 : i32
      %add3A_48 = arith.addi %mul3A_45, %mul3A_47 : i32
      "tpu.region"() ({
        %run_scoped3A = tpu.sem_alloc : memref<!tpu.dma_semaphore, #tpu.memory_space<semaphore_mem>>
        %dma_start3A_62 = arith.constant 0 : i32
        %dma_start3A_63 = arith.constant 0 : i32
        %dma_start3A_64 = tpu.memref_slice %arg3[%arg0, %add3A_48, %dma_start3A_62, %dma_start3A_63] : memref<2x2560x2x128xi32, #tpu.memory_space<hbm>> -> memref<1x40x2x128xi32, #tpu.memory_space<hbm>>
        %dma_start3A_65 = tpu.memref_squeeze %dma_start3A_64 : memref<1x40x2x128xi32, #tpu.memory_space<hbm>> -> memref<40x2x128xi32, #tpu.memory_space<hbm>>
        %dma_start3A_66 = arith.constant 0 : i32
        %dma_start3A_67 = arith.constant 0 : i32
        %dma_start3A_68 = tpu.memref_slice %arg3[%arg0, %add3A_48, %dma_start3A_66, %dma_start3A_67] : memref<2x2560x2x128xi32, #tpu.memory_space<hbm>> -> memref<1x40x2x128xi32, #tpu.memory_space<hbm>>
        %dma_start3A_69 = tpu.memref_squeeze %dma_start3A_68 : memref<1x40x2x128xi32, #tpu.memory_space<hbm>> -> memref<40x2x128xi32, #tpu.memory_space<hbm>>
        tpu.enqueue_dma source(%dma_start3A_69 : memref<40x2x128xi32, #tpu.memory_space<hbm>>) target(%arg6 : memref<40x2x128xi32, #tpu.memory_space<vmem>>) target_semaphore(%run_scoped3A : memref<!tpu.dma_semaphore, #tpu.memory_space<semaphore_mem>>)
        %dma_wait3A = arith.constant 0 : i32
        %dma_wait3A_70 = arith.constant 0 : i32
        %dma_wait3A_71 = tpu.memref_slice %arg3[%arg0, %add3A_48, %dma_wait3A, %dma_wait3A_70] : memref<2x2560x2x128xi32, #tpu.memory_space<hbm>> -> memref<1x40x2x128xi32, #tpu.memory_space<hbm>>
        %dma_wait3A_72 = tpu.memref_squeeze %dma_wait3A_71 : memref<1x40x2x128xi32, #tpu.memory_space<hbm>> -> memref<40x2x128xi32, #tpu.memory_space<hbm>>
        %dma_wait3A_73 = arith.constant 0 : i32
        %dma_wait3A_74 = arith.constant 0 : i32
        %dma_wait3A_75 = tpu.memref_slice %arg3[%arg0, %add3A_48, %dma_wait3A_73, %dma_wait3A_74] : memref<2x2560x2x128xi32, #tpu.memory_space<hbm>> -> memref<1x40x2x128xi32, #tpu.memory_space<hbm>>
        %dma_wait3A_76 = tpu.memref_squeeze %dma_wait3A_75 : memref<1x40x2x128xi32, #tpu.memory_space<hbm>> -> memref<40x2x128xi32, #tpu.memory_space<hbm>>
        tpu.wait_dma2 semaphore(%run_scoped3A : memref<!tpu.dma_semaphore, #tpu.memory_space<semaphore_mem>>) src(%dma_wait3A_76 : memref<40x2x128xi32, #tpu.memory_space<hbm>>) dst(%arg6 : memref<40x2x128xi32, #tpu.memory_space<vmem>>)
        tpu.yield
      }) : () -> ()
      %dma_start3A = arith.constant 0 : i32
      %dma_start3A_49 = arith.constant 0 : i32
      %dma_start3A_50 = arith.constant 0 : i32
      %dma_start3A_51 = tpu.memref_slice %arg6[%dma_start3A, %dma_start3A_49, %dma_start3A_50] : memref<40x2x128xi32, #tpu.memory_space<vmem>> -> memref<1x1x128xi32, #tpu.memory_space<vmem>>
      %dma_start3A_52 = tpu.memref_squeeze %dma_start3A_51 : memref<1x1x128xi32, #tpu.memory_space<vmem>> -> memref<128xi32, #tpu.memory_space<vmem>>
      %dma_start3A_53 = arith.constant 0 : i32
      %dma_start3A_54 = arith.constant 0 : i32
      %dma_start3A_55 = tpu.memref_slice %arg2[%dma_start3A_53, %dma_start3A_54] : memref<20000x128xf32, #tpu.memory_space<hbm>> -> memref<20000x128xf32, #tpu.memory_space<hbm>>
      tpu.enqueue_indirect_dma source(%dma_start3A_55 : memref<20000x128xf32, #tpu.memory_space<hbm>>) target(%arg7 : memref<128x128xf32, #tpu.memory_space<vmem>>) offsets(%dma_start3A_52 : memref<128xi32, #tpu.memory_space<vmem>>) semaphore(%arg10 : memref<!tpu.dma_semaphore, #tpu.memory_space<semaphore_mem>>)
      %scan3A_56 = arith.constant 0 : i32
      %scan3A_57 = arith.constant 0 : i32
      %scan3A_58 = arith.constant 20 : i32
      %scan3A_59 = arith.addi %scan3A_57, %scan3A_58 : i32
      %scan3A_60 = arith.constant 1 : i32
      scf.for %scan3A_62 = %scan3A_57 to %scan3A_59 step %scan3A_60  : i32 {
        %mul3A_63 = arith.constant 2 : i32
        %mul3A_64 = arith.muli %mul3A_63, %scan3A_62 : i32
        %add3A_65 = arith.constant 1 : i32
        %add3A_66 = arith.addi %mul3A_64, %add3A_65 : i32
        %dma_start3A_67 = arith.constant 0 : i32
        %dma_start3A_68 = arith.constant 0 : i32
        %dma_start3A_69 = tpu.memref_slice %arg6[%add3A_66, %dma_start3A_67, %dma_start3A_68] : memref<40x2x128xi32, #tpu.memory_space<vmem>> -> memref<1x1x128xi32, #tpu.memory_space<vmem>>
        %dma_start3A_70 = tpu.memref_squeeze %dma_start3A_69 : memref<1x1x128xi32, #tpu.memory_space<vmem>> -> memref<128xi32, #tpu.memory_space<vmem>>
        %dma_start3A_71 = arith.constant 0 : i32
        %dma_start3A_72 = arith.constant 0 : i32
        %dma_start3A_73 = tpu.memref_slice %arg2[%dma_start3A_71, %dma_start3A_72] : memref<20000x128xf32, #tpu.memory_space<hbm>> -> memref<20000x128xf32, #tpu.memory_space<hbm>>
        tpu.enqueue_indirect_dma source(%dma_start3A_73 : memref<20000x128xf32, #tpu.memory_space<hbm>>) target(%arg8 : memref<128x128xf32, #tpu.memory_space<vmem>>) offsets(%dma_start3A_70 : memref<128xi32, #tpu.memory_space<vmem>>) semaphore(%arg11 : memref<!tpu.dma_semaphore, #tpu.memory_space<semaphore_mem>>)
        %dma_wait3A = arith.constant 0 : i32
        %dma_wait3A_74 = arith.constant 0 : i32
        %dma_wait3A_75 = tpu.memref_slice %arg6[%mul3A_64, %dma_wait3A, %dma_wait3A_74] : memref<40x2x128xi32, #tpu.memory_space<vmem>> -> memref<1x1x128xi32, #tpu.memory_space<vmem>>
        %dma_wait3A_76 = tpu.memref_squeeze %dma_wait3A_75 : memref<1x1x128xi32, #tpu.memory_space<vmem>> -> memref<128xi32, #tpu.memory_space<vmem>>
        %dma_wait3A_77 = arith.constant 0 : i32
        %dma_wait3A_78 = arith.constant 0 : i32
        %dma_wait3A_79 = tpu.memref_slice %arg2[%dma_wait3A_77, %dma_wait3A_78] : memref<20000x128xf32, #tpu.memory_space<hbm>> -> memref<20000x128xf32, #tpu.memory_space<hbm>>
        tpu.wait_indirect_dma semaphore(%arg10 : memref<!tpu.dma_semaphore, #tpu.memory_space<semaphore_mem>>) src(%dma_wait3A_79 : memref<20000x128xf32, #tpu.memory_space<hbm>>) dst(%arg7 : memref<128x128xf32, #tpu.memory_space<vmem>>)
        %run_scoped3A = arith.constant 1 : i32
        "tpu.region"() ({
          %run_scoped3A_96 = tpu.sem_alloc : memref<!tpu.dma_semaphore, #tpu.memory_space<semaphore_mem>>
          %dma_start3A_97 = arith.constant 0 : i32
          %dma_start3A_98 = tpu.memref_slice %arg6[%mul3A_64, %run_scoped3A, %dma_start3A_97] : memref<40x2x128xi32, #tpu.memory_space<vmem>> -> memref<1x1x128xi32, #tpu.memory_space<vmem>>
          %dma_start3A_99 = tpu.memref_squeeze %dma_start3A_98 : memref<1x1x128xi32, #tpu.memory_space<vmem>> -> memref<128xi32, #tpu.memory_space<vmem>>
          %dma_start3A_100 = arith.constant 0 : i32
          %dma_start3A_101 = arith.constant 0 : i32
          %dma_start3A_102 = tpu.memref_slice %arg9[%dma_start3A_100, %dma_start3A_101] : memref<10008x128xf32, #tpu.memory_space<vmem_shared>> -> memref<10008x128xf32, #tpu.memory_space<vmem_shared>>
          tpu.enqueue_indirect_dma source(%arg7 : memref<128x128xf32, #tpu.memory_space<vmem>>) target(%dma_start3A_102 : memref<10008x128xf32, #tpu.memory_space<vmem_shared>>) offsets(%dma_start3A_99 : memref<128xi32, #tpu.memory_space<vmem>>) semaphore(%run_scoped3A_96 : memref<!tpu.dma_semaphore, #tpu.memory_space<semaphore_mem>>) {add = true}
          %dma_wait3A_103 = arith.constant 0 : i32
          %dma_wait3A_104 = tpu.memref_slice %arg6[%mul3A_64, %run_scoped3A, %dma_wait3A_103] : memref<40x2x128xi32, #tpu.memory_space<vmem>> -> memref<1x1x128xi32, #tpu.memory_space<vmem>>
          %dma_wait3A_105 = tpu.memref_squeeze %dma_wait3A_104 : memref<1x1x128xi32, #tpu.memory_space<vmem>> -> memref<128xi32, #tpu.memory_space<vmem>>
          %dma_wait3A_106 = arith.constant 0 : i32
          %dma_wait3A_107 = arith.constant 0 : i32
          %dma_wait3A_108 = tpu.memref_slice %arg9[%dma_wait3A_106, %dma_wait3A_107] : memref<10008x128xf32, #tpu.memory_space<vmem_shared>> -> memref<10008x128xf32, #tpu.memory_space<vmem_shared>>
          tpu.wait_indirect_dma semaphore(%run_scoped3A_96 : memref<!tpu.dma_semaphore, #tpu.memory_space<semaphore_mem>>) src(%arg7 : memref<128x128xf32, #tpu.memory_space<vmem>>) dst(%dma_wait3A_108 : memref<10008x128xf32, #tpu.memory_space<vmem_shared>>)
          tpu.yield
        }) : () -> ()
        %lt3A = arith.constant 19 : i32
        %lt3A_80 = arith.cmpi slt, %scan3A_62, %lt3A : i32
        %convert_element_type3A_81 = arith.extui %lt3A_80 : i1 to i32
        %cond3A_82 = arith.constant 0 : i32
        %cond3A_83 = arith.cmpi ne, %convert_element_type3A_81, %cond3A_82 : i32
        scf.if %cond3A_83 {
          %add3A_96 = arith.constant 2 : i32
          %add3A_97 = arith.addi %mul3A_64, %add3A_96 : i32
          %dma_start3A_98 = arith.constant 0 : i32
          %dma_start3A_99 = arith.constant 0 : i32
          %dma_start3A_100 = tpu.memref_slice %arg6[%add3A_97, %dma_start3A_98, %dma_start3A_99] : memref<40x2x128xi32, #tpu.memory_space<vmem>> -> memref<1x1x128xi32, #tpu.memory_space<vmem>>
          %dma_start3A_101 = tpu.memref_squeeze %dma_start3A_100 : memref<1x1x128xi32, #tpu.memory_space<vmem>> -> memref<128xi32, #tpu.memory_space<vmem>>
          %dma_start3A_102 = arith.constant 0 : i32
          %dma_start3A_103 = arith.constant 0 : i32
          %dma_start3A_104 = tpu.memref_slice %arg2[%dma_start3A_102, %dma_start3A_103] : memref<20000x128xf32, #tpu.memory_space<hbm>> -> memref<20000x128xf32, #tpu.memory_space<hbm>>
          tpu.enqueue_indirect_dma source(%dma_start3A_104 : memref<20000x128xf32, #tpu.memory_space<hbm>>) target(%arg7 : memref<128x128xf32, #tpu.memory_space<vmem>>) offsets(%dma_start3A_101 : memref<128xi32, #tpu.memory_space<vmem>>) semaphore(%arg10 : memref<!tpu.dma_semaphore, #tpu.memory_space<semaphore_mem>>)
        } else {
        }
        %add3A_84 = arith.constant 1 : i32
        %add3A_85 = arith.addi %mul3A_64, %add3A_84 : i32
        %dma_wait3A_86 = arith.constant 0 : i32
        %dma_wait3A_87 = arith.constant 0 : i32
        %dma_wait3A_88 = tpu.memref_slice %arg6[%add3A_85, %dma_wait3A_86, %dma_wait3A_87] : memref<40x2x128xi32, #tpu.memory_space<vmem>> -> memref<1x1x128xi32, #tpu.memory_space<vmem>>
        %dma_wait3A_89 = tpu.memref_squeeze %dma_wait3A_88 : memref<1x1x128xi32, #tpu.memory_space<vmem>> -> memref<128xi32, #tpu.memory_space<vmem>>
        %dma_wait3A_90 = arith.constant 0 : i32
        %dma_wait3A_91 = arith.constant 0 : i32
        %dma_wait3A_92 = tpu.memref_slice %arg2[%dma_wait3A_90, %dma_wait3A_91] : memref<20000x128xf32, #tpu.memory_space<hbm>> -> memref<20000x128xf32, #tpu.memory_space<hbm>>
        tpu.wait_indirect_dma semaphore(%arg11 : memref<!tpu.dma_semaphore, #tpu.memory_space<semaphore_mem>>) src(%dma_wait3A_92 : memref<20000x128xf32, #tpu.memory_space<hbm>>) dst(%arg8 : memref<128x128xf32, #tpu.memory_space<vmem>>)
        %add3A_93 = arith.constant 1 : i32
        %add3A_94 = arith.addi %mul3A_64, %add3A_93 : i32
        %run_scoped3A_95 = arith.constant 1 : i32
        "tpu.region"() ({
          %run_scoped3A_96 = tpu.sem_alloc : memref<!tpu.dma_semaphore, #tpu.memory_space<semaphore_mem>>
          %dma_start3A_97 = arith.constant 0 : i32
          %dma_start3A_98 = tpu.memref_slice %arg6[%add3A_94, %run_scoped3A_95, %dma_start3A_97] : memref<40x2x128xi32, #tpu.memory_space<vmem>> -> memref<1x1x128xi32, #tpu.memory_space<vmem>>
          %dma_start3A_99 = tpu.memref_squeeze %dma_start3A_98 : memref<1x1x128xi32, #tpu.memory_space<vmem>> -> memref<128xi32, #tpu.memory_space<vmem>>
          %dma_start3A_100 = arith.constant 0 : i32
          %dma_start3A_101 = arith.constant 0 : i32
          %dma_start3A_102 = tpu.memref_slice %arg9[%dma_start3A_100, %dma_start3A_101] : memref<10008x128xf32, #tpu.memory_space<vmem_shared>> -> memref<10008x128xf32, #tpu.memory_space<vmem_shared>>
          tpu.enqueue_indirect_dma source(%arg8 : memref<128x128xf32, #tpu.memory_space<vmem>>) target(%dma_start3A_102 : memref<10008x128xf32, #tpu.memory_space<vmem_shared>>) offsets(%dma_start3A_99 : memref<128xi32, #tpu.memory_space<vmem>>) semaphore(%run_scoped3A_96 : memref<!tpu.dma_semaphore, #tpu.memory_space<semaphore_mem>>) {add = true}
          %dma_wait3A_103 = arith.constant 0 : i32
          %dma_wait3A_104 = tpu.memref_slice %arg6[%add3A_94, %run_scoped3A_95, %dma_wait3A_103] : memref<40x2x128xi32, #tpu.memory_space<vmem>> -> memref<1x1x128xi32, #tpu.memory_space<vmem>>
          %dma_wait3A_105 = tpu.memref_squeeze %dma_wait3A_104 : memref<1x1x128xi32, #tpu.memory_space<vmem>> -> memref<128xi32, #tpu.memory_space<vmem>>
          %dma_wait3A_106 = arith.constant 0 : i32
          %dma_wait3A_107 = arith.constant 0 : i32
          %dma_wait3A_108 = tpu.memref_slice %arg9[%dma_wait3A_106, %dma_wait3A_107] : memref<10008x128xf32, #tpu.memory_space<vmem_shared>> -> memref<10008x128xf32, #tpu.memory_space<vmem_shared>>
          tpu.wait_indirect_dma semaphore(%run_scoped3A_96 : memref<!tpu.dma_semaphore, #tpu.memory_space<semaphore_mem>>) src(%arg8 : memref<128x128xf32, #tpu.memory_space<vmem>>) dst(%dma_wait3A_108 : memref<10008x128xf32, #tpu.memory_space<vmem_shared>>)
          tpu.yield
        }) : () -> ()
      }
      %scan3A_61 = arith.constant 20 : i32
    }
    %scan3A_16 = arith.constant 4 : i32
    %barrier3A_17 = arith.constant 0 : index
    tpu.barrier barrier_id(%barrier3A_17)
    %add3A_18 = arith.constant 0 : i32
    %add3A_19 = arith.addi %mul3A_0, %add3A_18 : i32
    %add3A_20 = arith.constant 0 : i32
    %add3A_21 = arith.addi %mul3A_0, %add3A_20 : i32
    "tpu.region"() ({
      %run_scoped3A = tpu.sem_alloc : memref<!tpu.dma_semaphore, #tpu.memory_space<semaphore_mem>>
      %dma_start3A = arith.constant 0 : i32
      %dma_start3A_43 = tpu.memref_slice %arg5[%arg0, %add3A_21, %dma_start3A] : memref<2x10000x128xf32, #tpu.memory_space<hbm>> -> memref<1x128x128xf32, #tpu.memory_space<hbm>>
      %dma_start3A_44 = tpu.memref_squeeze %dma_start3A_43 : memref<1x128x128xf32, #tpu.memory_space<hbm>> -> memref<128x128xf32, #tpu.memory_space<hbm>>
      %dma_start3A_45 = arith.constant 0 : i32
      %dma_start3A_46 = tpu.memref_slice %arg9[%add3A_19, %dma_start3A_45] : memref<10008x128xf32, #tpu.memory_space<vmem_shared>> -> memref<128x128xf32, #tpu.memory_space<vmem_shared>>
      tpu.enqueue_dma source(%dma_start3A_46 : memref<128x128xf32, #tpu.memory_space<vmem_shared>>) target(%dma_start3A_44 : memref<128x128xf32, #tpu.memory_space<hbm>>) target_semaphore(%run_scoped3A : memref<!tpu.dma_semaphore, #tpu.memory_space<semaphore_mem>>)
      %dma_wait3A = arith.constant 0 : i32
      %dma_wait3A_47 = tpu.memref_slice %arg5[%arg0, %add3A_21, %dma_wait3A] : memref<2x10000x128xf32, #tpu.memory_space<hbm>> -> memref<1x128x128xf32, #tpu.memory_space<hbm>>
      %dma_wait3A_48 = tpu.memref_squeeze %dma_wait3A_47 : memref<1x128x128xf32, #tpu.memory_space<hbm>> -> memref<128x128xf32, #tpu.memory_space<hbm>>
      %dma_wait3A_49 = arith.constant 0 : i32
      %dma_wait3A_50 = tpu.memref_slice %arg9[%add3A_19, %dma_wait3A_49] : memref<10008x128xf32, #tpu.memory_space<vmem_shared>> -> memref<128x128xf32, #tpu.memory_space<vmem_shared>>
      tpu.wait_dma2 semaphore(%run_scoped3A : memref<!tpu.dma_semaphore, #tpu.memory_space<semaphore_mem>>) src(%dma_wait3A_50 : memref<128x128xf32, #tpu.memory_space<vmem_shared>>) dst(%dma_wait3A_48 : memref<128x128xf32, #tpu.memory_space<hbm>>)
      tpu.yield
    }) : () -> ()
    %add3A_22 = arith.constant 128 : i32
    %add3A_23 = arith.addi %mul3A_0, %add3A_22 : i32
    %add3A_24 = arith.constant 128 : i32
    %add3A_25 = arith.addi %mul3A_0, %add3A_24 : i32
    "tpu.region"() ({
      %run_scoped3A = tpu.sem_alloc : memref<!tpu.dma_semaphore, #tpu.memory_space<semaphore_mem>>
      %dma_start3A = arith.constant 0 : i32
      %dma_start3A_43 = tpu.memref_slice %arg5[%arg0, %add3A_25, %dma_start3A] : memref<2x10000x128xf32, #tpu.memory_space<hbm>> -> memref<1x128x128xf32, #tpu.memory_space<hbm>>
      %dma_start3A_44 = tpu.memref_squeeze %dma_start3A_43 : memref<1x128x128xf32, #tpu.memory_space<hbm>> -> memref<128x128xf32, #tpu.memory_space<hbm>>
      %dma_start3A_45 = arith.constant 0 : i32
      %dma_start3A_46 = tpu.memref_slice %arg9[%add3A_23, %dma_start3A_45] : memref<10008x128xf32, #tpu.memory_space<vmem_shared>> -> memref<128x128xf32, #tpu.memory_space<vmem_shared>>
      tpu.enqueue_dma source(%dma_start3A_46 : memref<128x128xf32, #tpu.memory_space<vmem_shared>>) target(%dma_start3A_44 : memref<128x128xf32, #tpu.memory_space<hbm>>) target_semaphore(%run_scoped3A : memref<!tpu.dma_semaphore, #tpu.memory_space<semaphore_mem>>)
      %dma_wait3A = arith.constant 0 : i32
      %dma_wait3A_47 = tpu.memref_slice %arg5[%arg0, %add3A_25, %dma_wait3A] : memref<2x10000x128xf32, #tpu.memory_space<hbm>> -> memref<1x128x128xf32, #tpu.memory_space<hbm>>
      %dma_wait3A_48 = tpu.memref_squeeze %dma_wait3A_47 : memref<1x128x128xf32, #tpu.memory_space<hbm>> -> memref<128x128xf32, #tpu.memory_space<hbm>>
      %dma_wait3A_49 = arith.constant 0 : i32
      %dma_wait3A_50 = tpu.memref_slice %arg9[%add3A_23, %dma_wait3A_49] : memref<10008x128xf32, #tpu.memory_space<vmem_shared>> -> memref<128x128xf32, #tpu.memory_space<vmem_shared>>
      tpu.wait_dma2 semaphore(%run_scoped3A : memref<!tpu.dma_semaphore, #tpu.memory_space<semaphore_mem>>) src(%dma_wait3A_50 : memref<128x128xf32, #tpu.memory_space<vmem_shared>>) dst(%dma_wait3A_48 : memref<128x128xf32, #tpu.memory_space<hbm>>)
      tpu.yield
    }) : () -> ()
    %add3A_26 = arith.constant 256 : i32
    %add3A_27 = arith.addi %mul3A_0, %add3A_26 : i32
    %add3A_28 = arith.constant 256 : i32
    %add3A_29 = arith.addi %mul3A_0, %add3A_28 : i32
    "tpu.region"() ({
      %run_scoped3A = tpu.sem_alloc : memref<!tpu.dma_semaphore, #tpu.memory_space<semaphore_mem>>
      %dma_start3A = arith.constant 0 : i32
      %dma_start3A_43 = tpu.memref_slice %arg5[%arg0, %add3A_29, %dma_start3A] : memref<2x10000x128xf32, #tpu.memory_space<hbm>> -> memref<1x128x128xf32, #tpu.memory_space<hbm>>
      %dma_start3A_44 = tpu.memref_squeeze %dma_start3A_43 : memref<1x128x128xf32, #tpu.memory_space<hbm>> -> memref<128x128xf32, #tpu.memory_space<hbm>>
      %dma_start3A_45 = arith.constant 0 : i32
      %dma_start3A_46 = tpu.memref_slice %arg9[%add3A_27, %dma_start3A_45] : memref<10008x128xf32, #tpu.memory_space<vmem_shared>> -> memref<128x128xf32, #tpu.memory_space<vmem_shared>>
      tpu.enqueue_dma source(%dma_start3A_46 : memref<128x128xf32, #tpu.memory_space<vmem_shared>>) target(%dma_start3A_44 : memref<128x128xf32, #tpu.memory_space<hbm>>) target_semaphore(%run_scoped3A : memref<!tpu.dma_semaphore, #tpu.memory_space<semaphore_mem>>)
      %dma_wait3A = arith.constant 0 : i32
      %dma_wait3A_47 = tpu.memref_slice %arg5[%arg0, %add3A_29, %dma_wait3A] : memref<2x10000x128xf32, #tpu.memory_space<hbm>> -> memref<1x128x128xf32, #tpu.memory_space<hbm>>
      %dma_wait3A_48 = tpu.memref_squeeze %dma_wait3A_47 : memref<1x128x128xf32, #tpu.memory_space<hbm>> -> memref<128x128xf32, #tpu.memory_space<hbm>>
      %dma_wait3A_49 = arith.constant 0 : i32
      %dma_wait3A_50 = tpu.memref_slice %arg9[%add3A_27, %dma_wait3A_49] : memref<10008x128xf32, #tpu.memory_space<vmem_shared>> -> memref<128x128xf32, #tpu.memory_space<vmem_shared>>
      tpu.wait_dma2 semaphore(%run_scoped3A : memref<!tpu.dma_semaphore, #tpu.memory_space<semaphore_mem>>) src(%dma_wait3A_50 : memref<128x128xf32, #tpu.memory_space<vmem_shared>>) dst(%dma_wait3A_48 : memref<128x128xf32, #tpu.memory_space<hbm>>)
      tpu.yield
    }) : () -> ()
    %add3A_30 = arith.constant 384 : i32
    %add3A_31 = arith.addi %mul3A_0, %add3A_30 : i32
    %add3A_32 = arith.constant 384 : i32
    %add3A_33 = arith.addi %mul3A_0, %add3A_32 : i32
    "tpu.region"() ({
      %run_scoped3A = tpu.sem_alloc : memref<!tpu.dma_semaphore, #tpu.memory_space<semaphore_mem>>
      %dma_start3A = arith.constant 0 : i32
      %dma_start3A_43 = tpu.memref_slice %arg5[%arg0, %add3A_33, %dma_start3A] : memref<2x10000x128xf32, #tpu.memory_space<hbm>> -> memref<1x128x128xf32, #tpu.memory_space<hbm>>
      %dma_start3A_44 = tpu.memref_squeeze %dma_start3A_43 : memref<1x128x128xf32, #tpu.memory_space<hbm>> -> memref<128x128xf32, #tpu.memory_space<hbm>>
      %dma_start3A_45 = arith.constant 0 : i32
      %dma_start3A_46 = tpu.memref_slice %arg9[%add3A_31, %dma_start3A_45] : memref<10008x128xf32, #tpu.memory_space<vmem_shared>> -> memref<128x128xf32, #tpu.memory_space<vmem_shared>>
      tpu.enqueue_dma source(%dma_start3A_46 : memref<128x128xf32, #tpu.memory_space<vmem_shared>>) target(%dma_start3A_44 : memref<128x128xf32, #tpu.memory_space<hbm>>) target_semaphore(%run_scoped3A : memref<!tpu.dma_semaphore, #tpu.memory_space<semaphore_mem>>)
      %dma_wait3A = arith.constant 0 : i32
      %dma_wait3A_47 = tpu.memref_slice %arg5[%arg0, %add3A_33, %dma_wait3A] : memref<2x10000x128xf32, #tpu.memory_space<hbm>> -> memref<1x128x128xf32, #tpu.memory_space<hbm>>
      %dma_wait3A_48 = tpu.memref_squeeze %dma_wait3A_47 : memref<1x128x128xf32, #tpu.memory_space<hbm>> -> memref<128x128xf32, #tpu.memory_space<hbm>>
      %dma_wait3A_49 = arith.constant 0 : i32
      %dma_wait3A_50 = tpu.memref_slice %arg9[%add3A_31, %dma_wait3A_49] : memref<10008x128xf32, #tpu.memory_space<vmem_shared>> -> memref<128x128xf32, #tpu.memory_space<vmem_shared>>
      tpu.wait_dma2 semaphore(%run_scoped3A : memref<!tpu.dma_semaphore, #tpu.memory_space<semaphore_mem>>) src(%dma_wait3A_50 : memref<128x128xf32, #tpu.memory_space<vmem_shared>>) dst(%dma_wait3A_48 : memref<128x128xf32, #tpu.memory_space<hbm>>)
      tpu.yield
    }) : () -> ()
    %add3A_34 = arith.constant 512 : i32
    %add3A_35 = arith.addi %mul3A_0, %add3A_34 : i32
    %add3A_36 = arith.constant 512 : i32
    %add3A_37 = arith.addi %mul3A_0, %add3A_36 : i32
    "tpu.region"() ({
      %run_scoped3A = tpu.sem_alloc : memref<!tpu.dma_semaphore, #tpu.memory_space<semaphore_mem>>
      %dma_start3A = arith.constant 0 : i32
      %dma_start3A_43 = tpu.memref_slice %arg5[%arg0, %add3A_37, %dma_start3A] : memref<2x10000x128xf32, #tpu.memory_space<hbm>> -> memref<1x112x128xf32, #tpu.memory_space<hbm>>
      %dma_start3A_44 = tpu.memref_squeeze %dma_start3A_43 : memref<1x112x128xf32, #tpu.memory_space<hbm>> -> memref<112x128xf32, #tpu.memory_space<hbm>>
      %dma_start3A_45 = arith.constant 0 : i32
      %dma_start3A_46 = tpu.memref_slice %arg9[%add3A_35, %dma_start3A_45] : memref<10008x128xf32, #tpu.memory_space<vmem_shared>> -> memref<112x128xf32, #tpu.memory_space<vmem_shared>>
      tpu.enqueue_dma source(%dma_start3A_46 : memref<112x128xf32, #tpu.memory_space<vmem_shared>>) target(%dma_start3A_44 : memref<112x128xf32, #tpu.memory_space<hbm>>) target_semaphore(%run_scoped3A : memref<!tpu.dma_semaphore, #tpu.memory_space<semaphore_mem>>)
      %dma_wait3A = arith.constant 0 : i32
      %dma_wait3A_47 = tpu.memref_slice %arg5[%arg0, %add3A_37, %dma_wait3A] : memref<2x10000x128xf32, #tpu.memory_space<hbm>> -> memref<1x112x128xf32, #tpu.memory_space<hbm>>
      %dma_wait3A_48 = tpu.memref_squeeze %dma_wait3A_47 : memref<1x112x128xf32, #tpu.memory_space<hbm>> -> memref<112x128xf32, #tpu.memory_space<hbm>>
      %dma_wait3A_49 = arith.constant 0 : i32
      %dma_wait3A_50 = tpu.memref_slice %arg9[%add3A_35, %dma_wait3A_49] : memref<10008x128xf32, #tpu.memory_space<vmem_shared>> -> memref<112x128xf32, #tpu.memory_space<vmem_shared>>
      tpu.wait_dma2 semaphore(%run_scoped3A : memref<!tpu.dma_semaphore, #tpu.memory_space<semaphore_mem>>) src(%dma_wait3A_50 : memref<112x128xf32, #tpu.memory_space<vmem_shared>>) dst(%dma_wait3A_48 : memref<112x128xf32, #tpu.memory_space<hbm>>)
      tpu.yield
    }) : () -> ()
    %eq3A_38 = arith.constant 15 : i32
    %eq3A_39 = arith.cmpi eq, %arg1, %eq3A_38 : i32
    %convert_element_type3A_40 = arith.extui %eq3A_39 : i1 to i32
    %cond3A_41 = arith.constant 0 : i32
    %cond3A_42 = arith.cmpi ne, %convert_element_type3A_40, %cond3A_41 : i32
    scf.if %cond3A_42 {
      "tpu.region"() ({
        %run_scoped3A = tpu.sem_alloc : memref<!tpu.dma_semaphore, #tpu.memory_space<semaphore_mem>>
        %dma_start3A = arith.constant 9984 : i32
        %dma_start3A_43 = arith.constant 0 : i32
        %dma_start3A_44 = tpu.memref_slice %arg5[%arg0, %dma_start3A, %dma_start3A_43] : memref<2x10000x128xf32, #tpu.memory_space<hbm>> -> memref<1x16x128xf32, #tpu.memory_space<hbm>>
        %dma_start3A_45 = tpu.memref_squeeze %dma_start3A_44 : memref<1x16x128xf32, #tpu.memory_space<hbm>> -> memref<16x128xf32, #tpu.memory_space<hbm>>
        %dma_start3A_46 = arith.constant 9984 : i32
        %dma_start3A_47 = arith.constant 0 : i32
        %dma_start3A_48 = tpu.memref_slice %arg9[%dma_start3A_46, %dma_start3A_47] : memref<10008x128xf32, #tpu.memory_space<vmem_shared>> -> memref<16x128xf32, #tpu.memory_space<vmem_shared>>
        tpu.enqueue_dma source(%dma_start3A_48 : memref<16x128xf32, #tpu.memory_space<vmem_shared>>) target(%dma_start3A_45 : memref<16x128xf32, #tpu.memory_space<hbm>>) target_semaphore(%run_scoped3A : memref<!tpu.dma_semaphore, #tpu.memory_space<semaphore_mem>>)
        %dma_wait3A = arith.constant 9984 : i32
        %dma_wait3A_49 = arith.constant 0 : i32
        %dma_wait3A_50 = tpu.memref_slice %arg5[%arg0, %dma_wait3A, %dma_wait3A_49] : memref<2x10000x128xf32, #tpu.memory_space<hbm>> -> memref<1x16x128xf32, #tpu.memory_space<hbm>>
        %dma_wait3A_51 = tpu.memref_squeeze %dma_wait3A_50 : memref<1x16x128xf32, #tpu.memory_space<hbm>> -> memref<16x128xf32, #tpu.memory_space<hbm>>
        %dma_wait3A_52 = arith.constant 9984 : i32
        %dma_wait3A_53 = arith.constant 0 : i32
        %dma_wait3A_54 = tpu.memref_slice %arg9[%dma_wait3A_52, %dma_wait3A_53] : memref<10008x128xf32, #tpu.memory_space<vmem_shared>> -> memref<16x128xf32, #tpu.memory_space<vmem_shared>>
        tpu.wait_dma2 semaphore(%run_scoped3A : memref<!tpu.dma_semaphore, #tpu.memory_space<semaphore_mem>>) src(%dma_wait3A_54 : memref<16x128xf32, #tpu.memory_space<vmem_shared>>) dst(%dma_wait3A_51 : memref<16x128xf32, #tpu.memory_space<hbm>>)
        tpu.yield
      }) : () -> ()
    } else {
    }
    return
  }
}

module attributes {stable_mosaic.version = 14 : i64} {
  func.func @_in_proj_body(%arg0: i32, %arg1: memref<2000x128xf32, #tpu.memory_space<vmem>>, %arg2: memref<1x128xf32, #tpu.memory_space<vmem>>, %arg3: memref<256x128xf32, #tpu.memory_space<vmem>>, %arg4: memref<1x256xf32, #tpu.memory_space<vmem>>, %arg5: memref<1x256xf32, #tpu.memory_space<vmem>>, %arg6: memref<1x256xf32, #tpu.memory_space<vmem>>, %arg7: memref<2x2000x128xf32, #tpu.memory_space<vmem>>) attributes {dimension_semantics = [#tpu.dimension_semantics<arbitrary>], iteration_bounds = array<i64: 5>, scalar_prefetch = 0 : i64, scratch_operands = 0 : i64, tpu.core_type = #tpu.core_type<tc>, window_params = [{transform_indices = @transform_0, window_bounds = array<i64: 2000, 128>}, {pipeline_mode = #tpu.pipeline_mode<synchronous>, transform_indices = @transform_1, window_bounds = array<i64: 1, 128>}, {pipeline_mode = #tpu.pipeline_mode<synchronous>, transform_indices = @transform_2, window_bounds = array<i64: 256, 128>}, {pipeline_mode = #tpu.pipeline_mode<synchronous>, transform_indices = @transform_3, window_bounds = array<i64: 1, 256>}, {pipeline_mode = #tpu.pipeline_mode<synchronous>, transform_indices = @transform_4, window_bounds = array<i64: 1, 256>}, {pipeline_mode = #tpu.pipeline_mode<synchronous>, transform_indices = @transform_5, window_bounds = array<i64: 1, 256>}, {transform_indices = @transform_6, window_bounds = array<i64: 2, 2000, 128>}]} {
    %mul3A = arith.constant 2000 : i32
    %mul3A_0 = arith.muli %arg0, %mul3A : i32
    %iota3A = tpu.iota {dimensions = array<i32: 0>} : vector<2000x1xi32>
    %add3A = vector.broadcast %mul3A_0 : i32 to vector<2000x1xi32>
    %add3A_1 = arith.addi %add3A, %iota3A : vector<2000x1xi32>
    %eq3A = arith.constant 0 : i32
    %eq3A_2 = vector.broadcast %eq3A : i32 to vector<2000x1xi32>
    %eq3A_3 = arith.cmpi eq, %add3A_1, %eq3A_2 : vector<2000x1xi32>
    %get3A = arith.constant 0 : index
    %get3A_4 = arith.constant 0 : index
    %get3A_5 = vector.load %arg2[%get3A, %get3A_4] : memref<1x128xf32, #tpu.memory_space<vmem>>, vector<1x128xf32>
    %get3A_6 = arith.constant 0 : index
    %get3A_7 = arith.constant 0 : index
    %get3A_8 = vector.load %arg1[%get3A_6, %get3A_7] : memref<2000x128xf32, #tpu.memory_space<vmem>>, vector<2000x128xf32>
    %broadcast_in_dim3A = vector.shape_cast %eq3A_3 : vector<2000x1xi1> to vector<2000x1xi1>
    %broadcast_in_dim3A_9 = vector.broadcast %broadcast_in_dim3A : vector<2000x1xi1> to vector<2000x128xi1>
    %broadcast_in_dim3A_10 = vector.shape_cast %get3A_5 : vector<1x128xf32> to vector<1x128xf32>
    %broadcast_in_dim3A_11 = vector.broadcast %broadcast_in_dim3A_10 : vector<1x128xf32> to vector<2000x128xf32>
    %select_n3A = arith.select %broadcast_in_dim3A_9, %broadcast_in_dim3A_11, %get3A_8 : vector<2000x128xi1>, vector<2000x128xf32>
    %get3A_12 = arith.constant 0 : index
    %get3A_13 = arith.constant 0 : index
    %get3A_14 = vector.load %arg3[%get3A_12, %get3A_13] : memref<256x128xf32, #tpu.memory_space<vmem>>, vector<256x128xf32>
    %dot_general3A = arith.constant dense<0.000000e+00> : vector<2000x256xf32>
    %dot_general3A_15 = tpu.matmul %select_n3A, %get3A_14, %dot_general3A {dimension_numbers = #tpu.dot_dimension_numbers<[1], [1], [0], [0], [0, 0, 1, 0], [], []>, transpose_lhs_hint = false} : vector<2000x128xf32>, vector<256x128xf32>, vector<2000x256xf32> -> vector<2000x256xf32>
    %get3A_16 = arith.constant 0 : index
    %get3A_17 = arith.constant 0 : index
    %get3A_18 = vector.load %arg4[%get3A_16, %get3A_17] : memref<1x256xf32, #tpu.memory_space<vmem>>, vector<1x256xf32>
    %add3A_19 = vector.broadcast %get3A_18 : vector<1x256xf32> to vector<2000x256xf32>
    %add3A_20 = arith.addf %dot_general3A_15, %add3A_19 : vector<2000x256xf32>
    %reduce_sum3A = arith.constant dense<0.000000e+00> : vector<2000xf32>
    %reduce_sum3A_21 = vector.multi_reduction <add>, %add3A_20, %reduce_sum3A [1] : vector<2000x256xf32> to vector<2000xf32>
    %broadcast_in_dim3A_22 = vector.shape_cast %reduce_sum3A_21 : vector<2000xf32> to vector<2000x1xf32>
    %div3A = arith.constant 2.560000e+02 : f32
    %div3A_23 = vector.broadcast %div3A : f32 to vector<2000x1xf32>
    %div3A_24 = arith.divf %broadcast_in_dim3A_22, %div3A_23 : vector<2000x1xf32>
    %sub3A = vector.broadcast %div3A_24 : vector<2000x1xf32> to vector<2000x256xf32>
    %sub3A_25 = arith.subf %add3A_20, %sub3A : vector<2000x256xf32>
    %mul3A_26 = arith.mulf %sub3A_25, %sub3A_25 : vector<2000x256xf32>
    %reduce_sum3A_27 = arith.constant dense<0.000000e+00> : vector<2000xf32>
    %reduce_sum3A_28 = vector.multi_reduction <add>, %mul3A_26, %reduce_sum3A_27 [1] : vector<2000x256xf32> to vector<2000xf32>
    %broadcast_in_dim3A_29 = vector.shape_cast %reduce_sum3A_28 : vector<2000xf32> to vector<2000x1xf32>
    %div3A_30 = arith.constant 2.560000e+02 : f32
    %div3A_31 = vector.broadcast %div3A_30 : f32 to vector<2000x1xf32>
    %div3A_32 = arith.divf %broadcast_in_dim3A_29, %div3A_31 : vector<2000x1xf32>
    %add3A_33 = arith.constant 9.99999974E-6 : f32
    %add3A_34 = vector.broadcast %add3A_33 : f32 to vector<2000x1xf32>
    %add3A_35 = arith.addf %div3A_32, %add3A_34 : vector<2000x1xf32>
    %sqrt3A = math.sqrt %add3A_35 : vector<2000x1xf32>
    %div3A_36 = vector.broadcast %sqrt3A : vector<2000x1xf32> to vector<2000x256xf32>
    %div3A_37 = arith.divf %sub3A_25, %div3A_36 : vector<2000x256xf32>
    %get3A_38 = arith.constant 0 : index
    %get3A_39 = arith.constant 0 : index
    %get3A_40 = vector.load %arg5[%get3A_38, %get3A_39] : memref<1x256xf32, #tpu.memory_space<vmem>>, vector<1x256xf32>
    %mul3A_41 = vector.broadcast %get3A_40 : vector<1x256xf32> to vector<2000x256xf32>
    %mul3A_42 = arith.mulf %div3A_37, %mul3A_41 : vector<2000x256xf32>
    %get3A_43 = arith.constant 0 : index
    %get3A_44 = arith.constant 0 : index
    %get3A_45 = vector.load %arg6[%get3A_43, %get3A_44] : memref<1x256xf32, #tpu.memory_space<vmem>>, vector<1x256xf32>
    %add3A_46 = vector.broadcast %get3A_45 : vector<1x256xf32> to vector<2000x256xf32>
    %add3A_47 = arith.addf %mul3A_42, %add3A_46 : vector<2000x256xf32>
    %mul3A_48 = arith.constant 5.000000e-01 : f32
    %mul3A_49 = vector.broadcast %mul3A_48 : f32 to vector<2000x256xf32>
    %mul3A_50 = arith.mulf %mul3A_49, %add3A_47 : vector<2000x256xf32>
    %mul3A_51 = arith.constant 0.707106769 : f32
    %mul3A_52 = vector.broadcast %mul3A_51 : f32 to vector<2000x256xf32>
    %mul3A_53 = arith.mulf %add3A_47, %mul3A_52 : vector<2000x256xf32>
    %erf3A = math.erf %mul3A_53 : vector<2000x256xf32>
    %add3A_54 = arith.constant 1.000000e+00 : f32
    %add3A_55 = vector.broadcast %add3A_54 : f32 to vector<2000x256xf32>
    %add3A_56 = arith.addf %add3A_55, %erf3A : vector<2000x256xf32>
    %mul3A_57 = arith.mulf %mul3A_50, %add3A_56 : vector<2000x256xf32>
    %slice3A = vector.extract_strided_slice %mul3A_57 {offsets = [0, 0], sizes = [2000, 128], strides = [1, 1]} : vector<2000x256xf32> to vector<2000x128xf32>
    %swap3A = arith.constant 0 : index
    %swap3A_58 = arith.constant 0 : index
    %swap3A_59 = arith.constant 0 : index
    %swap3A_60 = vector.load %arg7[%swap3A, %swap3A_58, %swap3A_59] : memref<2x2000x128xf32, #tpu.memory_space<vmem>>, vector<1x2000x128xf32>
    %swap3A_61 = vector.shape_cast %swap3A_60 : vector<1x2000x128xf32> to vector<2000x128xf32>
    %swap3A_62 = vector.shape_cast %slice3A : vector<2000x128xf32> to vector<1x2000x128xf32>
    tpu.vector_store %arg7[%swap3A, %swap3A_58, %swap3A_59], %swap3A_62 {strides = array<i32>} : memref<2x2000x128xf32, #tpu.memory_space<vmem>>, vector<1x2000x128xf32>,
    %slice3A_63 = vector.extract_strided_slice %mul3A_57 {offsets = [0, 128], sizes = [2000, 128], strides = [1, 1]} : vector<2000x256xf32> to vector<2000x128xf32>
    %swap3A_64 = arith.constant 1 : index
    %swap3A_65 = arith.constant 0 : index
    %swap3A_66 = arith.constant 0 : index
    %swap3A_67 = vector.load %arg7[%swap3A_64, %swap3A_65, %swap3A_66] : memref<2x2000x128xf32, #tpu.memory_space<vmem>>, vector<1x2000x128xf32>
    %swap3A_68 = vector.shape_cast %swap3A_67 : vector<1x2000x128xf32> to vector<2000x128xf32>
    %swap3A_69 = vector.shape_cast %slice3A_63 : vector<2000x128xf32> to vector<1x2000x128xf32>
    tpu.vector_store %arg7[%swap3A_64, %swap3A_65, %swap3A_66], %swap3A_69 {strides = array<i32>} : memref<2x2000x128xf32, #tpu.memory_space<vmem>>, vector<1x2000x128xf32>,
    return
  }
  func.func @transform_0(%arg0: i32) -> (i32, i32) {
    %c0_i32 = arith.constant 0 : i32
    %c0_i32_0 = arith.constant 0 : i32
    return %arg0, %c0_i32 : i32, i32
  }
  func.func @transform_1(%arg0: i32) -> (i32, i32) {
    %c0_i32 = arith.constant 0 : i32
    %c0_i32_0 = arith.constant 0 : i32
    %c0_i32_1 = arith.constant 0 : i32
    return %c0_i32, %c0_i32_0 : i32, i32
  }
  func.func @transform_2(%arg0: i32) -> (i32, i32) {
    %c0_i32 = arith.constant 0 : i32
    %c0_i32_0 = arith.constant 0 : i32
    %c0_i32_1 = arith.constant 0 : i32
    return %c0_i32, %c0_i32_0 : i32, i32
  }
  func.func @transform_3(%arg0: i32) -> (i32, i32) {
    %c0_i32 = arith.constant 0 : i32
    %c0_i32_0 = arith.constant 0 : i32
    %c0_i32_1 = arith.constant 0 : i32
    return %c0_i32, %c0_i32_0 : i32, i32
  }
  func.func @transform_4(%arg0: i32) -> (i32, i32) {
    %c0_i32 = arith.constant 0 : i32
    %c0_i32_0 = arith.constant 0 : i32
    %c0_i32_1 = arith.constant 0 : i32
    return %c0_i32, %c0_i32_0 : i32, i32
  }
  func.func @transform_5(%arg0: i32) -> (i32, i32) {
    %c0_i32 = arith.constant 0 : i32
    %c0_i32_0 = arith.constant 0 : i32
    %c0_i32_1 = arith.constant 0 : i32
    return %c0_i32, %c0_i32_0 : i32, i32
  }
  func.func @transform_6(%arg0: i32) -> (i32, i32, i32) {
    %c0_i32 = arith.constant 0 : i32
    %c0_i32_0 = arith.constant 0 : i32
    %c0_i32_1 = arith.constant 0 : i32
    return %c0_i32, %arg0, %c0_i32_0 : i32, i32, i32
  }
}

module attributes {stable_mosaic.version = 14 : i64} {
  func.func @_layer_body(%arg0: i32, %arg1: memref<2x2000x128xf32, #tpu.memory_space<vmem>>, %arg2: memref<2x2000x16xf32, #tpu.memory_space<vmem>>, %arg3: memref<2x2000x128xf32, #tpu.memory_space<vmem>>, %arg4: memref<256x256xf32, #tpu.memory_space<vmem>>, %arg5: memref<256x256xf32, #tpu.memory_space<vmem>>, %arg6: memref<1x256xf32, #tpu.memory_space<vmem>>, %arg7: memref<1x256xf32, #tpu.memory_space<vmem>>, %arg8: memref<1x256xf32, #tpu.memory_space<vmem>>, %arg9: memref<2x2000x128xf32, #tpu.memory_space<vmem>>, %arg10: memref<10000x256xf32, #tpu.memory_space<vmem>>, %arg11: memref<1x256xf32, #tpu.memory_space<vmem>>, %arg12: memref<1x256xf32, #tpu.memory_space<vmem>>) attributes {dimension_semantics = [#tpu.dimension_semantics<arbitrary>], iteration_bounds = array<i64: 10>, scalar_prefetch = 0 : i64, scratch_operands = 3 : i64, tpu.core_type = #tpu.core_type<tc>, window_params = [{transform_indices = @transform_0, window_bounds = array<i64: 2, 2000, 128>}, {transform_indices = @transform_1, window_bounds = array<i64: 2, 2000, 16>}, {transform_indices = @transform_2, window_bounds = array<i64: 2, 2000, 128>}, {pipeline_mode = #tpu.pipeline_mode<synchronous>, transform_indices = @transform_3, window_bounds = array<i64: 256, 256>}, {pipeline_mode = #tpu.pipeline_mode<synchronous>, transform_indices = @transform_4, window_bounds = array<i64: 256, 256>}, {pipeline_mode = #tpu.pipeline_mode<synchronous>, transform_indices = @transform_5, window_bounds = array<i64: 1, 256>}, {pipeline_mode = #tpu.pipeline_mode<synchronous>, transform_indices = @transform_6, window_bounds = array<i64: 1, 256>}, {pipeline_mode = #tpu.pipeline_mode<synchronous>, transform_indices = @transform_7, window_bounds = array<i64: 1, 256>}, {transform_indices = @transform_8, window_bounds = array<i64: 2, 2000, 128>}]} {
    %lt3A = arith.constant 5 : i32
    %lt3A_0 = arith.cmpi slt, %arg0, %lt3A : i32
    %convert_element_type3A = arith.extui %lt3A_0 : i1 to i32
    %cond3A = arith.constant 0 : i32
    %cond3A_1 = arith.cmpi ne, %convert_element_type3A, %cond3A : i32
    scf.if %cond3A_1 {
      %eq3A = arith.constant 0 : i32
      %eq3A_6 = arith.cmpi eq, %arg0, %eq3A : i32
      %convert_element_type3A_7 = arith.extui %eq3A_6 : i1 to i32
      %cond3A_8 = arith.constant 0 : i32
      %cond3A_9 = arith.cmpi ne, %convert_element_type3A_7, %cond3A_8 : i32
      scf.if %cond3A_9 {
        %broadcast_in_dim3A_80 = arith.constant 0.000000e+00 : f32
        %broadcast_in_dim3A_81 = vector.broadcast %broadcast_in_dim3A_80 : f32 to vector<1x256xf32>
        %swap3A_82 = arith.constant 0 : index
        %swap3A_83 = arith.constant 0 : index
        %swap3A_84 = vector.load %arg11[%swap3A_82, %swap3A_83] : memref<1x256xf32, #tpu.memory_space<vmem>>, vector<1x256xf32>
        tpu.vector_store %arg11[%swap3A_82, %swap3A_83], %broadcast_in_dim3A_81 {strides = array<i32>} : memref<1x256xf32, #tpu.memory_space<vmem>>, vector<1x256xf32>,
        %broadcast_in_dim3A_85 = arith.constant 0.000000e+00 : f32
        %broadcast_in_dim3A_86 = vector.broadcast %broadcast_in_dim3A_85 : f32 to vector<1x256xf32>
        %swap3A_87 = arith.constant 0 : index
        %swap3A_88 = arith.constant 0 : index
        %swap3A_89 = vector.load %arg12[%swap3A_87, %swap3A_88] : memref<1x256xf32, #tpu.memory_space<vmem>>, vector<1x256xf32>
        tpu.vector_store %arg12[%swap3A_87, %swap3A_88], %broadcast_in_dim3A_86 {strides = array<i32>} : memref<1x256xf32, #tpu.memory_space<vmem>>, vector<1x256xf32>,
      } else {
      }
      %get3A = arith.constant 0 : index
      %get3A_10 = arith.constant 0 : index
      %get3A_11 = arith.constant 0 : index
      %get3A_12 = vector.load %arg2[%get3A, %get3A_10, %get3A_11] : memref<2x2000x16xf32, #tpu.memory_space<vmem>>, vector<1x2000x1xf32>
      %get3A_13 = vector.shape_cast %get3A_12 : vector<1x2000x1xf32> to vector<2000x1xf32>
      %get3A_14 = arith.constant 1 : index
      %get3A_15 = arith.constant 0 : index
      %get3A_16 = arith.constant 0 : index
      %get3A_17 = vector.load %arg2[%get3A_14, %get3A_15, %get3A_16] : memref<2x2000x16xf32, #tpu.memory_space<vmem>>, vector<1x2000x1xf32>
      %get3A_18 = vector.shape_cast %get3A_17 : vector<1x2000x1xf32> to vector<2000x1xf32>
      %add3A = arith.addf %get3A_13, %get3A_18 : vector<2000x1xf32>
      %max3A = arith.constant 1.000000e+00 : f32
      %max3A_19 = vector.broadcast %max3A : f32 to vector<2000x1xf32>
      %max3A_20 = arith.maximumf %add3A, %max3A_19 : vector<2000x1xf32>
      %get3A_21 = arith.constant 0 : index
      %get3A_22 = arith.constant 0 : index
      %get3A_23 = arith.constant 0 : index
      %get3A_24 = vector.load %arg1[%get3A_21, %get3A_22, %get3A_23] : memref<2x2000x128xf32, #tpu.memory_space<vmem>>, vector<1x2000x128xf32>
      %get3A_25 = vector.shape_cast %get3A_24 : vector<1x2000x128xf32> to vector<2000x128xf32>
      %get3A_26 = arith.constant 1 : index
      %get3A_27 = arith.constant 0 : index
      %get3A_28 = arith.constant 0 : index
      %get3A_29 = vector.load %arg1[%get3A_26, %get3A_27, %get3A_28] : memref<2x2000x128xf32, #tpu.memory_space<vmem>>, vector<1x2000x128xf32>
      %get3A_30 = vector.shape_cast %get3A_29 : vector<1x2000x128xf32> to vector<2000x128xf32>
      %concatenate3A = tpu.concatenate %get3A_25, %get3A_30 in 1 : vector<2000x128xf32>, vector<2000x128xf32> -> vector<2000x256xf32>
      %div3A = vector.broadcast %max3A_20 : vector<2000x1xf32> to vector<2000x256xf32>
      %div3A_31 = arith.divf %concatenate3A, %div3A : vector<2000x256xf32>
      %get3A_32 = arith.constant 0 : index
      %get3A_33 = arith.constant 0 : index
      %get3A_34 = arith.constant 0 : index
      %get3A_35 = vector.load %arg3[%get3A_32, %get3A_33, %get3A_34] : memref<2x2000x128xf32, #tpu.memory_space<vmem>>, vector<1x2000x128xf32>
      %get3A_36 = vector.shape_cast %get3A_35 : vector<1x2000x128xf32> to vector<2000x128xf32>
      %get3A_37 = arith.constant 1 : index
      %get3A_38 = arith.constant 0 : index
      %get3A_39 = arith.constant 0 : index
      %get3A_40 = vector.load %arg3[%get3A_37, %get3A_38, %get3A_39] : memref<2x2000x128xf32, #tpu.memory_space<vmem>>, vector<1x2000x128xf32>
      %get3A_41 = vector.shape_cast %get3A_40 : vector<1x2000x128xf32> to vector<2000x128xf32>
      %concatenate3A_42 = tpu.concatenate %get3A_36, %get3A_41 in 1 : vector<2000x128xf32>, vector<2000x128xf32> -> vector<2000x256xf32>
      %get3A_43 = arith.constant 0 : index
      %get3A_44 = arith.constant 0 : index
      %get3A_45 = vector.load %arg4[%get3A_43, %get3A_44] : memref<256x256xf32, #tpu.memory_space<vmem>>, vector<256x256xf32>
      %dot_general3A = arith.constant dense<0.000000e+00> : vector<2000x256xf32>
      %dot_general3A_46 = tpu.matmul %div3A_31, %get3A_45, %dot_general3A {dimension_numbers = #tpu.dot_dimension_numbers<[1], [1], [0], [0], [0, 0, 1, 0], [], []>, transpose_lhs_hint = false} : vector<2000x256xf32>, vector<256x256xf32>, vector<2000x256xf32> -> vector<2000x256xf32>
      %get3A_47 = arith.constant 0 : index
      %get3A_48 = arith.constant 0 : index
      %get3A_49 = vector.load %arg5[%get3A_47, %get3A_48] : memref<256x256xf32, #tpu.memory_space<vmem>>, vector<256x256xf32>
      %dot_general3A_50 = arith.constant dense<0.000000e+00> : vector<2000x256xf32>
      %dot_general3A_51 = tpu.matmul %concatenate3A_42, %get3A_49, %dot_general3A_50 {dimension_numbers = #tpu.dot_dimension_numbers<[1], [1], [0], [0], [0, 0, 1, 0], [], []>, transpose_lhs_hint = false} : vector<2000x256xf32>, vector<256x256xf32>, vector<2000x256xf32> -> vector<2000x256xf32>
      %add3A_52 = arith.addf %dot_general3A_46, %dot_general3A_51 : vector<2000x256xf32>
      %get3A_53 = arith.constant 0 : index
      %get3A_54 = arith.constant 0 : index
      %get3A_55 = vector.load %arg6[%get3A_53, %get3A_54] : memref<1x256xf32, #tpu.memory_space<vmem>>, vector<1x256xf32>
      %add3A_56 = vector.broadcast %get3A_55 : vector<1x256xf32> to vector<2000x256xf32>
      %add3A_57 = arith.addf %add3A_52, %add3A_56 : vector<2000x256xf32>
      %mul3A = arith.constant 2000 : i32
      %mul3A_58 = arith.muli %arg0, %mul3A : i32
      %swap3A = arith.index_cast %mul3A_58 : i32 to index
      %swap3A_59 = arith.constant 0 : index
      %swap3A_60 = vector.load %arg10[%swap3A, %swap3A_59] : memref<10000x256xf32, #tpu.memory_space<vmem>>, vector<2000x256xf32>
      tpu.vector_store %arg10[%swap3A, %swap3A_59], %add3A_57 {strides = array<i32>} : memref<10000x256xf32, #tpu.memory_space<vmem>>, vector<2000x256xf32>,
      %get3A_61 = arith.constant 0 : index
      %get3A_62 = arith.constant 0 : index
      %get3A_63 = vector.load %arg11[%get3A_61, %get3A_62] : memref<1x256xf32, #tpu.memory_space<vmem>>, vector<1x256xf32>
      %reduce_sum3A = arith.constant dense<0.000000e+00> : vector<256xf32>
      %reduce_sum3A_64 = vector.multi_reduction <add>, %add3A_57, %reduce_sum3A [0] : vector<2000x256xf32> to vector<256xf32>
      %broadcast_in_dim3A = vector.shape_cast %reduce_sum3A_64 : vector<256xf32> to vector<1x256xf32>
      %add3A_65 = arith.addf %get3A_63, %broadcast_in_dim3A : vector<1x256xf32>
      %swap3A_66 = arith.constant 0 : index
      %swap3A_67 = arith.constant 0 : index
      %swap3A_68 = vector.load %arg11[%swap3A_66, %swap3A_67] : memref<1x256xf32, #tpu.memory_space<vmem>>, vector<1x256xf32>
      tpu.vector_store %arg11[%swap3A_66, %swap3A_67], %add3A_65 {strides = array<i32>} : memref<1x256xf32, #tpu.memory_space<vmem>>, vector<1x256xf32>,
      %get3A_69 = arith.constant 0 : index
      %get3A_70 = arith.constant 0 : index
      %get3A_71 = vector.load %arg12[%get3A_69, %get3A_70] : memref<1x256xf32, #tpu.memory_space<vmem>>, vector<1x256xf32>
      %mul3A_72 = arith.mulf %add3A_57, %add3A_57 : vector<2000x256xf32>
      %reduce_sum3A_73 = arith.constant dense<0.000000e+00> : vector<256xf32>
      %reduce_sum3A_74 = vector.multi_reduction <add>, %mul3A_72, %reduce_sum3A_73 [0] : vector<2000x256xf32> to vector<256xf32>
      %broadcast_in_dim3A_75 = vector.shape_cast %reduce_sum3A_74 : vector<256xf32> to vector<1x256xf32>
      %add3A_76 = arith.addf %get3A_71, %broadcast_in_dim3A_75 : vector<1x256xf32>
      %swap3A_77 = arith.constant 0 : index
      %swap3A_78 = arith.constant 0 : index
      %swap3A_79 = vector.load %arg12[%swap3A_77, %swap3A_78] : memref<1x256xf32, #tpu.memory_space<vmem>>, vector<1x256xf32>
      tpu.vector_store %arg12[%swap3A_77, %swap3A_78], %add3A_76 {strides = array<i32>} : memref<1x256xf32, #tpu.memory_space<vmem>>, vector<1x256xf32>,
    } else {
    }
    %ge3A = arith.constant 5 : i32
    %ge3A_2 = arith.cmpi sge, %arg0, %ge3A : i32
    %convert_element_type3A_3 = arith.extui %ge3A_2 : i1 to i32
    %cond3A_4 = arith.constant 0 : i32
    %cond3A_5 = arith.cmpi ne, %convert_element_type3A_3, %cond3A_4 : i32
    scf.if %cond3A_5 {
      %sub3A = arith.constant 5 : i32
      %sub3A_6 = arith.subi %arg0, %sub3A : i32
      %mul3A = arith.constant 2000 : i32
      %mul3A_7 = arith.muli %sub3A_6, %mul3A : i32
      %get3A = arith.index_cast %mul3A_7 : i32 to index
      %get3A_8 = arith.constant 0 : index
      %get3A_9 = vector.load %arg10[%get3A, %get3A_8] : memref<10000x256xf32, #tpu.memory_space<vmem>>, vector<2000x256xf32>
      %get3A_10 = arith.constant 0 : index
      %get3A_11 = arith.constant 0 : index
      %get3A_12 = vector.load %arg11[%get3A_10, %get3A_11] : memref<1x256xf32, #tpu.memory_space<vmem>>, vector<1x256xf32>
      %div3A = arith.constant 1.000000e+04 : f32
      %div3A_13 = vector.broadcast %div3A : f32 to vector<1x256xf32>
      %div3A_14 = arith.divf %get3A_12, %div3A_13 : vector<1x256xf32>
      %get3A_15 = arith.constant 0 : index
      %get3A_16 = arith.constant 0 : index
      %get3A_17 = vector.load %arg12[%get3A_15, %get3A_16] : memref<1x256xf32, #tpu.memory_space<vmem>>, vector<1x256xf32>
      %div3A_18 = arith.constant 1.000000e+04 : f32
      %div3A_19 = vector.broadcast %div3A_18 : f32 to vector<1x256xf32>
      %div3A_20 = arith.divf %get3A_17, %div3A_19 : vector<1x256xf32>
      %mul3A_21 = arith.mulf %div3A_14, %div3A_14 : vector<1x256xf32>
      %sub3A_22 = arith.subf %div3A_20, %mul3A_21 : vector<1x256xf32>
      %sub3A_23 = vector.broadcast %div3A_14 : vector<1x256xf32> to vector<2000x256xf32>
      %sub3A_24 = arith.subf %get3A_9, %sub3A_23 : vector<2000x256xf32>
      %add3A = arith.constant 9.99999974E-6 : f32
      %add3A_25 = vector.broadcast %add3A : f32 to vector<1x256xf32>
      %add3A_26 = arith.addf %sub3A_22, %add3A_25 : vector<1x256xf32>
      %sqrt3A = math.sqrt %add3A_26 : vector<1x256xf32>
      %div3A_27 = vector.broadcast %sqrt3A : vector<1x256xf32> to vector<2000x256xf32>
      %div3A_28 = arith.divf %sub3A_24, %div3A_27 : vector<2000x256xf32>
      %get3A_29 = arith.constant 0 : index
      %get3A_30 = arith.constant 0 : index
      %get3A_31 = vector.load %arg7[%get3A_29, %get3A_30] : memref<1x256xf32, #tpu.memory_space<vmem>>, vector<1x256xf32>
      %mul3A_32 = vector.broadcast %get3A_31 : vector<1x256xf32> to vector<2000x256xf32>
      %mul3A_33 = arith.mulf %div3A_28, %mul3A_32 : vector<2000x256xf32>
      %get3A_34 = arith.constant 0 : index
      %get3A_35 = arith.constant 0 : index
      %get3A_36 = vector.load %arg8[%get3A_34, %get3A_35] : memref<1x256xf32, #tpu.memory_space<vmem>>, vector<1x256xf32>
      %add3A_37 = vector.broadcast %get3A_36 : vector<1x256xf32> to vector<2000x256xf32>
      %add3A_38 = arith.addf %mul3A_33, %add3A_37 : vector<2000x256xf32>
      %get3A_39 = arith.constant 0 : index
      %get3A_40 = arith.constant 0 : index
      %get3A_41 = arith.constant 0 : index
      %get3A_42 = vector.load %arg3[%get3A_39, %get3A_40, %get3A_41] : memref<2x2000x128xf32, #tpu.memory_space<vmem>>, vector<1x2000x128xf32>
      %get3A_43 = vector.shape_cast %get3A_42 : vector<1x2000x128xf32> to vector<2000x128xf32>
      %get3A_44 = arith.constant 1 : index
      %get3A_45 = arith.constant 0 : index
      %get3A_46 = arith.constant 0 : index
      %get3A_47 = vector.load %arg3[%get3A_44, %get3A_45, %get3A_46] : memref<2x2000x128xf32, #tpu.memory_space<vmem>>, vector<1x2000x128xf32>
      %get3A_48 = vector.shape_cast %get3A_47 : vector<1x2000x128xf32> to vector<2000x128xf32>
      %concatenate3A = tpu.concatenate %get3A_43, %get3A_48 in 1 : vector<2000x128xf32>, vector<2000x128xf32> -> vector<2000x256xf32>
      %mul3A_49 = arith.constant 5.000000e-01 : f32
      %mul3A_50 = vector.broadcast %mul3A_49 : f32 to vector<2000x256xf32>
      %mul3A_51 = arith.mulf %mul3A_50, %add3A_38 : vector<2000x256xf32>
      %mul3A_52 = arith.constant 0.707106769 : f32
      %mul3A_53 = vector.broadcast %mul3A_52 : f32 to vector<2000x256xf32>
      %mul3A_54 = arith.mulf %add3A_38, %mul3A_53 : vector<2000x256xf32>
      %erf3A = math.erf %mul3A_54 : vector<2000x256xf32>
      %add3A_55 = arith.constant 1.000000e+00 : f32
      %add3A_56 = vector.broadcast %add3A_55 : f32 to vector<2000x256xf32>
      %add3A_57 = arith.addf %add3A_56, %erf3A : vector<2000x256xf32>
      %mul3A_58 = arith.mulf %mul3A_51, %add3A_57 : vector<2000x256xf32>
      %add3A_59 = arith.addf %concatenate3A, %mul3A_58 : vector<2000x256xf32>
      %slice3A = vector.extract_strided_slice %add3A_59 {offsets = [0, 0], sizes = [2000, 128], strides = [1, 1]} : vector<2000x256xf32> to vector<2000x128xf32>
      %swap3A = arith.constant 0 : index
      %swap3A_60 = arith.constant 0 : index
      %swap3A_61 = arith.constant 0 : index
      %swap3A_62 = vector.load %arg9[%swap3A, %swap3A_60, %swap3A_61] : memref<2x2000x128xf32, #tpu.memory_space<vmem>>, vector<1x2000x128xf32>
      %swap3A_63 = vector.shape_cast %swap3A_62 : vector<1x2000x128xf32> to vector<2000x128xf32>
      %swap3A_64 = vector.shape_cast %slice3A : vector<2000x128xf32> to vector<1x2000x128xf32>
      tpu.vector_store %arg9[%swap3A, %swap3A_60, %swap3A_61], %swap3A_64 {strides = array<i32>} : memref<2x2000x128xf32, #tpu.memory_space<vmem>>, vector<1x2000x128xf32>,
      %slice3A_65 = vector.extract_strided_slice %add3A_59 {offsets = [0, 128], sizes = [2000, 128], strides = [1, 1]} : vector<2000x256xf32> to vector<2000x128xf32>
      %swap3A_66 = arith.constant 1 : index
      %swap3A_67 = arith.constant 0 : index
      %swap3A_68 = arith.constant 0 : index
      %swap3A_69 = vector.load %arg9[%swap3A_66, %swap3A_67, %swap3A_68] : memref<2x2000x128xf32, #tpu.memory_space<vmem>>, vector<1x2000x128xf32>
      %swap3A_70 = vector.shape_cast %swap3A_69 : vector<1x2000x128xf32> to vector<2000x128xf32>
      %swap3A_71 = vector.shape_cast %slice3A_65 : vector<2000x128xf32> to vector<1x2000x128xf32>
      tpu.vector_store %arg9[%swap3A_66, %swap3A_67, %swap3A_68], %swap3A_71 {strides = array<i32>} : memref<2x2000x128xf32, #tpu.memory_space<vmem>>, vector<1x2000x128xf32>,
    } else {
    }
    return
  }
  func.func @transform_0(%arg0: i32) -> (i32, i32, i32) {
    %min3A = arith.constant 4 : i32
    %min3A_0 = arith.minsi %arg0, %min3A : i32
    %c0_i32 = arith.constant 0 : i32
    %c0_i32_1 = arith.constant 0 : i32
    %c0_i32_2 = arith.constant 0 : i32
    return %c0_i32, %min3A_0, %c0_i32_1 : i32, i32, i32
  }
  func.func @transform_1(%arg0: i32) -> (i32, i32, i32) {
    %min3A = arith.constant 4 : i32
    %min3A_0 = arith.minsi %arg0, %min3A : i32
    %c0_i32 = arith.constant 0 : i32
    %c0_i32_1 = arith.constant 0 : i32
    %c0_i32_2 = arith.constant 0 : i32
    return %c0_i32, %min3A_0, %c0_i32_1 : i32, i32, i32
  }
  func.func @transform_2(%arg0: i32) -> (i32, i32, i32) {
    %lt3A = arith.constant 5 : i32
    %lt3A_0 = arith.cmpi slt, %arg0, %lt3A : i32
    %sub3A = arith.constant 5 : i32
    %sub3A_1 = arith.subi %arg0, %sub3A : i32
    %select_n3A = arith.select %lt3A_0, %arg0, %sub3A_1 : i32
    %c0_i32 = arith.constant 0 : i32
    %c0_i32_2 = arith.constant 0 : i32
    %c0_i32_3 = arith.constant 0 : i32
    return %c0_i32, %select_n3A, %c0_i32_2 : i32, i32, i32
  }
  func.func @transform_3(%arg0: i32) -> (i32, i32) {
    %c0_i32 = arith.constant 0 : i32
    %c0_i32_0 = arith.constant 0 : i32
    %c0_i32_1 = arith.constant 0 : i32
    return %c0_i32, %c0_i32_0 : i32, i32
  }
  func.func @transform_4(%arg0: i32) -> (i32, i32) {
    %c0_i32 = arith.constant 0 : i32
    %c0_i32_0 = arith.constant 0 : i32
    %c0_i32_1 = arith.constant 0 : i32
    return %c0_i32, %c0_i32_0 : i32, i32
  }
  func.func @transform_5(%arg0: i32) -> (i32, i32) {
    %c0_i32 = arith.constant 0 : i32
    %c0_i32_0 = arith.constant 0 : i32
    %c0_i32_1 = arith.constant 0 : i32
    return %c0_i32, %c0_i32_0 : i32, i32
  }
  func.func @transform_6(%arg0: i32) -> (i32, i32) {
    %c0_i32 = arith.constant 0 : i32
    %c0_i32_0 = arith.constant 0 : i32
    %c0_i32_1 = arith.constant 0 : i32
    return %c0_i32, %c0_i32_0 : i32, i32
  }
  func.func @transform_7(%arg0: i32) -> (i32, i32) {
    %c0_i32 = arith.constant 0 : i32
    %c0_i32_0 = arith.constant 0 : i32
    %c0_i32_1 = arith.constant 0 : i32
    return %c0_i32, %c0_i32_0 : i32, i32
  }
  func.func @transform_8(%arg0: i32) -> (i32, i32, i32) {
    %sub3A = arith.constant 5 : i32
    %sub3A_0 = arith.subi %arg0, %sub3A : i32
    %max3A = arith.constant 0 : i32
    %max3A_1 = arith.maxsi %sub3A_0, %max3A : i32
    %c0_i32 = arith.constant 0 : i32
    %c0_i32_2 = arith.constant 0 : i32
    %c0_i32_3 = arith.constant 0 : i32
    return %c0_i32, %max3A_1, %c0_i32_2 : i32, i32, i32
  }
}

module attributes {stable_mosaic.version = 14 : i64} {
  func.func @_layer_body(%arg0: i32, %arg1: memref<2x2000x128xf32, #tpu.memory_space<vmem>>, %arg2: memref<2x2000x16xf32, #tpu.memory_space<vmem>>, %arg3: memref<2x2000x128xf32, #tpu.memory_space<vmem>>, %arg4: memref<256x256xf32, #tpu.memory_space<vmem>>, %arg5: memref<256x256xf32, #tpu.memory_space<vmem>>, %arg6: memref<1x256xf32, #tpu.memory_space<vmem>>, %arg7: memref<1x256xf32, #tpu.memory_space<vmem>>, %arg8: memref<1x256xf32, #tpu.memory_space<vmem>>, %arg9: memref<128x256xf32, #tpu.memory_space<vmem>>, %arg10: memref<1x128xf32, #tpu.memory_space<vmem>>, %arg11: memref<2000x128xf32, #tpu.memory_space<vmem>>, %arg12: memref<10000x256xf32, #tpu.memory_space<vmem>>, %arg13: memref<1x256xf32, #tpu.memory_space<vmem>>, %arg14: memref<1x256xf32, #tpu.memory_space<vmem>>) attributes {dimension_semantics = [#tpu.dimension_semantics<arbitrary>], iteration_bounds = array<i64: 10>, scalar_prefetch = 0 : i64, scratch_operands = 3 : i64, tpu.core_type = #tpu.core_type<tc>, window_params = [{transform_indices = @transform_0, window_bounds = array<i64: 2, 2000, 128>}, {transform_indices = @transform_1, window_bounds = array<i64: 2, 2000, 16>}, {transform_indices = @transform_2, window_bounds = array<i64: 2, 2000, 128>}, {pipeline_mode = #tpu.pipeline_mode<synchronous>, transform_indices = @transform_3, window_bounds = array<i64: 256, 256>}, {pipeline_mode = #tpu.pipeline_mode<synchronous>, transform_indices = @transform_4, window_bounds = array<i64: 256, 256>}, {pipeline_mode = #tpu.pipeline_mode<synchronous>, transform_indices = @transform_5, window_bounds = array<i64: 1, 256>}, {pipeline_mode = #tpu.pipeline_mode<synchronous>, transform_indices = @transform_6, window_bounds = array<i64: 1, 256>}, {pipeline_mode = #tpu.pipeline_mode<synchronous>, transform_indices = @transform_7, window_bounds = array<i64: 1, 256>}, {pipeline_mode = #tpu.pipeline_mode<synchronous>, transform_indices = @transform_8, window_bounds = array<i64: 128, 256>}, {pipeline_mode = #tpu.pipeline_mode<synchronous>, transform_indices = @transform_9, window_bounds = array<i64: 1, 128>}, {transform_indices = @transform_10, window_bounds = array<i64: 2000, 128>}]} {
    %lt3A = arith.constant 5 : i32
    %lt3A_0 = arith.cmpi slt, %arg0, %lt3A : i32
    %convert_element_type3A = arith.extui %lt3A_0 : i1 to i32
    %cond3A = arith.constant 0 : i32
    %cond3A_1 = arith.cmpi ne, %convert_element_type3A, %cond3A : i32
    scf.if %cond3A_1 {
      %eq3A = arith.constant 0 : i32
      %eq3A_6 = arith.cmpi eq, %arg0, %eq3A : i32
      %convert_element_type3A_7 = arith.extui %eq3A_6 : i1 to i32
      %cond3A_8 = arith.constant 0 : i32
      %cond3A_9 = arith.cmpi ne, %convert_element_type3A_7, %cond3A_8 : i32
      scf.if %cond3A_9 {
        %broadcast_in_dim3A_80 = arith.constant 0.000000e+00 : f32
        %broadcast_in_dim3A_81 = vector.broadcast %broadcast_in_dim3A_80 : f32 to vector<1x256xf32>
        %swap3A_82 = arith.constant 0 : index
        %swap3A_83 = arith.constant 0 : index
        %swap3A_84 = vector.load %arg13[%swap3A_82, %swap3A_83] : memref<1x256xf32, #tpu.memory_space<vmem>>, vector<1x256xf32>
        tpu.vector_store %arg13[%swap3A_82, %swap3A_83], %broadcast_in_dim3A_81 {strides = array<i32>} : memref<1x256xf32, #tpu.memory_space<vmem>>, vector<1x256xf32>,
        %broadcast_in_dim3A_85 = arith.constant 0.000000e+00 : f32
        %broadcast_in_dim3A_86 = vector.broadcast %broadcast_in_dim3A_85 : f32 to vector<1x256xf32>
        %swap3A_87 = arith.constant 0 : index
        %swap3A_88 = arith.constant 0 : index
        %swap3A_89 = vector.load %arg14[%swap3A_87, %swap3A_88] : memref<1x256xf32, #tpu.memory_space<vmem>>, vector<1x256xf32>
        tpu.vector_store %arg14[%swap3A_87, %swap3A_88], %broadcast_in_dim3A_86 {strides = array<i32>} : memref<1x256xf32, #tpu.memory_space<vmem>>, vector<1x256xf32>,
      } else {
      }
      %get3A = arith.constant 0 : index
      %get3A_10 = arith.constant 0 : index
      %get3A_11 = arith.constant 0 : index
      %get3A_12 = vector.load %arg2[%get3A, %get3A_10, %get3A_11] : memref<2x2000x16xf32, #tpu.memory_space<vmem>>, vector<1x2000x1xf32>
      %get3A_13 = vector.shape_cast %get3A_12 : vector<1x2000x1xf32> to vector<2000x1xf32>
      %get3A_14 = arith.constant 1 : index
      %get3A_15 = arith.constant 0 : index
      %get3A_16 = arith.constant 0 : index
      %get3A_17 = vector.load %arg2[%get3A_14, %get3A_15, %get3A_16] : memref<2x2000x16xf32, #tpu.memory_space<vmem>>, vector<1x2000x1xf32>
      %get3A_18 = vector.shape_cast %get3A_17 : vector<1x2000x1xf32> to vector<2000x1xf32>
      %add3A = arith.addf %get3A_13, %get3A_18 : vector<2000x1xf32>
      %max3A = arith.constant 1.000000e+00 : f32
      %max3A_19 = vector.broadcast %max3A : f32 to vector<2000x1xf32>
      %max3A_20 = arith.maximumf %add3A, %max3A_19 : vector<2000x1xf32>
      %get3A_21 = arith.constant 0 : index
      %get3A_22 = arith.constant 0 : index
      %get3A_23 = arith.constant 0 : index
      %get3A_24 = vector.load %arg1[%get3A_21, %get3A_22, %get3A_23] : memref<2x2000x128xf32, #tpu.memory_space<vmem>>, vector<1x2000x128xf32>
      %get3A_25 = vector.shape_cast %get3A_24 : vector<1x2000x128xf32> to vector<2000x128xf32>
      %get3A_26 = arith.constant 1 : index
      %get3A_27 = arith.constant 0 : index
      %get3A_28 = arith.constant 0 : index
      %get3A_29 = vector.load %arg1[%get3A_26, %get3A_27, %get3A_28] : memref<2x2000x128xf32, #tpu.memory_space<vmem>>, vector<1x2000x128xf32>
      %get3A_30 = vector.shape_cast %get3A_29 : vector<1x2000x128xf32> to vector<2000x128xf32>
      %concatenate3A = tpu.concatenate %get3A_25, %get3A_30 in 1 : vector<2000x128xf32>, vector<2000x128xf32> -> vector<2000x256xf32>
      %div3A = vector.broadcast %max3A_20 : vector<2000x1xf32> to vector<2000x256xf32>
      %div3A_31 = arith.divf %concatenate3A, %div3A : vector<2000x256xf32>
      %get3A_32 = arith.constant 0 : index
      %get3A_33 = arith.constant 0 : index
      %get3A_34 = arith.constant 0 : index
      %get3A_35 = vector.load %arg3[%get3A_32, %get3A_33, %get3A_34] : memref<2x2000x128xf32, #tpu.memory_space<vmem>>, vector<1x2000x128xf32>
      %get3A_36 = vector.shape_cast %get3A_35 : vector<1x2000x128xf32> to vector<2000x128xf32>
      %get3A_37 = arith.constant 1 : index
      %get3A_38 = arith.constant 0 : index
      %get3A_39 = arith.constant 0 : index
      %get3A_40 = vector.load %arg3[%get3A_37, %get3A_38, %get3A_39] : memref<2x2000x128xf32, #tpu.memory_space<vmem>>, vector<1x2000x128xf32>
      %get3A_41 = vector.shape_cast %get3A_40 : vector<1x2000x128xf32> to vector<2000x128xf32>
      %concatenate3A_42 = tpu.concatenate %get3A_36, %get3A_41 in 1 : vector<2000x128xf32>, vector<2000x128xf32> -> vector<2000x256xf32>
      %get3A_43 = arith.constant 0 : index
      %get3A_44 = arith.constant 0 : index
      %get3A_45 = vector.load %arg4[%get3A_43, %get3A_44] : memref<256x256xf32, #tpu.memory_space<vmem>>, vector<256x256xf32>
      %dot_general3A = arith.constant dense<0.000000e+00> : vector<2000x256xf32>
      %dot_general3A_46 = tpu.matmul %div3A_31, %get3A_45, %dot_general3A {dimension_numbers = #tpu.dot_dimension_numbers<[1], [1], [0], [0], [0, 0, 1, 0], [], []>, transpose_lhs_hint = false} : vector<2000x256xf32>, vector<256x256xf32>, vector<2000x256xf32> -> vector<2000x256xf32>
      %get3A_47 = arith.constant 0 : index
      %get3A_48 = arith.constant 0 : index
      %get3A_49 = vector.load %arg5[%get3A_47, %get3A_48] : memref<256x256xf32, #tpu.memory_space<vmem>>, vector<256x256xf32>
      %dot_general3A_50 = arith.constant dense<0.000000e+00> : vector<2000x256xf32>
      %dot_general3A_51 = tpu.matmul %concatenate3A_42, %get3A_49, %dot_general3A_50 {dimension_numbers = #tpu.dot_dimension_numbers<[1], [1], [0], [0], [0, 0, 1, 0], [], []>, transpose_lhs_hint = false} : vector<2000x256xf32>, vector<256x256xf32>, vector<2000x256xf32> -> vector<2000x256xf32>
      %add3A_52 = arith.addf %dot_general3A_46, %dot_general3A_51 : vector<2000x256xf32>
      %get3A_53 = arith.constant 0 : index
      %get3A_54 = arith.constant 0 : index
      %get3A_55 = vector.load %arg6[%get3A_53, %get3A_54] : memref<1x256xf32, #tpu.memory_space<vmem>>, vector<1x256xf32>
      %add3A_56 = vector.broadcast %get3A_55 : vector<1x256xf32> to vector<2000x256xf32>
      %add3A_57 = arith.addf %add3A_52, %add3A_56 : vector<2000x256xf32>
      %mul3A = arith.constant 2000 : i32
      %mul3A_58 = arith.muli %arg0, %mul3A : i32
      %swap3A = arith.index_cast %mul3A_58 : i32 to index
      %swap3A_59 = arith.constant 0 : index
      %swap3A_60 = vector.load %arg12[%swap3A, %swap3A_59] : memref<10000x256xf32, #tpu.memory_space<vmem>>, vector<2000x256xf32>
      tpu.vector_store %arg12[%swap3A, %swap3A_59], %add3A_57 {strides = array<i32>} : memref<10000x256xf32, #tpu.memory_space<vmem>>, vector<2000x256xf32>,
      %get3A_61 = arith.constant 0 : index
      %get3A_62 = arith.constant 0 : index
      %get3A_63 = vector.load %arg13[%get3A_61, %get3A_62] : memref<1x256xf32, #tpu.memory_space<vmem>>, vector<1x256xf32>
      %reduce_sum3A = arith.constant dense<0.000000e+00> : vector<256xf32>
      %reduce_sum3A_64 = vector.multi_reduction <add>, %add3A_57, %reduce_sum3A [0] : vector<2000x256xf32> to vector<256xf32>
      %broadcast_in_dim3A = vector.shape_cast %reduce_sum3A_64 : vector<256xf32> to vector<1x256xf32>
      %add3A_65 = arith.addf %get3A_63, %broadcast_in_dim3A : vector<1x256xf32>
      %swap3A_66 = arith.constant 0 : index
      %swap3A_67 = arith.constant 0 : index
      %swap3A_68 = vector.load %arg13[%swap3A_66, %swap3A_67] : memref<1x256xf32, #tpu.memory_space<vmem>>, vector<1x256xf32>
      tpu.vector_store %arg13[%swap3A_66, %swap3A_67], %add3A_65 {strides = array<i32>} : memref<1x256xf32, #tpu.memory_space<vmem>>, vector<1x256xf32>,
      %get3A_69 = arith.constant 0 : index
      %get3A_70 = arith.constant 0 : index
      %get3A_71 = vector.load %arg14[%get3A_69, %get3A_70] : memref<1x256xf32, #tpu.memory_space<vmem>>, vector<1x256xf32>
      %mul3A_72 = arith.mulf %add3A_57, %add3A_57 : vector<2000x256xf32>
      %reduce_sum3A_73 = arith.constant dense<0.000000e+00> : vector<256xf32>
      %reduce_sum3A_74 = vector.multi_reduction <add>, %mul3A_72, %reduce_sum3A_73 [0] : vector<2000x256xf32> to vector<256xf32>
      %broadcast_in_dim3A_75 = vector.shape_cast %reduce_sum3A_74 : vector<256xf32> to vector<1x256xf32>
      %add3A_76 = arith.addf %get3A_71, %broadcast_in_dim3A_75 : vector<1x256xf32>
      %swap3A_77 = arith.constant 0 : index
      %swap3A_78 = arith.constant 0 : index
      %swap3A_79 = vector.load %arg14[%swap3A_77, %swap3A_78] : memref<1x256xf32, #tpu.memory_space<vmem>>, vector<1x256xf32>
      tpu.vector_store %arg14[%swap3A_77, %swap3A_78], %add3A_76 {strides = array<i32>} : memref<1x256xf32, #tpu.memory_space<vmem>>, vector<1x256xf32>,
    } else {
    }
    %ge3A = arith.constant 5 : i32
    %ge3A_2 = arith.cmpi sge, %arg0, %ge3A : i32
    %convert_element_type3A_3 = arith.extui %ge3A_2 : i1 to i32
    %cond3A_4 = arith.constant 0 : i32
    %cond3A_5 = arith.cmpi ne, %convert_element_type3A_3, %cond3A_4 : i32
    scf.if %cond3A_5 {
      %sub3A = arith.constant 5 : i32
      %sub3A_6 = arith.subi %arg0, %sub3A : i32
      %mul3A = arith.constant 2000 : i32
      %mul3A_7 = arith.muli %sub3A_6, %mul3A : i32
      %get3A = arith.index_cast %mul3A_7 : i32 to index
      %get3A_8 = arith.constant 0 : index
      %get3A_9 = vector.load %arg12[%get3A, %get3A_8] : memref<10000x256xf32, #tpu.memory_space<vmem>>, vector<2000x256xf32>
      %get3A_10 = arith.constant 0 : index
      %get3A_11 = arith.constant 0 : index
      %get3A_12 = vector.load %arg13[%get3A_10, %get3A_11] : memref<1x256xf32, #tpu.memory_space<vmem>>, vector<1x256xf32>
      %div3A = arith.constant 1.000000e+04 : f32
      %div3A_13 = vector.broadcast %div3A : f32 to vector<1x256xf32>
      %div3A_14 = arith.divf %get3A_12, %div3A_13 : vector<1x256xf32>
      %get3A_15 = arith.constant 0 : index
      %get3A_16 = arith.constant 0 : index
      %get3A_17 = vector.load %arg14[%get3A_15, %get3A_16] : memref<1x256xf32, #tpu.memory_space<vmem>>, vector<1x256xf32>
      %div3A_18 = arith.constant 1.000000e+04 : f32
      %div3A_19 = vector.broadcast %div3A_18 : f32 to vector<1x256xf32>
      %div3A_20 = arith.divf %get3A_17, %div3A_19 : vector<1x256xf32>
      %mul3A_21 = arith.mulf %div3A_14, %div3A_14 : vector<1x256xf32>
      %sub3A_22 = arith.subf %div3A_20, %mul3A_21 : vector<1x256xf32>
      %sub3A_23 = vector.broadcast %div3A_14 : vector<1x256xf32> to vector<2000x256xf32>
      %sub3A_24 = arith.subf %get3A_9, %sub3A_23 : vector<2000x256xf32>
      %add3A = arith.constant 9.99999974E-6 : f32
      %add3A_25 = vector.broadcast %add3A : f32 to vector<1x256xf32>
      %add3A_26 = arith.addf %sub3A_22, %add3A_25 : vector<1x256xf32>
      %sqrt3A = math.sqrt %add3A_26 : vector<1x256xf32>
      %div3A_27 = vector.broadcast %sqrt3A : vector<1x256xf32> to vector<2000x256xf32>
      %div3A_28 = arith.divf %sub3A_24, %div3A_27 : vector<2000x256xf32>
      %get3A_29 = arith.constant 0 : index
      %get3A_30 = arith.constant 0 : index
      %get3A_31 = vector.load %arg7[%get3A_29, %get3A_30] : memref<1x256xf32, #tpu.memory_space<vmem>>, vector<1x256xf32>
      %mul3A_32 = vector.broadcast %get3A_31 : vector<1x256xf32> to vector<2000x256xf32>
      %mul3A_33 = arith.mulf %div3A_28, %mul3A_32 : vector<2000x256xf32>
      %get3A_34 = arith.constant 0 : index
      %get3A_35 = arith.constant 0 : index
      %get3A_36 = vector.load %arg8[%get3A_34, %get3A_35] : memref<1x256xf32, #tpu.memory_space<vmem>>, vector<1x256xf32>
      %add3A_37 = vector.broadcast %get3A_36 : vector<1x256xf32> to vector<2000x256xf32>
      %add3A_38 = arith.addf %mul3A_33, %add3A_37 : vector<2000x256xf32>
      %get3A_39 = arith.constant 0 : index
      %get3A_40 = arith.constant 0 : index
      %get3A_41 = arith.constant 0 : index
      %get3A_42 = vector.load %arg3[%get3A_39, %get3A_40, %get3A_41] : memref<2x2000x128xf32, #tpu.memory_space<vmem>>, vector<1x2000x128xf32>
      %get3A_43 = vector.shape_cast %get3A_42 : vector<1x2000x128xf32> to vector<2000x128xf32>
      %get3A_44 = arith.constant 1 : index
      %get3A_45 = arith.constant 0 : index
      %get3A_46 = arith.constant 0 : index
      %get3A_47 = vector.load %arg3[%get3A_44, %get3A_45, %get3A_46] : memref<2x2000x128xf32, #tpu.memory_space<vmem>>, vector<1x2000x128xf32>
      %get3A_48 = vector.shape_cast %get3A_47 : vector<1x2000x128xf32> to vector<2000x128xf32>
      %concatenate3A = tpu.concatenate %get3A_43, %get3A_48 in 1 : vector<2000x128xf32>, vector<2000x128xf32> -> vector<2000x256xf32>
      %mul3A_49 = arith.constant 5.000000e-01 : f32
      %mul3A_50 = vector.broadcast %mul3A_49 : f32 to vector<2000x256xf32>
      %mul3A_51 = arith.mulf %mul3A_50, %add3A_38 : vector<2000x256xf32>
      %mul3A_52 = arith.constant 0.707106769 : f32
      %mul3A_53 = vector.broadcast %mul3A_52 : f32 to vector<2000x256xf32>
      %mul3A_54 = arith.mulf %add3A_38, %mul3A_53 : vector<2000x256xf32>
      %erf3A = math.erf %mul3A_54 : vector<2000x256xf32>
      %add3A_55 = arith.constant 1.000000e+00 : f32
      %add3A_56 = vector.broadcast %add3A_55 : f32 to vector<2000x256xf32>
      %add3A_57 = arith.addf %add3A_56, %erf3A : vector<2000x256xf32>
      %mul3A_58 = arith.mulf %mul3A_51, %add3A_57 : vector<2000x256xf32>
      %add3A_59 = arith.addf %concatenate3A, %mul3A_58 : vector<2000x256xf32>
      %get3A_60 = arith.constant 0 : index
      %get3A_61 = arith.constant 0 : index
      %get3A_62 = vector.load %arg9[%get3A_60, %get3A_61] : memref<128x256xf32, #tpu.memory_space<vmem>>, vector<128x256xf32>
      %dot_general3A = arith.constant dense<0.000000e+00> : vector<2000x128xf32>
      %dot_general3A_63 = tpu.matmul %add3A_59, %get3A_62, %dot_general3A {dimension_numbers = #tpu.dot_dimension_numbers<[1], [1], [0], [0], [0, 0, 1, 0], [], []>, transpose_lhs_hint = false} : vector<2000x256xf32>, vector<128x256xf32>, vector<2000x128xf32> -> vector<2000x128xf32>
      %get3A_64 = arith.constant 0 : index
      %get3A_65 = arith.constant 0 : index
      %get3A_66 = vector.load %arg10[%get3A_64, %get3A_65] : memref<1x128xf32, #tpu.memory_space<vmem>>, vector<1x128xf32>
      %add3A_67 = vector.broadcast %get3A_66 : vector<1x128xf32> to vector<2000x128xf32>
      %add3A_68 = arith.addf %dot_general3A_63, %add3A_67 : vector<2000x128xf32>
      %swap3A = arith.constant 0 : index
      %swap3A_69 = arith.constant 0 : index
      %swap3A_70 = vector.load %arg11[%swap3A, %swap3A_69] : memref<2000x128xf32, #tpu.memory_space<vmem>>, vector<2000x128xf32>
      tpu.vector_store %arg11[%swap3A, %swap3A_69], %add3A_68 {strides = array<i32>} : memref<2000x128xf32, #tpu.memory_space<vmem>>, vector<2000x128xf32>,
    } else {
    }
    return
  }
  func.func @transform_0(%arg0: i32) -> (i32, i32, i32) {
    %min3A = arith.constant 4 : i32
    %min3A_0 = arith.minsi %arg0, %min3A : i32
    %c0_i32 = arith.constant 0 : i32
    %c0_i32_1 = arith.constant 0 : i32
    %c0_i32_2 = arith.constant 0 : i32
    return %c0_i32, %min3A_0, %c0_i32_1 : i32, i32, i32
  }
  func.func @transform_1(%arg0: i32) -> (i32, i32, i32) {
    %min3A = arith.constant 4 : i32
    %min3A_0 = arith.minsi %arg0, %min3A : i32
    %c0_i32 = arith.constant 0 : i32
    %c0_i32_1 = arith.constant 0 : i32
    %c0_i32_2 = arith.constant 0 : i32
    return %c0_i32, %min3A_0, %c0_i32_1 : i32, i32, i32
  }
  func.func @transform_2(%arg0: i32) -> (i32, i32, i32) {
    %lt3A = arith.constant 5 : i32
    %lt3A_0 = arith.cmpi slt, %arg0, %lt3A : i32
    %sub3A = arith.constant 5 : i32
    %sub3A_1 = arith.subi %arg0, %sub3A : i32
    %select_n3A = arith.select %lt3A_0, %arg0, %sub3A_1 : i32
    %c0_i32 = arith.constant 0 : i32
    %c0_i32_2 = arith.constant 0 : i32
    %c0_i32_3 = arith.constant 0 : i32
    return %c0_i32, %select_n3A, %c0_i32_2 : i32, i32, i32
  }
  func.func @transform_3(%arg0: i32) -> (i32, i32) {
    %c0_i32 = arith.constant 0 : i32
    %c0_i32_0 = arith.constant 0 : i32
    %c0_i32_1 = arith.constant 0 : i32
    return %c0_i32, %c0_i32_0 : i32, i32
  }
  func.func @transform_4(%arg0: i32) -> (i32, i32) {
    %c0_i32 = arith.constant 0 : i32
    %c0_i32_0 = arith.constant 0 : i32
    %c0_i32_1 = arith.constant 0 : i32
    return %c0_i32, %c0_i32_0 : i32, i32
  }
  func.func @transform_5(%arg0: i32) -> (i32, i32) {
    %c0_i32 = arith.constant 0 : i32
    %c0_i32_0 = arith.constant 0 : i32
    %c0_i32_1 = arith.constant 0 : i32
    return %c0_i32, %c0_i32_0 : i32, i32
  }
  func.func @transform_6(%arg0: i32) -> (i32, i32) {
    %c0_i32 = arith.constant 0 : i32
    %c0_i32_0 = arith.constant 0 : i32
    %c0_i32_1 = arith.constant 0 : i32
    return %c0_i32, %c0_i32_0 : i32, i32
  }
  func.func @transform_7(%arg0: i32) -> (i32, i32) {
    %c0_i32 = arith.constant 0 : i32
    %c0_i32_0 = arith.constant 0 : i32
    %c0_i32_1 = arith.constant 0 : i32
    return %c0_i32, %c0_i32_0 : i32, i32
  }
  func.func @transform_8(%arg0: i32) -> (i32, i32) {
    %c0_i32 = arith.constant 0 : i32
    %c0_i32_0 = arith.constant 0 : i32
    %c0_i32_1 = arith.constant 0 : i32
    return %c0_i32, %c0_i32_0 : i32, i32
  }
  func.func @transform_9(%arg0: i32) -> (i32, i32) {
    %c0_i32 = arith.constant 0 : i32
    %c0_i32_0 = arith.constant 0 : i32
    %c0_i32_1 = arith.constant 0 : i32
    return %c0_i32, %c0_i32_0 : i32, i32
  }
  func.func @transform_10(%arg0: i32) -> (i32, i32) {
    %sub3A = arith.constant 5 : i32
    %sub3A_0 = arith.subi %arg0, %sub3A : i32
    %max3A = arith.constant 0 : i32
    %max3A_1 = arith.maxsi %sub3A_0, %max3A : i32
    %c0_i32 = arith.constant 0 : i32
    %c0_i32_2 = arith.constant 0 : i32
    return %max3A_1, %c0_i32 : i32, i32
  }
}

</mosaic_0001>

<sc_bundles>
// kernel: kernel.10.cloned.1.call-start
scs
__scs_entry_jumppad:
0x0: {  	(pc) =	sbr.rel $0x88, $3  }
0x1: {  	(tag) =	ssettag $0x0;
	lr =	simm.s32 $0x1  }
0x2: {  	[smem:$0x3F93] =	sst lr;
	_ =	strace $0xD0000000  }
0x3: {  	_ = 	snop  }
0x4: {  	_ = 	snop  }
0x5: {  	_ = 	snop  }
0x6: {  	_ = 	snop  }
0x7: {  	_ = 	snop  }
__scs_overlays_trampoline_lowered:
0x8: {  	[smem:$0x3FA2] =	sst s0  }
0x9: {  	[smem:$0x3FA3] =	sst s1  }
0xa: {  	[smem:$0x3FA4] =	sst s2  }
0xb: {  	[smem:$0x3FA5] =	sst s3  }
0xc: {  	[smem:$0x3FA6] =	sst s4  }
0xd: {  	[smem:$0x3FA7] =	sst s5  }
0xe: {  	[smem:$0x3FA8] =	sst s6  }
0xf: {  	[smem:$0x3FA9] =	sst s7  }
0x10: {  	[smem:$0x3FAA] =	sst s8  }
0x11: {  	[smem:$0x3FAB] =	sst s9;
	s0 =	simm.s32 @!p0 $0x0  }
0x12: {  	s1 =	sld [smem:$0x3F91];
	s0 =	simm.s32 @p0 $0x1  }
0x13: {  	[smem:$0x3FAC] =	sst s0;
	s0 =	simm.s32 @!p1 $0x0  }
0x14: {  	s2 =	sld [smem:$0x3F90];
	s0 =	simm.s32 @p1 $0x1  }
0x15: {  	[smem:$0x3FAD] =	sst s0;
	s0 =	simm.s32 @!p2 $0x0  }
0x16: {  	s3 =	sld [smem:$0x3FDB];
	s0 =	simm.s32 @p2 $0x1  }
0x17: {  	s4 =	simm.s32 $0x1BF5;
	[smem:$0x3FAF] =	sst s0  }
0x18: {  	s0 =	sld [smem:$0x3F92];
	_ =	swait.ge [sflag:s4], $0x0  }
0x19: {  	s7 =	sld [smem:$0x3F93]  }
0x1a: {  	s8 =	sadd.s32 $0xFFFFE003, lr  }
0x1b: {  	s9 =	sadd.s32 $0xFFFFFEF7, lr;
	s5 =	simm.s32 $0xFFFFFFFF;
	p2 =	slt.u32 s8, $0xFFFFF086  }
0x1c: {  	p1 =	slt.u32 s9, $0xF7A;
	s5 =	simm.s32 @!p2 $0x0  }
0x1d: {  	s5 =	simm.s32 @p1 $0x1;
	p0 =	seq.s32 s7, s2  }
0x1e: {  	s7 =	smul.u32 @!p0 $0xF7A, s2;
	p2 =	seq.s32 @!p0 s5, $0x0  }
0x1f: {  	s9 =	smul.u32 $0xF7A, s1;
	s8 =	simm.s32 @!p0 $0x1BF5;
	p2 =	por !p2, p0  }
0x20: {  	[sflag:s8] =	ssyncset.s32 @!p0 $0xFFFFF086;
	s6 =	sadd.s32 @!p0 s3, s7;
	s7 =	simm.s32 @!p0 $0x108  }
0x21: {  	s3 =	sadd.s32 s3, s9;
	s6 =	sadd.s32 @!p0 $0x88, s6;
	s7 =	simm.s32 @p2 $0x1082  }
0x22: {  	[simem:s7], [sflag:s8] =	dma.local @!p0 [hbm:s6], $0xF7A  }
0x23: {  	s9 =	sor.u32 $0xD0000000, s2;
	s6 =	simm.s32 $0x108;
	_ =	swait.ge @!p0 [sflag:s8], $0x0  }
0x24: {  	s3 =	sadd.s32 $0x88, s3;
	s6 =	simm.s32 @!p1 $0x1082;
	[sflag:s4] =	ssyncset.s32 $0xFFFFF086  }
0x25: {  	[simem:s6], [sflag:s4] =	dma.local [hbm:s3], $0xF7A  }
0x26: {  	[smem:$0x3F93] =	sst s1;
	(tag) =	ssettag s2;
	_ =	strace s9  }
0x27: {  	s1 =	sld [smem:$0x3FA3]  }
0x28: {  	s2 =	sld [smem:$0x3FA4]  }
0x29: {  	s4 =	sld [smem:$0x3FA6]  }
0x2a: {  	p0 =	seq.s32 s5, $0x0;
	s5 =	sld [smem:$0x3FA7]  }
0x2b: {  	s6 =	sld [smem:$0x3FA8]  }
0x2c: {  	s7 =	sld [smem:$0x3FA9]  }
0x2d: {  	s3 =	simm.s32 $0x108;
	s8 =	sld [smem:$0x3FAA]  }
0x2e: {  	s3 =	simm.s32 @!p0 $0x1082;
	s9 =	sld [smem:$0x3FAB]  }
0x2f: {  	lr =	sadd.s32 s0, s3;
	s0 =	sld [smem:$0x3FA2]  }
0x30: {  	s3 =	sld [smem:$0x3FA5]  }
0x31: {  	[smem:$0x3FAE] =	sst s10  }
0x32: {  	s10 =	sld [smem:$0x3FAC];
	_ =	sdelay $0x3  }
0x33: {  	p0 =	seq.s32 s10, $0x1;
	s10 =	sld [smem:$0x3FAE];
	_ =	sdelay $0x3  }
0x34: {  	[smem:$0x3FAE] =	sst s10  }
0x35: {  	s10 =	sld [smem:$0x3FAD];
	_ =	sdelay $0x3  }
0x36: {  	p1 =	seq.s32 s10, $0x1;
	s10 =	sld [smem:$0x3FAE];
	_ =	sdelay $0x3  }
0x37: {  	[smem:$0x3FAE] =	sst s10  }
0x38: {  	s10 =	sld [smem:$0x3FAF]  }
0x39: {  	_ = 	snop;
	(pc) =	sbr.ind lr, $3  }
0x3a: {  	_ = 	snop  }
0x3b: {  	_ = 	snop  }
0x3c: {  	p2 =	seq.s32 s10, $0x1;
	s10 =	sld [smem:$0x3FAE]  }
0x3d: {  	_ =	shalt  }
0x3e: {  	_ =	shalt  }
0x3f: {  	_ =	shalt  }
0x40: {  	_ =	shalt  }
0x41: {  	_ =	shalt  }
0x42: {  	_ =	shalt  }
0x43: {  	_ =	shalt  }
0x44: {  	_ =	shalt  }
0x45: {  	_ =	shalt  }
0x46: {  	_ =	shalt  }
0x47: {  	_ =	shalt  }
0x48: {  	_ =	shalt  }
0x49: {  	_ =	shalt  }
0x4a: {  	_ =	shalt  }
0x4b: {  	_ =	shalt  }
0x4c: {  	_ =	shalt  }
0x4d: {  	_ =	shalt  }
0x4e: {  	_ =	shalt  }
0x4f: {  	_ =	shalt  }
0x50: {  	_ =	shalt  }
0x51: {  	_ =	shalt  }
0x52: {  	_ =	shalt  }
0x53: {  	_ =	shalt  }
0x54: {  	_ =	shalt  }
0x55: {  	_ =	shalt  }
0x56: {  	_ =	shalt  }
0x57: {  	_ =	shalt  }
0x58: {  	_ =	shalt  }
0x59: {  	_ =	shalt  }
0x5a: {  	_ =	shalt  }
0x5b: {  	_ =	shalt  }
0x5c: {  	_ =	shalt  }
0x5d: {  	_ =	shalt  }
0x5e: {  	_ =	shalt  }
0x5f: {  	_ =	shalt  }
0x60: {  	_ =	shalt  }
0x61: {  	_ =	shalt  }
0x62: {  	_ =	shalt  }
0x63: {  	_ =	shalt  }
0x64: {  	_ =	shalt  }
0x65: {  	_ =	shalt  }
0x66: {  	_ =	shalt  }
0x67: {  	_ =	shalt  }
0x68: {  	_ =	shalt  }
0x69: {  	_ =	shalt  }
0x6a: {  	_ =	shalt  }
0x6b: {  	_ =	shalt  }
0x6c: {  	_ =	shalt  }
0x6d: {  	_ =	shalt  }
0x6e: {  	_ =	shalt  }
0x6f: {  	_ =	shalt  }
0x70: {  	_ =	shalt  }
0x71: {  	_ =	shalt  }
0x72: {  	_ =	shalt  }
0x73: {  	_ =	shalt  }
0x74: {  	_ =	shalt  }
0x75: {  	_ =	shalt  }
0x76: {  	_ =	shalt  }
0x77: {  	_ =	shalt  }
0x78: {  	_ =	shalt  }
0x79: {  	_ =	shalt  }
0x7a: {  	_ =	shalt  }
0x7b: {  	_ =	shalt  }
0x7c: {  	_ =	shalt  }
0x7d: {  	_ =	shalt  }
0x7e: {  	_ =	shalt  }
0x7f: {  	_ =	shalt  }
0x80: {  	_ =	shalt  }
0x81: {  	_ =	shalt  }
0x82: {  	_ =	shalt  }
0x83: {  	_ =	shalt  }
0x84: {  	_ =	shalt  }
0x85: {  	_ =	shalt  }
0x86: {  	_ =	shalt  }
0x87: {  	_ =	shalt  }
.Lfunc_end0:
.L_simem_size_0:
called_computation_lowered:
.L_overlay_start_0:
0x88: {  	s2 =	sld [smem:$0x3FD9]  }
0x89: {  	s3 =	sld [smem:$0x3FFE];
	_ =	sdelay $0x1  }
0x8a: {  	s1 =	srdreg.scid  }
0x8b: {  	s0 =	sand.u32 $0x1, s1  }
0x8c: {  	s17 =	sshll.u32 s0, $0xA;
	s2 =	sadd.s32 s3, s2  }
0x8d: {  	s2 =	sadd.s32 s2, s17  }
0x8e: {  	[smem:$0x3FBA] =	sst s2  }
0x8f: {  	_ = 	snop  }
0x90: {  	s18 =	sld [smem:$0x3FD0];
	(tm) =	ssettm $0x1  }
0x91: {  	s19 =	sld [smem:$0x3FFB];
	_ =	sdelay $0x3  }
0x92: {  	_ =	strace s19  }
0x93: {  	s2 =	sld [smem:$0x3FFC];
	_ =	sdelay $0x3  }
0x94: {  	_ =	strace s2  }
0x95: {  	s2 =	sld [smem:$0x3FFD];
	_ =	sdelay $0x3  }
0x96: {  	_ =	strace s2  }
0x97: {  	_ =	strace $0x8FFFFFFF  }
0x98: {  	s20 =	sld [smem:$0x3FDB];
	_ =	sdelay $0x1  }
0x99: {  	s4 =	simm.s32 $_scs_section_size  }
0x9a: {  	s5 =	simm.s32 $_size__tile_overlayer_lowered;
	s6 =	simm.s32 $_tile_overlayer_lowered  }
0x9b: {  	s7 =	simm.s32 $0x1BFF;
	s21 =	sshll.u32 s6, $0x1;
	s4 =	sadd.s32 s4, s20  }
0x9c: {  	s22 =	simm.s32 $0x0;
	s5 =	sshll.u32 s5, $0x1;
	s6 =	sadd.s32 s21, s4  }
0x9d: {  	[timem:s22], [sflag:s7] =	dma.local [hbm:s6], s5  }
0x9e: {  	_ =	swait.ge [sflag:s7], s5  }
0x9f: {  	s5 =	ssub.s32 $0x0, s5;
	[sflag:s7] =	ssyncset.done $0x0  }
0xa0: {  	[sflag:s7] =	ssyncadd.s32 s5;
	_ =	sdelay $0x1  }
0xa1: {  	s23 =	simm.s32 $0x1B8B  }
0xa2: {  	_ =	swait.ge [sflag:s23], $0x1  }
0xa3: {  	[sflag:s23] =	ssyncset.done $0x0  }
0xa4: {  	[sflag:s23] =	ssyncadd.s32 $0xFFFFFFFF  }
0xa5: {  	s5 =	sld [smem:$0x0]  }
0xa6: {  	s6 =	sand.u32 $0xFFFFFFFE, s1  }
0xa7: {  	p0 =	sne.s32 s1, s6  }
0xa8: {  	s6 =	sshll.u32 @p0 s6, $0xE  }
0xa9: {  	s6 =	sadd.s32 @p0 $0x11B8D, s6;
	s7 =	sshll.u32 @p0 s5, $0x11  }
0xaa: {  	s6 =	sor.u32 @p0 s7, s6  }
0xab: {  	[sflag:s6] =	ssyncadd.remote.s32 @p0 $0x1;
	_ =	sdelay $0x1  }
0xac: {  	s6 =	simm.s32 @p0 $0x1B8D  }
0xad: {  	_ =	swait.eq @p0 [sflag:s6], $0x1  }
0xae: {  	[sflag:s6] =	ssyncadd.s32 @p0 $0xFFFFFFFF  }
0xaf: {  	s7 =	sshll.u32 @!p0 s1, $0xE  }
0xb0: {  	s7 =	sor.u32 @!p0 $0x4000, s7;
	s6 =	simm.s32 @!p0 $0x1B8D  }
0xb1: {  	s5 =	sshll.u32 @!p0 s5, $0x11;
	s7 =	sadd.s32 @!p0 $0x11B8D, s7;
	_ =	swait.eq @!p0 [sflag:s6], $0x1  }
0xb2: {  	s5 =	sor.u32 @!p0 s5, s7;
	[sflag:s6] =	ssyncadd.s32 @!p0 $0xFFFFFFFF  }
0xb3: {  	s25 =	simm.s32 $0x1B8E;
	s24 =	sld [smem:$0x3FFE];
	[sflag:s5] =	ssyncadd.remote.s32 @!p0 $0x1  }
0xb4: {  	s26 =	simm.s32 $execute0_lowered;
	[smem:$0x3FD2] =	sst s25  }
0xb5: {  	s6 =	sshll.u32 s26, $0x1;
	_ =	strace $0x80000049;
	[dreg:$0x1] =	wrdreg $0xFFFFFFFF  }
0xb6: {  	s28 =	simm.s32 $_size_execute0_lowered;
	s4 =	sadd.s32 s4, s6;
	[dreg:$0x0] =	wrdreg $0x0  }
0xb7: {  	s6 =	sshll.u32 s28, $0x1;
	[dreg:$0x2] =	wrdreg s4  }
0xb8: {  	[dreg:$0x3] =	wrdreg s6  }
0xb9: {  	[dreg:$0x4] =	wrdreg $0xC0  }
0xba: {  	_ =	task [dreg:s22], $0x5FFFF  }
0xbb: {  	[dreg:$0x1] =	wrdreg $0xFFFFFFFF  }
0xbc: {  	[dreg:$0x0] =	wrdreg $0x60  }
0xbd: {  	[dreg:$0x2] =	wrdreg s18  }
0xbe: {  	[dreg:$0x3] =	wrdreg s24  }
0xbf: {  	[dreg:$0x4] =	wrdreg $0x68000  }
0xc0: {  	[dreg:$0x5] =	wrdreg $0x9  }
0xc1: {  	_ =	task.clear_ibuf [dreg:s22], $0x6FFFF;
	_ =	strace $0x90000049  }
0xc2: {  	s29 =	simm.s32 $0x9;
	_ =	strace $0x8000004B  }
0xc3: {  	_ =	swait.ge [sflag:s29], $0x1  }
0xc4: {  	[sflag:s29] =	ssyncadd.s32 $0xFFFFFFFF  }
0xc5: {  	_ =	strace $0x9000004B  }
0xc6: {  	_ =	sfence  }
0xc7: {  	s30 =	sld [smem:$0x0];
	_ =	sdelay $0x2  }
0xc8: {  	s31 =	sshll.u32 s1, $0xD;
	s1 =	sshrl.u32 s1, $0x2  }
0xc9: {  	s4 =	sand.u32 $0x4000, s31;
	s1 =	sadd.s32 s1, s30  }
0xca: {  	s0 =	sor.u32 s4, s0;
	s1 =	sshll.u32 s1, $0x11  }
0xcb: {  	s0 =	sor.u32 s1, s0  }
0xcc: {  	s0 =	sadd.s32 $0x8F2B, s0  }
0xcd: {  	[sflag:s0] =	ssyncadd.remote.s32 $0x1  }
0xce: {  	_ =	sfence.sel $0xFFFF  }
0xcf: {  	[dreg:$0x0] =	wrdreg $0xFFFFFFFF;
	(pc) =	sbr.abs _section_cstart, $3  }
0xd0: {  	[dreg:$0x1] =	wrdreg $0xFFFFFFFF  }
0xd1: {  	_ =	task.clear_ibuf [dreg:s22], $0x2FFFF;
	_ =	strace $0x9FFFFFFF  }
0xd2: {  	(tm) =	ssettm $0x7FFFFFFF  }
0xd3: {  	_ =	shalt  }
tec
execute0_lowered:
.L_overlay_start_1:
0x0: {  	(tag) =	ssettag $0x1  }
0x1: {  	s0 =	rddreg [dreg:$0x0]  }
0x2: {  	s12 =	rddreg [dreg:$0x1]  }
0x3: {  	s1 =	rddreg [dreg:$0x2];
	s3 =	simm.s32 $0x0;
	s4 =	srdreg.scid  }
0x4: {  	s2 =	stileid.u32;
	[smem:$0x7FF] =	sst s3;
	s11 =	sand.u32 $0x1, s4  }
0x5: {  	s6 =	smul.u32 $0x4E000, s2;
	s4 =	sadd.s32 $0xC9600, s12;
	s18 =	sadd.s32 $0xCA600, s12  }
0x6: {  	s8 =	sshll.u32 s2, $0x6;
	s14 =	smul.u32 $0x13800, s2;
	s12 =	sadd.s32 $0xC9E00, s12  }
0x7: {  	p0 =	sne.s32 s2, $0xF;
	_ =	strace $0x8000004A;
	s5 =	ssub.s32 $0x2, s11  }
0x8: {  	s9 =	sshll.u32 s11, $0x4;
	s21 =	smul.u32 $0x138800, s11;
	s11 =	sadd.s32 $0x138000, s1  }
0x9: {  	s7 =	sshrl.u32 s5, $0x1;
	s6 =	sshrl.u32 s6, $0x2;
	s15 =	sadd.s32 $0x4000, s14  }
0xa: {  	s16 =	sadd.s32 $0x8000, s14;
	s9 =	sor.u32 s2, s9;
	s17 =	sadd.s32 $0xC000, s14  }
0xb: {  	s19 =	sadd.s32 $0x10000, s14;
	s20 =	ssub.s32 s5, s7;
	s5 =	sadd.s32 s6, s1  }
0xc: {  	s6 =	sor.u32 $0x1C01, s8;
	s7 =	sadd.s32 s15, s1;
	s8 =	sadd.s32 s16, s1  }
0xd: {  	s13 =	smul.u32 $0x500, s9;
	s9 =	sadd.s32 s17, s1;
	s10 =	sadd.s32 s19, s1  }
0xe: {  	s23 =	sadd.s32 s14, s21;
	s24 =	sadd.s32 s21, s15;
	s25 =	sadd.s32 s21, s16  }
0xf: {  	s28 =	sadd.s32 s21, s17;
	s29 =	sadd.s32 s21, s19;
	s30 =	sshrl.u32 s21, $0x3  }
0x10: {  	s21 =	simm.s32 $0x1;
	s26 =	sshrl.u32 s24, $0x3;
	s22 =	sshrl.u32 s25, $0x3  }
0x11: {  	s31 =	sshrl.u32 s29, $0x3;
	s19 =	sadd.s32 s18, s30;
	s20 =	smax.u32 s20, $0x1  }
0x12: {  	s24 =	simm.s32 $0x0;
	s13 =	sadd.s32 s0, s13;
	s0 =	sshrl.u32 s23, $0x3  }
0x13: {  	s15 =	sadd.s32 s18, s26;
	s16 =	sadd.s32 s18, s22;
	s19 =	sadd.s32 $0x27000, s19  }
0x14: {  	s22 =	simm.s32 $0x2800;
	s14 =	sadd.s32 s18, s0;
	s0 =	sshrl.u32 s28, $0x3  }
0x15: {  	s23 =	simm.s32 $0x80;
	s17 =	sadd.s32 s18, s0;
	s18 =	sadd.s32 s18, s31  }
.LBB2_1:
0x16: {  	s25 =	sshrl.u32 s5, $0x3  }
0x17: {  	[spmem:s25], [sflag:s6] =	dma.local [hbm:s4], $0x800  }
0x18: {  	_ =	swait.ge [sflag:s21], $0x800  }
0x19: {  	[sflag:s21] =	ssyncset.done $0x0  }
0x1a: {  	s26 =	sshrl.u32 s7, $0x3;
	[sflag:s21] =	ssyncadd.s32 $0xFFFFF800  }
0x1b: {  	[spmem:s26], [sflag:s6] =	dma.local [hbm:s4], $0x800  }
0x1c: {  	_ =	swait.ge [sflag:s21], $0x800  }
0x1d: {  	[sflag:s21] =	ssyncset.done $0x0  }
0x1e: {  	s28 =	sshrl.u32 s8, $0x3;
	[sflag:s21] =	ssyncadd.s32 $0xFFFFF800  }
0x1f: {  	[spmem:s28], [sflag:s6] =	dma.local [hbm:s4], $0x800  }
0x20: {  	_ =	swait.ge [sflag:s21], $0x800  }
0x21: {  	[sflag:s21] =	ssyncset.done $0x0  }
0x22: {  	s29 =	sshrl.u32 s9, $0x3;
	[sflag:s21] =	ssyncadd.s32 $0xFFFFF800  }
0x23: {  	[spmem:s29], [sflag:s6] =	dma.local [hbm:s4], $0x800  }
0x24: {  	_ =	swait.ge [sflag:s21], $0x800  }
0x25: {  	[sflag:s21] =	ssyncset.done $0x0  }
0x26: {  	s30 =	sshrl.u32 s10, $0x3;
	[sflag:s21] =	ssyncadd.s32 $0xFFFFF800  }
0x27: {  	[spmem:s30], [sflag:s6] =	dma.local [hbm:s4], $0x700  }
0x28: {  	_ =	swait.ge [sflag:s21], $0x700  }
0x29: {  	[sflag:s21] =	ssyncset.done $0x0  }
0x2a: {  	s31 =	sshrl.u32 @!p0 s11, $0x3;
	s0 =	simm.s32 @!p0 $0x1;
	[sflag:s21] =	ssyncadd.s32 $0xFFFFF900  }
0x2b: {  	[spmem:s31], [sflag:s6] =	dma.local @!p0 [hbm:s4], $0x180  }
0x2c: {  	_ =	swait.ge @!p0 [sflag:s0], $0x180  }
0x2d: {  	[sflag:s0] =	ssyncset.done @!p0 $0x0  }
0x2e: {  	[sflag:s0] =	ssyncadd.s32 @!p0 $0xFFFFFE80  }
0x2f: {  	[tilespmem:s22], [sflag:$0x1] =	stream.linear.gather [hbm4b:s12+s3], $0x4000, $0x38;
	[tilespmem:$0x8F18] =	vst v63  }
0x30: {  	_ =	swait.ge [sflag:s21], $0x4000  }
0x31: {  	[sflag:s21] =	ssyncset.done $0x0  }
0x32: {  	[sflag:s21] =	ssyncadd.s32 $0xFFFFC000  }
0x33: {  	[tilespmem:s3], [sflag:$0x1] =	stream.linear.gather [hbm4b:s13+s3], $0x2800, $0x38;
	[tilespmem:$0x8F18] =	vst v63  }
0x34: {  	_ =	swait.ge [sflag:s21], $0x2800  }
0x35: {  	[sflag:s21] =	ssyncset.done $0x0  }
0x36: {  	[sflag:s21] =	ssyncadd.s32 $0xFFFFD800  }
0x37: {  	s2 =	simm.s32 $0x0;
	[bflag:$0x0] =	sbarrier.arrive $0xFFFF  }
0x38: {  	[spmem:s1] =	stream.indirect.scatter.add.f32 [tilespmem:s22], [sflag:$0x1], $0x10, s2, s23, $0xb8;
	[tilespmem:$0x8F18] =	vst v63  }
0x39: {  	_ =	swait.ge [sflag:s21], $0x800  }
0x3a: {  	s0 =	simm.s32 $0x200;
	[sflag:s21] =	ssyncset.done $0x0  }
.LBB2_2:
0x3b: {  	s2 =	sshra.s32 s0, $0x2;
	[sflag:s21] =	ssyncadd.s32 $0xFFFFF800;
	p1 =	sne.s32 s0, $0x9E00  }
0x3c: {  	[spmem:s1] =	stream.indirect.scatter.add.f32 [tilespmem:s22], [sflag:$0x1], $0x10, s2, s23, $0xb8;
	[tilespmem:$0x8F18] =	vst v63  }
.Ltmp0:
0x3d: {  	_ = 	snop;
	(pc) =	sbr.rel @p1 .LBB2_2-.Ltmp0, $4  }
0x3e: {  	_ = 	snop  }
0x3f: {  	s0 =	sadd.s32 $0x200, s0  }
0x40: {  	_ =	swait.ge [sflag:s21], $0x800  }
0x41: {  	[sflag:s21] =	ssyncset.done $0x0  }
0x42: {  	[sflag:s21] =	ssyncadd.s32 $0xFFFFF800  }
0x43: {  	[bflag:$0x0] =	sbarrier.arrive $0xFFFF  }
0x44: {  	[hbm:s14], [sflag:s6] =	dma.local [spmem:s25], $0x800  }
0x45: {  	_ =	swait.ge [sflag:s21], $0x800  }
0x46: {  	[sflag:s21] =	ssyncset.done $0x0  }
0x47: {  	[sflag:s21] =	ssyncadd.s32 $0xFFFFF800  }
0x48: {  	[hbm:s15], [sflag:s6] =	dma.local [spmem:s26], $0x800  }
0x49: {  	_ =	swait.ge [sflag:s21], $0x800  }
0x4a: {  	[sflag:s21] =	ssyncset.done $0x0  }
0x4b: {  	[sflag:s21] =	ssyncadd.s32 $0xFFFFF800  }
0x4c: {  	[hbm:s16], [sflag:s6] =	dma.local [spmem:s28], $0x800  }
0x4d: {  	_ =	swait.ge [sflag:s21], $0x800  }
0x4e: {  	[sflag:s21] =	ssyncset.done $0x0  }
0x4f: {  	[sflag:s21] =	ssyncadd.s32 $0xFFFFF800  }
0x50: {  	[hbm:s17], [sflag:s6] =	dma.local [spmem:s29], $0x800  }
0x51: {  	_ =	swait.ge [sflag:s21], $0x800  }
0x52: {  	[sflag:s21] =	ssyncset.done $0x0  }
0x53: {  	[sflag:s21] =	ssyncadd.s32 $0xFFFFF800  }
0x54: {  	[hbm:s18], [sflag:s6] =	dma.local [spmem:s30], $0x700  }
0x55: {  	s24 =	sadd.s32 $0x1, s24;
	_ =	swait.ge [sflag:s21], $0x700  }
0x56: {  	p1 =	sne.s32 s24, s20;
	[sflag:s21] =	ssyncset.done $0x0  }
.Ltmp1:
0x57: {  	s0 =	simm.s32 @!p0 $0x1;
	[sflag:s21] =	ssyncadd.s32 $0xFFFFF900;
	(pc) =	sbr.rel @p1 .LBB2_1-.Ltmp1, $4  }
0x58: {  	[hbm:s19], [sflag:s6] =	dma.local @!p0 [spmem:s31], $0x100  }
0x59: {  	_ =	swait.ge @!p0 [sflag:s0], $0x100  }
0x5a: {  	[sflag:s0] =	ssyncset.done @!p0 $0x0  }
0x5b: {  	[sflag:s0] =	ssyncadd.s32 @!p0 $0xFFFFFF00  }
0x5c: {  	_ =	sfence.sel $0x180000  }
0x5d: {  	[bflag:$0x0] =	sbarrier.arrive $0xFFFF  }
0x5e: {  	_ =	strace $0x9000004A  }
0x5f: {  	s0 =	stileid.u32;
	[bflag:$0x2] =	sbarrier.arrive $0xFFFF  }
0x60: {  	p0 =	sne.s32 s0, $0x0;
	s0 =	rddreg [dreg:$0x3]  }
0x61: {  	s0 =	sadd.s32 @!p0 $0x100000, s0  }
0x62: {  	[sflag:s0] =	ssyncadd.tile.s32 @!p0 $0x1;
	_ =	shalt  }
.Lfunc_end2:
_tile_overlayer_lowered:
.L_overlay_start_2:
0x63: {  	(tag) =	ssettag $0x2  }
0x64: {  	s0 =	rddreg [dreg:$0x0];
	s2 =	stileid.u32  }
0x65: {  	s1 =	rddreg [dreg:$0x1];
	p0 =	sne.s32 s2, $0x0  }
0x66: {  	s3 =	rddreg [dreg:$0x2];
	[bflag:$0x3] =	sbarrier.arrive $0xFFFF;
	s2 =	simm.s32 @!p0 $0x1C01  }
0x67: {  	[timem:s3], [sflag:s2] =	dma.local @!p0 [hbm:s0], s1  }
0x68: {  	s0 =	simm.s32 @!p0 $0x1  }
0x69: {  	_ =	swait.ge @!p0 [sflag:s0], s1  }
0x6a: {  	s1 =	ssub.s32 @!p0 $0x0, s1;
	[sflag:s0] =	ssyncset.done @!p0 $0x0  }
0x6b: {  	[sflag:s0] =	ssyncadd.s32 @!p0 s1  }
0x6c: {  	[bflag:$0x3] =	sbarrier.arrive $0xFFFF  }
0x6d: {  	_ =	shalt  }

// kernel: kernel.13.cloned.1.call-start
scs
__scs_entry_jumppad:
0x0: {  	(pc) =	sbr.rel $0x88, $3  }
0x1: {  	(tag) =	ssettag $0x0;
	lr =	simm.s32 $0x1  }
0x2: {  	[smem:$0x3F93] =	sst lr;
	_ =	strace $0xD0000000  }
0x3: {  	_ = 	snop  }
0x4: {  	_ = 	snop  }
0x5: {  	_ = 	snop  }
0x6: {  	_ = 	snop  }
0x7: {  	_ = 	snop  }
__scs_overlays_trampoline_lowered:
0x8: {  	[smem:$0x3FA2] =	sst s0  }
0x9: {  	[smem:$0x3FA3] =	sst s1  }
0xa: {  	[smem:$0x3FA4] =	sst s2  }
0xb: {  	[smem:$0x3FA5] =	sst s3  }
0xc: {  	[smem:$0x3FA6] =	sst s4  }
0xd: {  	[smem:$0x3FA7] =	sst s5  }
0xe: {  	[smem:$0x3FA8] =	sst s6  }
0xf: {  	[smem:$0x3FA9] =	sst s7  }
0x10: {  	[smem:$0x3FAA] =	sst s8  }
0x11: {  	[smem:$0x3FAB] =	sst s9;
	s0 =	simm.s32 @!p0 $0x0  }
0x12: {  	s1 =	sld [smem:$0x3F91];
	s0 =	simm.s32 @p0 $0x1  }
0x13: {  	[smem:$0x3FAC] =	sst s0;
	s0 =	simm.s32 @!p1 $0x0  }
0x14: {  	s2 =	sld [smem:$0x3F90];
	s0 =	simm.s32 @p1 $0x1  }
0x15: {  	[smem:$0x3FAD] =	sst s0;
	s0 =	simm.s32 @!p2 $0x0  }
0x16: {  	s3 =	sld [smem:$0x3FDB];
	s0 =	simm.s32 @p2 $0x1  }
0x17: {  	s4 =	simm.s32 $0x1BF5;
	[smem:$0x3FAF] =	sst s0  }
0x18: {  	s0 =	sld [smem:$0x3F92];
	_ =	swait.ge [sflag:s4], $0x0  }
0x19: {  	s7 =	sld [smem:$0x3F93]  }
0x1a: {  	s8 =	sadd.s32 $0xFFFFE003, lr  }
0x1b: {  	s9 =	sadd.s32 $0xFFFFFEF7, lr;
	s5 =	simm.s32 $0xFFFFFFFF;
	p2 =	slt.u32 s8, $0xFFFFF086  }
0x1c: {  	p1 =	slt.u32 s9, $0xF7A;
	s5 =	simm.s32 @!p2 $0x0  }
0x1d: {  	s5 =	simm.s32 @p1 $0x1;
	p0 =	seq.s32 s7, s2  }
0x1e: {  	s7 =	smul.u32 @!p0 $0xF7A, s2;
	p2 =	seq.s32 @!p0 s5, $0x0  }
0x1f: {  	s9 =	smul.u32 $0xF7A, s1;
	s8 =	simm.s32 @!p0 $0x1BF5;
	p2 =	por !p2, p0  }
0x20: {  	[sflag:s8] =	ssyncset.s32 @!p0 $0xFFFFF086;
	s6 =	sadd.s32 @!p0 s3, s7;
	s7 =	simm.s32 @!p0 $0x108  }
0x21: {  	s3 =	sadd.s32 s3, s9;
	s6 =	sadd.s32 @!p0 $0x88, s6;
	s7 =	simm.s32 @p2 $0x1082  }
0x22: {  	[simem:s7], [sflag:s8] =	dma.local @!p0 [hbm:s6], $0xF7A  }
0x23: {  	s9 =	sor.u32 $0xD0000000, s2;
	s6 =	simm.s32 $0x108;
	_ =	swait.ge @!p0 [sflag:s8], $0x0  }
0x24: {  	s3 =	sadd.s32 $0x88, s3;
	s6 =	simm.s32 @!p1 $0x1082;
	[sflag:s4] =	ssyncset.s32 $0xFFFFF086  }
0x25: {  	[simem:s6], [sflag:s4] =	dma.local [hbm:s3], $0xF7A  }
0x26: {  	[smem:$0x3F93] =	sst s1;
	(tag) =	ssettag s2;
	_ =	strace s9  }
0x27: {  	s1 =	sld [smem:$0x3FA3]  }
0x28: {  	s2 =	sld [smem:$0x3FA4]  }
0x29: {  	s4 =	sld [smem:$0x3FA6]  }
0x2a: {  	p0 =	seq.s32 s5, $0x0;
	s5 =	sld [smem:$0x3FA7]  }
0x2b: {  	s6 =	sld [smem:$0x3FA8]  }
0x2c: {  	s7 =	sld [smem:$0x3FA9]  }
0x2d: {  	s3 =	simm.s32 $0x108;
	s8 =	sld [smem:$0x3FAA]  }
0x2e: {  	s3 =	simm.s32 @!p0 $0x1082;
	s9 =	sld [smem:$0x3FAB]  }
0x2f: {  	lr =	sadd.s32 s0, s3;
	s0 =	sld [smem:$0x3FA2]  }
0x30: {  	s3 =	sld [smem:$0x3FA5]  }
0x31: {  	[smem:$0x3FAE] =	sst s10  }
0x32: {  	s10 =	sld [smem:$0x3FAC];
	_ =	sdelay $0x3  }
0x33: {  	p0 =	seq.s32 s10, $0x1;
	s10 =	sld [smem:$0x3FAE];
	_ =	sdelay $0x3  }
0x34: {  	[smem:$0x3FAE] =	sst s10  }
0x35: {  	s10 =	sld [smem:$0x3FAD];
	_ =	sdelay $0x3  }
0x36: {  	p1 =	seq.s32 s10, $0x1;
	s10 =	sld [smem:$0x3FAE];
	_ =	sdelay $0x3  }
0x37: {  	[smem:$0x3FAE] =	sst s10  }
0x38: {  	s10 =	sld [smem:$0x3FAF]  }
0x39: {  	_ = 	snop;
	(pc) =	sbr.ind lr, $3  }
0x3a: {  	_ = 	snop  }
0x3b: {  	_ = 	snop  }
0x3c: {  	p2 =	seq.s32 s10, $0x1;
	s10 =	sld [smem:$0x3FAE]  }
0x3d: {  	_ =	shalt  }
0x3e: {  	_ =	shalt  }
0x3f: {  	_ =	shalt  }
0x40: {  	_ =	shalt  }
0x41: {  	_ =	shalt  }
0x42: {  	_ =	shalt  }
0x43: {  	_ =	shalt  }
0x44: {  	_ =	shalt  }
0x45: {  	_ =	shalt  }
0x46: {  	_ =	shalt  }
0x47: {  	_ =	shalt  }
0x48: {  	_ =	shalt  }
0x49: {  	_ =	shalt  }
0x4a: {  	_ =	shalt  }
0x4b: {  	_ =	shalt  }
0x4c: {  	_ =	shalt  }
0x4d: {  	_ =	shalt  }
0x4e: {  	_ =	shalt  }
0x4f: {  	_ =	shalt  }
0x50: {  	_ =	shalt  }
0x51: {  	_ =	shalt  }
0x52: {  	_ =	shalt  }
0x53: {  	_ =	shalt  }
0x54: {  	_ =	shalt  }
0x55: {  	_ =	shalt  }
0x56: {  	_ =	shalt  }
0x57: {  	_ =	shalt  }
0x58: {  	_ =	shalt  }
0x59: {  	_ =	shalt  }
0x5a: {  	_ =	shalt  }
0x5b: {  	_ =	shalt  }
0x5c: {  	_ =	shalt  }
0x5d: {  	_ =	shalt  }
0x5e: {  	_ =	shalt  }
0x5f: {  	_ =	shalt  }
0x60: {  	_ =	shalt  }
0x61: {  	_ =	shalt  }
0x62: {  	_ =	shalt  }
0x63: {  	_ =	shalt  }
0x64: {  	_ =	shalt  }
0x65: {  	_ =	shalt  }
0x66: {  	_ =	shalt  }
0x67: {  	_ =	shalt  }
0x68: {  	_ =	shalt  }
0x69: {  	_ =	shalt  }
0x6a: {  	_ =	shalt  }
0x6b: {  	_ =	shalt  }
0x6c: {  	_ =	shalt  }
0x6d: {  	_ =	shalt  }
0x6e: {  	_ =	shalt  }
0x6f: {  	_ =	shalt  }
0x70: {  	_ =	shalt  }
0x71: {  	_ =	shalt  }
0x72: {  	_ =	shalt  }
0x73: {  	_ =	shalt  }
0x74: {  	_ =	shalt  }
0x75: {  	_ =	shalt  }
0x76: {  	_ =	shalt  }
0x77: {  	_ =	shalt  }
0x78: {  	_ =	shalt  }
0x79: {  	_ =	shalt  }
0x7a: {  	_ =	shalt  }
0x7b: {  	_ =	shalt  }
0x7c: {  	_ =	shalt  }
0x7d: {  	_ =	shalt  }
0x7e: {  	_ =	shalt  }
0x7f: {  	_ =	shalt  }
0x80: {  	_ =	shalt  }
0x81: {  	_ =	shalt  }
0x82: {  	_ =	shalt  }
0x83: {  	_ =	shalt  }
0x84: {  	_ =	shalt  }
0x85: {  	_ =	shalt  }
0x86: {  	_ =	shalt  }
0x87: {  	_ =	shalt  }
.Lfunc_end0:
.L_simem_size_0:
called_computation.1_lowered:
.L_overlay_start_0:
0x88: {  	s2 =	sld [smem:$0x3FD9]  }
0x89: {  	s3 =	sld [smem:$0x3FFE];
	_ =	sdelay $0x1  }
0x8a: {  	s1 =	srdreg.scid  }
0x8b: {  	s0 =	sand.u32 $0x1, s1  }
0x8c: {  	s16 =	sshll.u32 s0, $0xA;
	s2 =	sadd.s32 s3, s2  }
0x8d: {  	s2 =	sadd.s32 s2, s16  }
0x8e: {  	[smem:$0x3FBA] =	sst s2  }
0x8f: {  	_ = 	snop  }
0x90: {  	(tm) =	ssettm $0x1  }
0x91: {  	s17 =	sld [smem:$0x3FFB];
	_ =	sdelay $0x3  }
0x92: {  	_ =	strace s17  }
0x93: {  	s2 =	sld [smem:$0x3FFC];
	_ =	sdelay $0x3  }
0x94: {  	_ =	strace s2  }
0x95: {  	s2 =	sld [smem:$0x3FFD];
	_ =	sdelay $0x3  }
0x96: {  	_ =	strace s2  }
0x97: {  	_ =	strace $0x8FFFFFFF  }
0x98: {  	s18 =	sld [smem:$0x3FDB];
	_ =	sdelay $0x1  }
0x99: {  	s19 =	simm.s32 $_scs_section_size  }
0x9a: {  	s4 =	simm.s32 $_size__tile_overlayer_lowered;
	s5 =	simm.s32 $_tile_overlayer_lowered  }
0x9b: {  	s22 =	simm.s32 $0x1BFF;
	s21 =	sshll.u32 s5, $0x1;
	s2 =	sadd.s32 s19, s18  }
0x9c: {  	s6 =	simm.s32 $0x0;
	s20 =	sshll.u32 s4, $0x1;
	s4 =	sadd.s32 s21, s2  }
0x9d: {  	[timem:s6], [sflag:s22] =	dma.local [hbm:s4], s20  }
0x9e: {  	_ =	swait.ge [sflag:s22], s20  }
0x9f: {  	s3 =	ssub.s32 $0x0, s20;
	[sflag:s22] =	ssyncset.done $0x0  }
0xa0: {  	[sflag:s22] =	ssyncadd.s32 s3;
	_ =	sdelay $0x1  }
0xa1: {  	s23 =	simm.s32 $0x1B8B  }
0xa2: {  	_ =	swait.ge [sflag:s23], $0x1  }
0xa3: {  	[sflag:s23] =	ssyncset.done $0x0  }
0xa4: {  	s25 =	simm.s32 $0x1B8E;
	s24 =	sld [smem:$0x3FFE];
	[sflag:s23] =	ssyncadd.s32 $0xFFFFFFFF  }
0xa5: {  	s26 =	simm.s32 $execute0_lowered;
	[smem:$0x3FD2] =	sst s25  }
0xa6: {  	s4 =	sshll.u32 s26, $0x1;
	_ =	strace $0x80000046;
	[dreg:$0x1] =	wrdreg $0xFFFFFFFF  }
0xa7: {  	s28 =	simm.s32 $_size_execute0_lowered;
	s2 =	sadd.s32 s2, s4;
	[dreg:$0x0] =	wrdreg $0x0  }
0xa8: {  	s4 =	sshll.u32 s28, $0x1;
	[dreg:$0x2] =	wrdreg s2  }
0xa9: {  	[dreg:$0x3] =	wrdreg s4  }
0xaa: {  	[dreg:$0x4] =	wrdreg $0xC0  }
0xab: {  	_ =	task [dreg:s6], $0x5FFFF  }
0xac: {  	[dreg:$0x1] =	wrdreg $0xFFFFFFFF  }
0xad: {  	[dreg:$0x0] =	wrdreg $0x60  }
0xae: {  	[dreg:$0x2] =	wrdreg s24  }
0xaf: {  	[dreg:$0x3] =	wrdreg $0xA8000  }
0xb0: {  	[dreg:$0x4] =	wrdreg $0xA  }
0xb1: {  	_ =	task.clear_ibuf [dreg:s6], $0x5FFFF;
	_ =	strace $0x90000046  }
0xb2: {  	s29 =	simm.s32 $0xA;
	_ =	strace $0x80000048  }
0xb3: {  	_ =	swait.ge [sflag:s29], $0x1  }
0xb4: {  	[sflag:s29] =	ssyncadd.s32 $0xFFFFFFFF  }
0xb5: {  	_ =	strace $0x90000048  }
0xb6: {  	_ =	sfence  }
0xb7: {  	s30 =	sld [smem:$0x0];
	_ =	sdelay $0x2  }
0xb8: {  	s31 =	sshll.u32 s1, $0xD;
	s1 =	sshrl.u32 s1, $0x2  }
0xb9: {  	s3 =	sand.u32 $0x4000, s31;
	s1 =	sadd.s32 s1, s30  }
0xba: {  	s0 =	sor.u32 s3, s0;
	s1 =	sshll.u32 s1, $0x11  }
0xbb: {  	s0 =	sor.u32 s1, s0  }
0xbc: {  	s0 =	sadd.s32 $0x8F2B, s0  }
0xbd: {  	[sflag:s0] =	ssyncadd.remote.s32 $0x1  }
0xbe: {  	_ =	sfence.sel $0xFFFF  }
0xbf: {  	[dreg:$0x0] =	wrdreg $0xFFFFFFFF;
	(pc) =	sbr.abs _section_cstart, $3  }
0xc0: {  	[dreg:$0x1] =	wrdreg $0xFFFFFFFF  }
0xc1: {  	_ =	task.clear_ibuf [dreg:s6], $0x2FFFF;
	_ =	strace $0x9FFFFFFF  }
0xc2: {  	(tm) =	ssettm $0x7FFFFFFF  }
0xc3: {  	_ =	shalt  }
tec
execute0_lowered:
.L_overlay_start_1:
0x0: {  	(tag) =	ssettag $0x1  }
0x1: {  	s0 =	rddreg [dreg:$0x0]  }
0x2: {  	s1 =	rddreg [dreg:$0x1];
	s2 =	simm.s32 $0x0  }
0x3: {  	s3 =	srdreg.scid;
	s16 =	stileid.u32;
	s28 =	simm.s32 $0x1  }
0x4: {  	s29 =	simm.s32 $0x2;
	s30 =	simm.s32 $0x2700;
	s31 =	simm.s32 $0x2680  }
0x5: {  	[smem:$0x7FF] =	sst s2;
	s4 =	sadd.s32 $0x2CA00, s0;
	s3 =	sand.u32 $0x1, s3  }
0x6: {  	s5 =	sadd.s32 $0x4A00, s0;
	s8 =	smul.u32 $0x4E000, s16;
	s6 =	sadd.s32 $0x7AC00, s0  }
0x7: {  	s10 =	smul.u32 $0x13800, s16;
	s0 =	sadd.s32 $0x7B400, s0;
	s18 =	sshll.u32 s16, $0x6  }
0x8: {  	s22 =	sadd.s32 $0x138000, s1;
	p0 =	sne.s32 s16, $0xF;
	s7 =	ssub.s32 $0x2, s3  }
0x9: {  	_ =	strace $0x80000047;
	[dreg:$0x8] =	wrdreg s22;
	s9 =	sshrl.u32 s7, $0x1  }
0xa: {  	s8 =	sshrl.u32 s8, $0x2;
	s19 =	sadd.s32 $0x4000, s10;
	s12 =	sadd.s32 $0x8000, s10  }
0xb: {  	s13 =	sadd.s32 $0xC000, s10;
	s21 =	sadd.s32 $0x10000, s10;
	s8 =	sadd.s32 s8, s1  }
0xc: {  	s7 =	ssub.s32 s7, s9;
	s11 =	sadd.s32 s19, s1;
	[dreg:$0x3] =	wrdreg s8  }
0xd: {  	s20 =	sadd.s32 s12, s1;
	s14 =	sadd.s32 s13, s1;
	[dreg:$0x4] =	wrdreg s11  }
0xe: {  	s15 =	sadd.s32 s21, s1;
	[dreg:$0x5] =	wrdreg s20;
	s11 =	smul.u32 $0xA0000, s3  }
0xf: {  	s8 =	sor.u32 $0x1C03, s18;
	[dreg:$0x6] =	wrdreg s14;
	s3 =	smul.u32 $0x138800, s3  }
0x10: {  	[dreg:$0x7] =	wrdreg s15;
	s15 =	smul.u32 $0xA0, s16;
	s22 =	smax.u32 s7, $0x1  }
0x11: {  	s10 =	sadd.s32 s10, s3;
	s9 =	sadd.s32 s3, s19;
	s12 =	sadd.s32 s3, s12  }
0x12: {  	s24 =	sadd.s32 s3, s13;
	s25 =	sadd.s32 s3, s21;
	s10 =	sshrl.u32 s10, $0x3  }
0x13: {  	s3 =	sshrl.u32 s3, $0x3;
	s9 =	sshrl.u32 s9, $0x3;
	s10 =	sadd.s32 s0, s10  }
0x14: {  	s12 =	sshrl.u32 s12, $0x3;
	s9 =	sadd.s32 s0, s9;
	[dreg:$0x9] =	wrdreg s10  }
0x15: {  	s3 =	sadd.s32 s0, s3;
	s23 =	sadd.s32 s0, s12;
	[dreg:$0xa] =	wrdreg s9  }
0x16: {  	s26 =	sadd.s32 $0x27000, s3;
	s3 =	simm.s32 $0x0;
	[dreg:$0xb] =	wrdreg s23  }
0x17: {  	s9 =	sshrl.u32 s24, $0x3;
	s10 =	sshrl.u32 s25, $0x3;
	[dreg:$0xe] =	wrdreg s26  }
0x18: {  	s23 =	simm.s32 $0x3;
	s24 =	simm.s32 $0x80;
	s9 =	sadd.s32 s0, s9  }
0x19: {  	s25 =	simm.s32 $0x2800;
	s0 =	sadd.s32 s0, s10;
	[dreg:$0xc] =	wrdreg s9  }
0x1a: {  	s26 =	simm.s32 $0x6800;
	[dreg:$0xd] =	wrdreg s0;
	s0 =	simm.s32 $0x2780  }
.LBB2_1:
0x1b: {  	s7 =	rddreg [dreg:$0x3]  }
0x1c: {  	s7 =	sshrl.u32 s7, $0x3  }
0x1d: {  	[spmem:s7], [sflag:s8] =	dma.local [hbm:s6], $0x800  }
0x1e: {  	_ =	swait.ge [sflag:s23], $0x800  }
0x1f: {  	[sflag:s23] =	ssyncset.done $0x0;
	s9 =	rddreg [dreg:$0x4]  }
0x20: {  	[sflag:s23] =	ssyncadd.s32 $0xFFFFF800;
	s9 =	sshrl.u32 s9, $0x3  }
0x21: {  	[spmem:s9], [sflag:s8] =	dma.local [hbm:s6], $0x800  }
0x22: {  	_ =	swait.ge [sflag:s23], $0x800  }
0x23: {  	[sflag:s23] =	ssyncset.done $0x0;
	s10 =	rddreg [dreg:$0x5]  }
0x24: {  	[sflag:s23] =	ssyncadd.s32 $0xFFFFF800;
	s10 =	sshrl.u32 s10, $0x3  }
0x25: {  	[spmem:s10], [sflag:s8] =	dma.local [hbm:s6], $0x800  }
0x26: {  	_ =	swait.ge [sflag:s23], $0x800  }
0x27: {  	[sflag:s23] =	ssyncset.done $0x0;
	s12 =	rddreg [dreg:$0x6]  }
0x28: {  	[sflag:s23] =	ssyncadd.s32 $0xFFFFF800;
	s12 =	sshrl.u32 s12, $0x3  }
0x29: {  	[spmem:s12], [sflag:s8] =	dma.local [hbm:s6], $0x800  }
0x2a: {  	_ =	swait.ge [sflag:s23], $0x800  }
0x2b: {  	[sflag:s23] =	ssyncset.done $0x0;
	s13 =	rddreg [dreg:$0x7]  }
0x2c: {  	[sflag:s23] =	ssyncadd.s32 $0xFFFFF800;
	s13 =	sshrl.u32 s13, $0x3  }
0x2d: {  	[spmem:s13], [sflag:s8] =	dma.local [hbm:s6], $0x700  }
0x2e: {  	_ =	swait.ge [sflag:s23], $0x700  }
0x2f: {  	[sflag:s23] =	ssyncset.done $0x0;
	s14 =	rddreg [dreg:$0x8]  }
0x30: {  	s16 =	simm.s32 @!p0 $0x3;
	[sflag:s23] =	ssyncadd.s32 $0xFFFFF900;
	s14 =	sshrl.u32 @!p0 s14, $0x3  }
0x31: {  	[spmem:s14], [sflag:s8] =	dma.local @!p0 [hbm:s6], $0x180  }
0x32: {  	_ =	swait.ge @!p0 [sflag:s16], $0x180  }
0x33: {  	[sflag:s16] =	ssyncset.done @!p0 $0x0  }
0x34: {  	[sflag:s16] =	ssyncadd.s32 @!p0 $0xFFFFFE80  }
0x35: {  	s16 =	simm.s32 $0x0;
	[bflag:$0x0] =	sbarrier.arrive $0xFFFF  }
.LBB2_2:
0x36: {  	s17 =	smul.u32 $0x28, s16;
	_ =	sdelay $0x1  }
0x37: {  	s17 =	sadd.s32 s15, s17  }
0x38: {  	s17 =	sshll.u32 s17, $0x8  }
0x39: {  	s17 =	sadd.s32 s11, s17  }
0x3a: {  	s17 =	sshrl.u32 s17, $0x3  }
0x3b: {  	s17 =	sadd.s32 s5, s17  }
0x3c: {  	[tilespmem:s2], [sflag:$0x3] =	stream.linear.gather [hbm4b:s17+s2], $0x2800, $0x38;
	[tilespmem:$0x1E0C0] =	vst v63  }
0x3d: {  	_ =	swait.ge [sflag:s23], $0x2800  }
0x3e: {  	[sflag:s23] =	ssyncset.done $0x0  }
0x3f: {  	[sflag:s23] =	ssyncadd.s32 $0xFFFFD800  }
0x40: {  	[tilespmem:s25], [sflag:$0x1] =	stream.indirect.gather [hbm4b:s4+s24], $0x80, s2, s24, $0xb8;
	[tilespmem:$0x1E0C0] =	vst v63  }
0x41: {  	s18 =	simm.s32 $0x100  }
0x42: {  	[tilespmem:s26], [sflag:$0x2] =	stream.indirect.gather [hbm4b:s4+s24], $0x80, s18, s24, $0xb8;
	[tilespmem:$0x1E0C0] =	vst v63  }
0x43: {  	_ =	swait.ge [sflag:s28], $0x4000  }
0x44: {  	[sflag:s28] =	ssyncset.done $0x0  }
0x45: {  	s19 =	simm.s32 $0x80;
	[sflag:s28] =	ssyncadd.s32 $0xFFFFC000  }
0x46: {  	[spmem:s1] =	stream.indirect.scatter.add.f32 [tilespmem:s25], [sflag:$0x3], $0x80, s19, s24, $0xb8;
	[tilespmem:$0x1E0C0] =	vst v63  }
0x47: {  	_ =	swait.ge [sflag:s23], $0x4000  }
0x48: {  	[sflag:s23] =	ssyncset.done $0x0  }
0x49: {  	s20 =	simm.s32 $0x200;
	[sflag:s23] =	ssyncadd.s32 $0xFFFFC000  }
0x4a: {  	[tilespmem:s25], [sflag:$0x1] =	stream.indirect.gather [hbm4b:s4+s24], $0x80, s20, s24, $0xb8;
	[tilespmem:$0x1E0C0] =	vst v63  }
0x4b: {  	_ =	swait.ge [sflag:s29], $0x4000  }
0x4c: {  	[sflag:s29] =	ssyncset.done $0x0  }
0x4d: {  	s21 =	simm.s32 $0x180;
	[sflag:s29] =	ssyncadd.s32 $0xFFFFC000  }
0x4e: {  	[spmem:s1] =	stream.indirect.scatter.add.f32 [tilespmem:s26], [sflag:$0x3], $0x80, s21, s24, $0xb8;
	[tilespmem:$0x1E0C0] =	vst v63  }
0x4f: {  	_ =	swait.ge [sflag:s23], $0x4000  }
0x50: {  	s17 =	simm.s32 $0xFFFFDC00;
	s18 =	simm.s32 $0xFFFF7800;
	[sflag:s23] =	ssyncset.done $0x0  }
.LBB2_3:
0x51: {  	s19 =	sadd.s32 $0x2700, s17  }
0x52: {  	[sflag:s23] =	ssyncadd.s32 $0xFFFFC000;
	s20 =	smov.u32 s18;
	s21 =	sadd.s32 $0x800, s18  }
0x53: {  	[tilespmem:s26], [sflag:$0x2] =	stream.indirect.gather [hbm4b:s4+s24], $0x80, s19, s24, $0xb8;
	[tilespmem:$0x1E0C0] =	vst v63  }
0x54: {  	p1 =	sne.s32 s18, $0xFFFFF800;
	_ =	swait.ge [sflag:s28], $0x4000  }
0x55: {  	[sflag:s28] =	ssyncset.done $0x0  }
0x56: {  	s18 =	sadd.s32 $0x2680, s17;
	[sflag:s28] =	ssyncadd.s32 $0xFFFFC000  }
0x57: {  	[spmem:s1] =	stream.indirect.scatter.add.f32 [tilespmem:s25], [sflag:$0x3], $0x80, s18, s24, $0xb8;
	[tilespmem:$0x1E0C0] =	vst v63  }
0x58: {  	_ =	swait.ge [sflag:s23], $0x4000  }
0x59: {  	[sflag:s23] =	ssyncset.done $0x0  }
0x5a: {  	s18 =	sadd.s32 $0x2800, s17;
	[sflag:s23] =	ssyncadd.s32 $0xFFFFC000  }
0x5b: {  	[tilespmem:s25], [sflag:$0x1] =	stream.indirect.gather [hbm4b:s4+s24], $0x80, s18, s24, $0xb8;
	[tilespmem:$0x1E0C0] =	vst v63  }
0x5c: {  	_ =	swait.ge [sflag:s29], $0x4000  }
.Ltmp0:
0x5d: {  	[sflag:s29] =	ssyncset.done $0x0;
	(pc) =	sbr.rel @p1 .LBB2_3-.Ltmp0, $4  }
0x5e: {  	s17 =	sadd.s32 $0x2780, s17;
	[sflag:s29] =	ssyncadd.s32 $0xFFFFC000  }
0x5f: {  	[spmem:s1] =	stream.indirect.scatter.add.f32 [tilespmem:s26], [sflag:$0x3], $0x80, s17, s24, $0xb8;
	[tilespmem:$0x1E0C0] =	vst v63  }
0x60: {  	_ =	swait.ge [sflag:s23], $0x4000  }
0x61: {  	s18 =	smov.u32 s21;
	s17 =	sshra.s32 s20, $0x2;
	[sflag:s23] =	ssyncset.done $0x0  }
0x62: {  	s18 =	sadd.s32 $0x2700, s17;
	[sflag:s23] =	ssyncadd.s32 $0xFFFFC000  }
0x63: {  	[tilespmem:s26], [sflag:$0x2] =	stream.indirect.gather [hbm4b:s4+s24], $0x80, s18, s24, $0xb8;
	[tilespmem:$0x1E0C0] =	vst v63  }
0x64: {  	_ =	swait.ge [sflag:s28], $0x4000  }
0x65: {  	[sflag:s28] =	ssyncset.done $0x0  }
0x66: {  	s19 =	sadd.s32 $0x2680, s17;
	[sflag:s28] =	ssyncadd.s32 $0xFFFFC000  }
0x67: {  	[spmem:s1] =	stream.indirect.scatter.add.f32 [tilespmem:s25], [sflag:$0x3], $0x80, s19, s24, $0xb8;
	[tilespmem:$0x1E0C0] =	vst v63  }
0x68: {  	_ =	swait.ge [sflag:s23], $0x4000  }
0x69: {  	[sflag:s23] =	ssyncset.done $0x0  }
0x6a: {  	s20 =	sadd.s32 $0x2800, s17;
	[sflag:s23] =	ssyncadd.s32 $0xFFFFC000  }
0x6b: {  	[tilespmem:s25], [sflag:$0x1] =	stream.indirect.gather [hbm4b:s4+s24], $0x80, s20, s24, $0xb8;
	[tilespmem:$0x1E0C0] =	vst v63  }
0x6c: {  	_ =	swait.ge [sflag:s29], $0x4000  }
0x6d: {  	[sflag:s29] =	ssyncset.done $0x0  }
0x6e: {  	s21 =	sadd.s32 $0x2780, s17;
	[sflag:s29] =	ssyncadd.s32 $0xFFFFC000  }
0x6f: {  	[spmem:s1] =	stream.indirect.scatter.add.f32 [tilespmem:s26], [sflag:$0x3], $0x80, s21, s24, $0xb8;
	[tilespmem:$0x1E0C0] =	vst v63  }
0x70: {  	_ =	swait.ge [sflag:s23], $0x4000  }
0x71: {  	[sflag:s23] =	ssyncset.done $0x0  }
0x72: {  	[sflag:s23] =	ssyncadd.s32 $0xFFFFC000  }
0x73: {  	[tilespmem:s26], [sflag:$0x2] =	stream.indirect.gather [hbm4b:s4+s24], $0x80, s30, s24, $0xb8;
	[tilespmem:$0x1E0C0] =	vst v63  }
0x74: {  	_ =	swait.ge [sflag:s28], $0x4000  }
0x75: {  	[sflag:s28] =	ssyncset.done $0x0  }
0x76: {  	[sflag:s28] =	ssyncadd.s32 $0xFFFFC000  }
0x77: {  	[spmem:s1] =	stream.indirect.scatter.add.f32 [tilespmem:s25], [sflag:$0x3], $0x80, s31, s24, $0xb8;
	[tilespmem:$0x1E0C0] =	vst v63  }
0x78: {  	_ =	swait.ge [sflag:s23], $0x4000  }
0x79: {  	[sflag:s23] =	ssyncset.done $0x0  }
0x7a: {  	[sflag:s23] =	ssyncadd.s32 $0xFFFFC000  }
0x7b: {  	s16 =	sadd.s32 $0x1, s16;
	_ =	swait.ge [sflag:s29], $0x4000  }
0x7c: {  	p1 =	sne.s32 s16, $0x4;
	[sflag:s29] =	ssyncset.done $0x0  }
.Ltmp1:
0x7d: {  	[sflag:s29] =	ssyncadd.s32 $0xFFFFC000;
	(pc) =	sbr.rel @p1 .LBB2_2-.Ltmp1, $4  }
0x7e: {  	[spmem:s1] =	stream.indirect.scatter.add.f32 [tilespmem:s26], [sflag:$0x3], $0x80, s0, s24, $0xb8;
	[tilespmem:$0x1E0C0] =	vst v63  }
0x7f: {  	_ =	swait.ge [sflag:s23], $0x4000  }
0x80: {  	[sflag:s23] =	ssyncset.done $0x0  }
0x81: {  	[sflag:s23] =	ssyncadd.s32 $0xFFFFC000  }
0x82: {  	[bflag:$0x0] =	sbarrier.arrive $0xFFFF  }
0x83: {  	s16 =	rddreg [dreg:$0x9]  }
0x84: {  	[hbm:s16], [sflag:s8] =	dma.local [spmem:s7], $0x800  }
0x85: {  	_ =	swait.ge [sflag:s23], $0x800  }
0x86: {  	[sflag:s23] =	ssyncset.done $0x0  }
0x87: {  	s18 =	rddreg [dreg:$0xa];
	[sflag:s23] =	ssyncadd.s32 $0xFFFFF800  }
0x88: {  	[hbm:s18], [sflag:s8] =	dma.local [spmem:s9], $0x800  }
0x89: {  	_ =	swait.ge [sflag:s23], $0x800  }
0x8a: {  	[sflag:s23] =	ssyncset.done $0x0  }
0x8b: {  	s19 =	rddreg [dreg:$0xb];
	[sflag:s23] =	ssyncadd.s32 $0xFFFFF800  }
0x8c: {  	[hbm:s19], [sflag:s8] =	dma.local [spmem:s10], $0x800  }
0x8d: {  	_ =	swait.ge [sflag:s23], $0x800  }
0x8e: {  	[sflag:s23] =	ssyncset.done $0x0  }
0x8f: {  	s20 =	rddreg [dreg:$0xc];
	[sflag:s23] =	ssyncadd.s32 $0xFFFFF800  }
0x90: {  	[hbm:s20], [sflag:s8] =	dma.local [spmem:s12], $0x800  }
0x91: {  	_ =	swait.ge [sflag:s23], $0x800  }
0x92: {  	[sflag:s23] =	ssyncset.done $0x0  }
0x93: {  	s21 =	rddreg [dreg:$0xd];
	[sflag:s23] =	ssyncadd.s32 $0xFFFFF800  }
0x94: {  	[hbm:s21], [sflag:s8] =	dma.local [spmem:s13], $0x700  }
0x95: {  	_ =	swait.ge [sflag:s23], $0x700  }
0x96: {  	s3 =	sadd.s32 $0x1, s3;
	[sflag:s23] =	ssyncset.done $0x0  }
0x97: {  	p1 =	sne.s32 s3, s22;
	s7 =	rddreg [dreg:$0xe];
	[sflag:s23] =	ssyncadd.s32 $0xFFFFF900  }
0x98: {  	[hbm:s7], [sflag:s8] =	dma.local @!p0 [spmem:s14], $0x100  }
.Ltmp2:
0x99: {  	_ = 	snop;
	(pc) =	sbr.rel @p1 .LBB2_1-.Ltmp2, $4  }
0x9a: {  	s7 =	simm.s32 @!p0 $0x3  }
0x9b: {  	_ =	swait.ge @!p0 [sflag:s7], $0x100  }
0x9c: {  	[sflag:s7] =	ssyncset.done @!p0 $0x0  }
0x9d: {  	[sflag:s7] =	ssyncadd.s32 @!p0 $0xFFFFFF00  }
0x9e: {  	_ =	sfence.sel $0x180000  }
0x9f: {  	[bflag:$0x0] =	sbarrier.arrive $0xFFFF  }
0xa0: {  	_ =	strace $0x90000047  }
0xa1: {  	s0 =	stileid.u32;
	[bflag:$0x2] =	sbarrier.arrive $0xFFFF  }
0xa2: {  	p0 =	sne.s32 s0, $0x0;
	s0 =	rddreg [dreg:$0x2]  }
0xa3: {  	s0 =	sadd.s32 @!p0 $0x100000, s0  }
0xa4: {  	[sflag:s0] =	ssyncadd.tile.s32 @!p0 $0x1;
	_ =	shalt  }
.Lfunc_end2:
_tile_overlayer_lowered:
.L_overlay_start_2:
0xa5: {  	(tag) =	ssettag $0x2  }
0xa6: {  	s0 =	rddreg [dreg:$0x0];
	s2 =	stileid.u32  }
0xa7: {  	s1 =	rddreg [dreg:$0x1];
	p0 =	sne.s32 s2, $0x0  }
0xa8: {  	s3 =	rddreg [dreg:$0x2];
	[bflag:$0x3] =	sbarrier.arrive $0xFFFF;
	s2 =	simm.s32 @!p0 $0x1C03  }
0xa9: {  	[timem:s3], [sflag:s2] =	dma.local @!p0 [hbm:s0], s1  }
0xaa: {  	s0 =	simm.s32 @!p0 $0x3  }
0xab: {  	_ =	swait.ge @!p0 [sflag:s0], s1  }
0xac: {  	s1 =	ssub.s32 @!p0 $0x0, s1;
	[sflag:s0] =	ssyncset.done @!p0 $0x0  }
0xad: {  	[sflag:s0] =	ssyncadd.s32 @!p0 s1  }
0xae: {  	[bflag:$0x3] =	sbarrier.arrive $0xFFFF  }
0xaf: {  	_ =	shalt  }

// kernel: kernel.16.cloned.1.call-start
scs
__scs_entry_jumppad:
0x0: {  	(pc) =	sbr.rel $0x88, $3  }
0x1: {  	(tag) =	ssettag $0x0;
	lr =	simm.s32 $0x1  }
0x2: {  	[smem:$0x3F93] =	sst lr;
	_ =	strace $0xD0000000  }
0x3: {  	_ = 	snop  }
0x4: {  	_ = 	snop  }
0x5: {  	_ = 	snop  }
0x6: {  	_ = 	snop  }
0x7: {  	_ = 	snop  }
__scs_overlays_trampoline_lowered:
0x8: {  	[smem:$0x3FA2] =	sst s0  }
0x9: {  	[smem:$0x3FA3] =	sst s1  }
0xa: {  	[smem:$0x3FA4] =	sst s2  }
0xb: {  	[smem:$0x3FA5] =	sst s3  }
0xc: {  	[smem:$0x3FA6] =	sst s4  }
0xd: {  	[smem:$0x3FA7] =	sst s5  }
0xe: {  	[smem:$0x3FA8] =	sst s6  }
0xf: {  	[smem:$0x3FA9] =	sst s7  }
0x10: {  	[smem:$0x3FAA] =	sst s8  }
0x11: {  	[smem:$0x3FAB] =	sst s9;
	s0 =	simm.s32 @!p0 $0x0  }
0x12: {  	s1 =	sld [smem:$0x3F91];
	s0 =	simm.s32 @p0 $0x1  }
0x13: {  	[smem:$0x3FAC] =	sst s0;
	s0 =	simm.s32 @!p1 $0x0  }
0x14: {  	s2 =	sld [smem:$0x3F90];
	s0 =	simm.s32 @p1 $0x1  }
0x15: {  	[smem:$0x3FAD] =	sst s0;
	s0 =	simm.s32 @!p2 $0x0  }
0x16: {  	s3 =	sld [smem:$0x3FDB];
	s0 =	simm.s32 @p2 $0x1  }
0x17: {  	s4 =	simm.s32 $0x1BF5;
	[smem:$0x3FAF] =	sst s0  }
0x18: {  	s0 =	sld [smem:$0x3F92];
	_ =	swait.ge [sflag:s4], $0x0  }
0x19: {  	s7 =	sld [smem:$0x3F93]  }
0x1a: {  	s8 =	sadd.s32 $0xFFFFE003, lr  }
0x1b: {  	s9 =	sadd.s32 $0xFFFFFEF7, lr;
	s5 =	simm.s32 $0xFFFFFFFF;
	p2 =	slt.u32 s8, $0xFFFFF086  }
0x1c: {  	p1 =	slt.u32 s9, $0xF7A;
	s5 =	simm.s32 @!p2 $0x0  }
0x1d: {  	s5 =	simm.s32 @p1 $0x1;
	p0 =	seq.s32 s7, s2  }
0x1e: {  	s7 =	smul.u32 @!p0 $0xF7A, s2;
	p2 =	seq.s32 @!p0 s5, $0x0  }
0x1f: {  	s9 =	smul.u32 $0xF7A, s1;
	s8 =	simm.s32 @!p0 $0x1BF5;
	p2 =	por !p2, p0  }
0x20: {  	[sflag:s8] =	ssyncset.s32 @!p0 $0xFFFFF086;
	s6 =	sadd.s32 @!p0 s3, s7;
	s7 =	simm.s32 @!p0 $0x108  }
0x21: {  	s3 =	sadd.s32 s3, s9;
	s6 =	sadd.s32 @!p0 $0x88, s6;
	s7 =	simm.s32 @p2 $0x1082  }
0x22: {  	[simem:s7], [sflag:s8] =	dma.local @!p0 [hbm:s6], $0xF7A  }
0x23: {  	s9 =	sor.u32 $0xD0000000, s2;
	s6 =	simm.s32 $0x108;
	_ =	swait.ge @!p0 [sflag:s8], $0x0  }
0x24: {  	s3 =	sadd.s32 $0x88, s3;
	s6 =	simm.s32 @!p1 $0x1082;
	[sflag:s4] =	ssyncset.s32 $0xFFFFF086  }
0x25: {  	[simem:s6], [sflag:s4] =	dma.local [hbm:s3], $0xF7A  }
0x26: {  	[smem:$0x3F93] =	sst s1;
	(tag) =	ssettag s2;
	_ =	strace s9  }
0x27: {  	s1 =	sld [smem:$0x3FA3]  }
0x28: {  	s2 =	sld [smem:$0x3FA4]  }
0x29: {  	s4 =	sld [smem:$0x3FA6]  }
0x2a: {  	p0 =	seq.s32 s5, $0x0;
	s5 =	sld [smem:$0x3FA7]  }
0x2b: {  	s6 =	sld [smem:$0x3FA8]  }
0x2c: {  	s7 =	sld [smem:$0x3FA9]  }
0x2d: {  	s3 =	simm.s32 $0x108;
	s8 =	sld [smem:$0x3FAA]  }
0x2e: {  	s3 =	simm.s32 @!p0 $0x1082;
	s9 =	sld [smem:$0x3FAB]  }
0x2f: {  	lr =	sadd.s32 s0, s3;
	s0 =	sld [smem:$0x3FA2]  }
0x30: {  	s3 =	sld [smem:$0x3FA5]  }
0x31: {  	[smem:$0x3FAE] =	sst s10  }
0x32: {  	s10 =	sld [smem:$0x3FAC];
	_ =	sdelay $0x3  }
0x33: {  	p0 =	seq.s32 s10, $0x1;
	s10 =	sld [smem:$0x3FAE];
	_ =	sdelay $0x3  }
0x34: {  	[smem:$0x3FAE] =	sst s10  }
0x35: {  	s10 =	sld [smem:$0x3FAD];
	_ =	sdelay $0x3  }
0x36: {  	p1 =	seq.s32 s10, $0x1;
	s10 =	sld [smem:$0x3FAE];
	_ =	sdelay $0x3  }
0x37: {  	[smem:$0x3FAE] =	sst s10  }
0x38: {  	s10 =	sld [smem:$0x3FAF]  }
0x39: {  	_ = 	snop;
	(pc) =	sbr.ind lr, $3  }
0x3a: {  	_ = 	snop  }
0x3b: {  	_ = 	snop  }
0x3c: {  	p2 =	seq.s32 s10, $0x1;
	s10 =	sld [smem:$0x3FAE]  }
0x3d: {  	_ =	shalt  }
0x3e: {  	_ =	shalt  }
0x3f: {  	_ =	shalt  }
0x40: {  	_ =	shalt  }
0x41: {  	_ =	shalt  }
0x42: {  	_ =	shalt  }
0x43: {  	_ =	shalt  }
0x44: {  	_ =	shalt  }
0x45: {  	_ =	shalt  }
0x46: {  	_ =	shalt  }
0x47: {  	_ =	shalt  }
0x48: {  	_ =	shalt  }
0x49: {  	_ =	shalt  }
0x4a: {  	_ =	shalt  }
0x4b: {  	_ =	shalt  }
0x4c: {  	_ =	shalt  }
0x4d: {  	_ =	shalt  }
0x4e: {  	_ =	shalt  }
0x4f: {  	_ =	shalt  }
0x50: {  	_ =	shalt  }
0x51: {  	_ =	shalt  }
0x52: {  	_ =	shalt  }
0x53: {  	_ =	shalt  }
0x54: {  	_ =	shalt  }
0x55: {  	_ =	shalt  }
0x56: {  	_ =	shalt  }
0x57: {  	_ =	shalt  }
0x58: {  	_ =	shalt  }
0x59: {  	_ =	shalt  }
0x5a: {  	_ =	shalt  }
0x5b: {  	_ =	shalt  }
0x5c: {  	_ =	shalt  }
0x5d: {  	_ =	shalt  }
0x5e: {  	_ =	shalt  }
0x5f: {  	_ =	shalt  }
0x60: {  	_ =	shalt  }
0x61: {  	_ =	shalt  }
0x62: {  	_ =	shalt  }
0x63: {  	_ =	shalt  }
0x64: {  	_ =	shalt  }
0x65: {  	_ =	shalt  }
0x66: {  	_ =	shalt  }
0x67: {  	_ =	shalt  }
0x68: {  	_ =	shalt  }
0x69: {  	_ =	shalt  }
0x6a: {  	_ =	shalt  }
0x6b: {  	_ =	shalt  }
0x6c: {  	_ =	shalt  }
0x6d: {  	_ =	shalt  }
0x6e: {  	_ =	shalt  }
0x6f: {  	_ =	shalt  }
0x70: {  	_ =	shalt  }
0x71: {  	_ =	shalt  }
0x72: {  	_ =	shalt  }
0x73: {  	_ =	shalt  }
0x74: {  	_ =	shalt  }
0x75: {  	_ =	shalt  }
0x76: {  	_ =	shalt  }
0x77: {  	_ =	shalt  }
0x78: {  	_ =	shalt  }
0x79: {  	_ =	shalt  }
0x7a: {  	_ =	shalt  }
0x7b: {  	_ =	shalt  }
0x7c: {  	_ =	shalt  }
0x7d: {  	_ =	shalt  }
0x7e: {  	_ =	shalt  }
0x7f: {  	_ =	shalt  }
0x80: {  	_ =	shalt  }
0x81: {  	_ =	shalt  }
0x82: {  	_ =	shalt  }
0x83: {  	_ =	shalt  }
0x84: {  	_ =	shalt  }
0x85: {  	_ =	shalt  }
0x86: {  	_ =	shalt  }
0x87: {  	_ =	shalt  }
.Lfunc_end0:
.L_simem_size_0:
called_computation.2_lowered:
.L_overlay_start_0:
0x88: {  	s2 =	sld [smem:$0x3FD9]  }
0x89: {  	s3 =	sld [smem:$0x3FFE];
	_ =	sdelay $0x1  }
0x8a: {  	s1 =	srdreg.scid  }
0x8b: {  	s0 =	sand.u32 $0x1, s1  }
0x8c: {  	s16 =	sshll.u32 s0, $0xA;
	s2 =	sadd.s32 s3, s2  }
0x8d: {  	s2 =	sadd.s32 s2, s16  }
0x8e: {  	[smem:$0x3FBA] =	sst s2  }
0x8f: {  	_ = 	snop  }
0x90: {  	(tm) =	ssettm $0x1  }
0x91: {  	s17 =	sld [smem:$0x3FFB];
	_ =	sdelay $0x3  }
0x92: {  	_ =	strace s17  }
0x93: {  	s2 =	sld [smem:$0x3FFC];
	_ =	sdelay $0x3  }
0x94: {  	_ =	strace s2  }
0x95: {  	s2 =	sld [smem:$0x3FFD];
	_ =	sdelay $0x3  }
0x96: {  	_ =	strace s2  }
0x97: {  	_ =	strace $0x8FFFFFFF  }
0x98: {  	s18 =	sld [smem:$0x3FDB];
	_ =	sdelay $0x1  }
0x99: {  	s19 =	simm.s32 $_scs_section_size  }
0x9a: {  	s4 =	simm.s32 $_size__tile_overlayer_lowered;
	s5 =	simm.s32 $_tile_overlayer_lowered  }
0x9b: {  	s22 =	simm.s32 $0x1BFF;
	s21 =	sshll.u32 s5, $0x1;
	s2 =	sadd.s32 s19, s18  }
0x9c: {  	s6 =	simm.s32 $0x0;
	s20 =	sshll.u32 s4, $0x1;
	s4 =	sadd.s32 s21, s2  }
0x9d: {  	[timem:s6], [sflag:s22] =	dma.local [hbm:s4], s20  }
0x9e: {  	_ =	swait.ge [sflag:s22], s20  }
0x9f: {  	s3 =	ssub.s32 $0x0, s20;
	[sflag:s22] =	ssyncset.done $0x0  }
0xa0: {  	[sflag:s22] =	ssyncadd.s32 s3;
	_ =	sdelay $0x1  }
0xa1: {  	s23 =	simm.s32 $0x1B8B  }
0xa2: {  	_ =	swait.ge [sflag:s23], $0x1  }
0xa3: {  	[sflag:s23] =	ssyncset.done $0x0  }
0xa4: {  	s25 =	simm.s32 $0x1B8E;
	s24 =	sld [smem:$0x3FFE];
	[sflag:s23] =	ssyncadd.s32 $0xFFFFFFFF  }
0xa5: {  	s26 =	simm.s32 $execute0_lowered;
	[smem:$0x3FD2] =	sst s25  }
0xa6: {  	s4 =	sshll.u32 s26, $0x1;
	_ =	strace $0x8000004C;
	[dreg:$0x1] =	wrdreg $0xFFFFFFFF  }
0xa7: {  	s28 =	simm.s32 $_size_execute0_lowered;
	s2 =	sadd.s32 s2, s4;
	[dreg:$0x0] =	wrdreg $0x0  }
0xa8: {  	s4 =	sshll.u32 s28, $0x1;
	[dreg:$0x2] =	wrdreg s2  }
0xa9: {  	[dreg:$0x3] =	wrdreg s4  }
0xaa: {  	[dreg:$0x4] =	wrdreg $0xC0  }
0xab: {  	_ =	task [dreg:s6], $0x5FFFF  }
0xac: {  	[dreg:$0x1] =	wrdreg $0xFFFFFFFF  }
0xad: {  	[dreg:$0x0] =	wrdreg $0x60  }
0xae: {  	[dreg:$0x2] =	wrdreg s24  }
0xaf: {  	[dreg:$0x3] =	wrdreg $0xA8000  }
0xb0: {  	[dreg:$0x4] =	wrdreg $0x9  }
0xb1: {  	_ =	task.clear_ibuf [dreg:s6], $0x5FFFF;
	_ =	strace $0x9000004C  }
0xb2: {  	s29 =	simm.s32 $0x9;
	_ =	strace $0x8000004E  }
0xb3: {  	_ =	swait.ge [sflag:s29], $0x1  }
0xb4: {  	[sflag:s29] =	ssyncadd.s32 $0xFFFFFFFF  }
0xb5: {  	_ =	strace $0x9000004E  }
0xb6: {  	_ =	sfence  }
0xb7: {  	s30 =	sld [smem:$0x0];
	_ =	sdelay $0x2  }
0xb8: {  	s31 =	sshll.u32 s1, $0xD;
	s1 =	sshrl.u32 s1, $0x2  }
0xb9: {  	s3 =	sand.u32 $0x4000, s31;
	s1 =	sadd.s32 s1, s30  }
0xba: {  	s0 =	sor.u32 s3, s0;
	s1 =	sshll.u32 s1, $0x11  }
0xbb: {  	s0 =	sor.u32 s1, s0  }
0xbc: {  	s0 =	sadd.s32 $0x8F2B, s0  }
0xbd: {  	[sflag:s0] =	ssyncadd.remote.s32 $0x1  }
0xbe: {  	_ =	sfence.sel $0xFFFF  }
0xbf: {  	[dreg:$0x0] =	wrdreg $0xFFFFFFFF;
	(pc) =	sbr.abs _section_cstart, $3  }
0xc0: {  	[dreg:$0x1] =	wrdreg $0xFFFFFFFF  }
0xc1: {  	_ =	task.clear_ibuf [dreg:s6], $0x2FFFF;
	_ =	strace $0x9FFFFFFF  }
0xc2: {  	(tm) =	ssettm $0x7FFFFFFF  }
0xc3: {  	_ =	shalt  }
tec
execute0_lowered:
.L_overlay_start_1:
0x0: {  	(tag) =	ssettag $0x1  }
0x1: {  	s0 =	rddreg [dreg:$0x0]  }
0x2: {  	s1 =	rddreg [dreg:$0x1];
	s2 =	simm.s32 $0x0  }
0x3: {  	s3 =	srdreg.scid;
	s16 =	stileid.u32;
	s28 =	simm.s32 $0x1  }
0x4: {  	s29 =	simm.s32 $0x2;
	s30 =	simm.s32 $0x2700;
	s31 =	simm.s32 $0x2680  }
0x5: {  	[smem:$0x7FF] =	sst s2;
	s4 =	sadd.s32 $0x2CA00, s0;
	s3 =	sand.u32 $0x1, s3  }
0x6: {  	s5 =	sadd.s32 $0x4A00, s0;
	s8 =	smul.u32 $0x4E000, s16;
	s6 =	sadd.s32 $0x7AC00, s0  }
0x7: {  	s10 =	smul.u32 $0x13800, s16;
	s0 =	sadd.s32 $0x7B400, s0;
	s18 =	sshll.u32 s16, $0x6  }
0x8: {  	s22 =	sadd.s32 $0x138000, s1;
	p0 =	sne.s32 s16, $0xF;
	s7 =	ssub.s32 $0x2, s3  }
0x9: {  	_ =	strace $0x8000004D;
	[dreg:$0x8] =	wrdreg s22;
	s9 =	sshrl.u32 s7, $0x1  }
0xa: {  	s8 =	sshrl.u32 s8, $0x2;
	s19 =	sadd.s32 $0x4000, s10;
	s12 =	sadd.s32 $0x8000, s10  }
0xb: {  	s13 =	sadd.s32 $0xC000, s10;
	s21 =	sadd.s32 $0x10000, s10;
	s8 =	sadd.s32 s8, s1  }
0xc: {  	s7 =	ssub.s32 s7, s9;
	s11 =	sadd.s32 s19, s1;
	[dreg:$0x3] =	wrdreg s8  }
0xd: {  	s20 =	sadd.s32 s12, s1;
	s14 =	sadd.s32 s13, s1;
	[dreg:$0x4] =	wrdreg s11  }
0xe: {  	s15 =	sadd.s32 s21, s1;
	[dreg:$0x5] =	wrdreg s20;
	s11 =	smul.u32 $0xA0000, s3  }
0xf: {  	s8 =	sor.u32 $0x1C03, s18;
	[dreg:$0x6] =	wrdreg s14;
	s3 =	smul.u32 $0x138800, s3  }
0x10: {  	[dreg:$0x7] =	wrdreg s15;
	s15 =	smul.u32 $0xA0, s16;
	s22 =	smax.u32 s7, $0x1  }
0x11: {  	s10 =	sadd.s32 s10, s3;
	s9 =	sadd.s32 s3, s19;
	s12 =	sadd.s32 s3, s12  }
0x12: {  	s24 =	sadd.s32 s3, s13;
	s25 =	sadd.s32 s3, s21;
	s10 =	sshrl.u32 s10, $0x3  }
0x13: {  	s3 =	sshrl.u32 s3, $0x3;
	s9 =	sshrl.u32 s9, $0x3;
	s10 =	sadd.s32 s0, s10  }
0x14: {  	s12 =	sshrl.u32 s12, $0x3;
	s9 =	sadd.s32 s0, s9;
	[dreg:$0x9] =	wrdreg s10  }
0x15: {  	s3 =	sadd.s32 s0, s3;
	s23 =	sadd.s32 s0, s12;
	[dreg:$0xa] =	wrdreg s9  }
0x16: {  	s26 =	sadd.s32 $0x27000, s3;
	s3 =	simm.s32 $0x0;
	[dreg:$0xb] =	wrdreg s23  }
0x17: {  	s9 =	sshrl.u32 s24, $0x3;
	s10 =	sshrl.u32 s25, $0x3;
	[dreg:$0xe] =	wrdreg s26  }
0x18: {  	s23 =	simm.s32 $0x3;
	s24 =	simm.s32 $0x80;
	s9 =	sadd.s32 s0, s9  }
0x19: {  	s25 =	simm.s32 $0x2800;
	s0 =	sadd.s32 s0, s10;
	[dreg:$0xc] =	wrdreg s9  }
0x1a: {  	s26 =	simm.s32 $0x6800;
	[dreg:$0xd] =	wrdreg s0;
	s0 =	simm.s32 $0x2780  }
.LBB2_1:
0x1b: {  	s7 =	rddreg [dreg:$0x3]  }
0x1c: {  	s7 =	sshrl.u32 s7, $0x3  }
0x1d: {  	[spmem:s7], [sflag:s8] =	dma.local [hbm:s6], $0x800  }
0x1e: {  	_ =	swait.ge [sflag:s23], $0x800  }
0x1f: {  	[sflag:s23] =	ssyncset.done $0x0;
	s9 =	rddreg [dreg:$0x4]  }
0x20: {  	[sflag:s23] =	ssyncadd.s32 $0xFFFFF800;
	s9 =	sshrl.u32 s9, $0x3  }
0x21: {  	[spmem:s9], [sflag:s8] =	dma.local [hbm:s6], $0x800  }
0x22: {  	_ =	swait.ge [sflag:s23], $0x800  }
0x23: {  	[sflag:s23] =	ssyncset.done $0x0;
	s10 =	rddreg [dreg:$0x5]  }
0x24: {  	[sflag:s23] =	ssyncadd.s32 $0xFFFFF800;
	s10 =	sshrl.u32 s10, $0x3  }
0x25: {  	[spmem:s10], [sflag:s8] =	dma.local [hbm:s6], $0x800  }
0x26: {  	_ =	swait.ge [sflag:s23], $0x800  }
0x27: {  	[sflag:s23] =	ssyncset.done $0x0;
	s12 =	rddreg [dreg:$0x6]  }
0x28: {  	[sflag:s23] =	ssyncadd.s32 $0xFFFFF800;
	s12 =	sshrl.u32 s12, $0x3  }
0x29: {  	[spmem:s12], [sflag:s8] =	dma.local [hbm:s6], $0x800  }
0x2a: {  	_ =	swait.ge [sflag:s23], $0x800  }
0x2b: {  	[sflag:s23] =	ssyncset.done $0x0;
	s13 =	rddreg [dreg:$0x7]  }
0x2c: {  	[sflag:s23] =	ssyncadd.s32 $0xFFFFF800;
	s13 =	sshrl.u32 s13, $0x3  }
0x2d: {  	[spmem:s13], [sflag:s8] =	dma.local [hbm:s6], $0x700  }
0x2e: {  	_ =	swait.ge [sflag:s23], $0x700  }
0x2f: {  	[sflag:s23] =	ssyncset.done $0x0;
	s14 =	rddreg [dreg:$0x8]  }
0x30: {  	s16 =	simm.s32 @!p0 $0x3;
	[sflag:s23] =	ssyncadd.s32 $0xFFFFF900;
	s14 =	sshrl.u32 @!p0 s14, $0x3  }
0x31: {  	[spmem:s14], [sflag:s8] =	dma.local @!p0 [hbm:s6], $0x180  }
0x32: {  	_ =	swait.ge @!p0 [sflag:s16], $0x180  }
0x33: {  	[sflag:s16] =	ssyncset.done @!p0 $0x0  }
0x34: {  	[sflag:s16] =	ssyncadd.s32 @!p0 $0xFFFFFE80  }
0x35: {  	s16 =	simm.s32 $0x0;
	[bflag:$0x0] =	sbarrier.arrive $0xFFFF  }
.LBB2_2:
0x36: {  	s17 =	smul.u32 $0x28, s16;
	_ =	sdelay $0x1  }
0x37: {  	s17 =	sadd.s32 s15, s17  }
0x38: {  	s17 =	sshll.u32 s17, $0x8  }
0x39: {  	s17 =	sadd.s32 s11, s17  }
0x3a: {  	s17 =	sshrl.u32 s17, $0x3  }
0x3b: {  	s17 =	sadd.s32 s5, s17  }
0x3c: {  	[tilespmem:s2], [sflag:$0x3] =	stream.linear.gather [hbm4b:s17+s2], $0x2800, $0x38;
	[tilespmem:$0x1E0C0] =	vst v63  }
0x3d: {  	_ =	swait.ge [sflag:s23], $0x2800  }
0x3e: {  	[sflag:s23] =	ssyncset.done $0x0  }
0x3f: {  	[sflag:s23] =	ssyncadd.s32 $0xFFFFD800  }
0x40: {  	[tilespmem:s25], [sflag:$0x1] =	stream.indirect.gather [hbm4b:s4+s24], $0x80, s2, s24, $0xb8;
	[tilespmem:$0x1E0C0] =	vst v63  }
0x41: {  	s18 =	simm.s32 $0x100  }
0x42: {  	[tilespmem:s26], [sflag:$0x2] =	stream.indirect.gather [hbm4b:s4+s24], $0x80, s18, s24, $0xb8;
	[tilespmem:$0x1E0C0] =	vst v63  }
0x43: {  	_ =	swait.ge [sflag:s28], $0x4000  }
0x44: {  	[sflag:s28] =	ssyncset.done $0x0  }
0x45: {  	s19 =	simm.s32 $0x80;
	[sflag:s28] =	ssyncadd.s32 $0xFFFFC000  }
0x46: {  	[spmem:s1] =	stream.indirect.scatter.add.f32 [tilespmem:s25], [sflag:$0x3], $0x80, s19, s24, $0xb8;
	[tilespmem:$0x1E0C0] =	vst v63  }
0x47: {  	_ =	swait.ge [sflag:s23], $0x4000  }
0x48: {  	[sflag:s23] =	ssyncset.done $0x0  }
0x49: {  	s20 =	simm.s32 $0x200;
	[sflag:s23] =	ssyncadd.s32 $0xFFFFC000  }
0x4a: {  	[tilespmem:s25], [sflag:$0x1] =	stream.indirect.gather [hbm4b:s4+s24], $0x80, s20, s24, $0xb8;
	[tilespmem:$0x1E0C0] =	vst v63  }
0x4b: {  	_ =	swait.ge [sflag:s29], $0x4000  }
0x4c: {  	[sflag:s29] =	ssyncset.done $0x0  }
0x4d: {  	s21 =	simm.s32 $0x180;
	[sflag:s29] =	ssyncadd.s32 $0xFFFFC000  }
0x4e: {  	[spmem:s1] =	stream.indirect.scatter.add.f32 [tilespmem:s26], [sflag:$0x3], $0x80, s21, s24, $0xb8;
	[tilespmem:$0x1E0C0] =	vst v63  }
0x4f: {  	_ =	swait.ge [sflag:s23], $0x4000  }
0x50: {  	s17 =	simm.s32 $0xFFFFDC00;
	s18 =	simm.s32 $0xFFFF7800;
	[sflag:s23] =	ssyncset.done $0x0  }
.LBB2_3:
0x51: {  	s19 =	sadd.s32 $0x2700, s17  }
0x52: {  	[sflag:s23] =	ssyncadd.s32 $0xFFFFC000;
	s20 =	smov.u32 s18;
	s21 =	sadd.s32 $0x800, s18  }
0x53: {  	[tilespmem:s26], [sflag:$0x2] =	stream.indirect.gather [hbm4b:s4+s24], $0x80, s19, s24, $0xb8;
	[tilespmem:$0x1E0C0] =	vst v63  }
0x54: {  	p1 =	sne.s32 s18, $0xFFFFF800;
	_ =	swait.ge [sflag:s28], $0x4000  }
0x55: {  	[sflag:s28] =	ssyncset.done $0x0  }
0x56: {  	s18 =	sadd.s32 $0x2680, s17;
	[sflag:s28] =	ssyncadd.s32 $0xFFFFC000  }
0x57: {  	[spmem:s1] =	stream.indirect.scatter.add.f32 [tilespmem:s25], [sflag:$0x3], $0x80, s18, s24, $0xb8;
	[tilespmem:$0x1E0C0] =	vst v63  }
0x58: {  	_ =	swait.ge [sflag:s23], $0x4000  }
0x59: {  	[sflag:s23] =	ssyncset.done $0x0  }
0x5a: {  	s18 =	sadd.s32 $0x2800, s17;
	[sflag:s23] =	ssyncadd.s32 $0xFFFFC000  }
0x5b: {  	[tilespmem:s25], [sflag:$0x1] =	stream.indirect.gather [hbm4b:s4+s24], $0x80, s18, s24, $0xb8;
	[tilespmem:$0x1E0C0] =	vst v63  }
0x5c: {  	_ =	swait.ge [sflag:s29], $0x4000  }
.Ltmp0:
0x5d: {  	[sflag:s29] =	ssyncset.done $0x0;
	(pc) =	sbr.rel @p1 .LBB2_3-.Ltmp0, $4  }
0x5e: {  	s17 =	sadd.s32 $0x2780, s17;
	[sflag:s29] =	ssyncadd.s32 $0xFFFFC000  }
0x5f: {  	[spmem:s1] =	stream.indirect.scatter.add.f32 [tilespmem:s26], [sflag:$0x3], $0x80, s17, s24, $0xb8;
	[tilespmem:$0x1E0C0] =	vst v63  }
0x60: {  	_ =	swait.ge [sflag:s23], $0x4000  }
0x61: {  	s18 =	smov.u32 s21;
	s17 =	sshra.s32 s20, $0x2;
	[sflag:s23] =	ssyncset.done $0x0  }
0x62: {  	s18 =	sadd.s32 $0x2700, s17;
	[sflag:s23] =	ssyncadd.s32 $0xFFFFC000  }
0x63: {  	[tilespmem:s26], [sflag:$0x2] =	stream.indirect.gather [hbm4b:s4+s24], $0x80, s18, s24, $0xb8;
	[tilespmem:$0x1E0C0] =	vst v63  }
0x64: {  	_ =	swait.ge [sflag:s28], $0x4000  }
0x65: {  	[sflag:s28] =	ssyncset.done $0x0  }
0x66: {  	s19 =	sadd.s32 $0x2680, s17;
	[sflag:s28] =	ssyncadd.s32 $0xFFFFC000  }
0x67: {  	[spmem:s1] =	stream.indirect.scatter.add.f32 [tilespmem:s25], [sflag:$0x3], $0x80, s19, s24, $0xb8;
	[tilespmem:$0x1E0C0] =	vst v63  }
0x68: {  	_ =	swait.ge [sflag:s23], $0x4000  }
0x69: {  	[sflag:s23] =	ssyncset.done $0x0  }
0x6a: {  	s20 =	sadd.s32 $0x2800, s17;
	[sflag:s23] =	ssyncadd.s32 $0xFFFFC000  }
0x6b: {  	[tilespmem:s25], [sflag:$0x1] =	stream.indirect.gather [hbm4b:s4+s24], $0x80, s20, s24, $0xb8;
	[tilespmem:$0x1E0C0] =	vst v63  }
0x6c: {  	_ =	swait.ge [sflag:s29], $0x4000  }
0x6d: {  	[sflag:s29] =	ssyncset.done $0x0  }
0x6e: {  	s21 =	sadd.s32 $0x2780, s17;
	[sflag:s29] =	ssyncadd.s32 $0xFFFFC000  }
0x6f: {  	[spmem:s1] =	stream.indirect.scatter.add.f32 [tilespmem:s26], [sflag:$0x3], $0x80, s21, s24, $0xb8;
	[tilespmem:$0x1E0C0] =	vst v63  }
0x70: {  	_ =	swait.ge [sflag:s23], $0x4000  }
0x71: {  	[sflag:s23] =	ssyncset.done $0x0  }
0x72: {  	[sflag:s23] =	ssyncadd.s32 $0xFFFFC000  }
0x73: {  	[tilespmem:s26], [sflag:$0x2] =	stream.indirect.gather [hbm4b:s4+s24], $0x80, s30, s24, $0xb8;
	[tilespmem:$0x1E0C0] =	vst v63  }
0x74: {  	_ =	swait.ge [sflag:s28], $0x4000  }
0x75: {  	[sflag:s28] =	ssyncset.done $0x0  }
0x76: {  	[sflag:s28] =	ssyncadd.s32 $0xFFFFC000  }
0x77: {  	[spmem:s1] =	stream.indirect.scatter.add.f32 [tilespmem:s25], [sflag:$0x3], $0x80, s31, s24, $0xb8;
	[tilespmem:$0x1E0C0] =	vst v63  }
0x78: {  	_ =	swait.ge [sflag:s23], $0x4000  }
0x79: {  	[sflag:s23] =	ssyncset.done $0x0  }
0x7a: {  	[sflag:s23] =	ssyncadd.s32 $0xFFFFC000  }
0x7b: {  	s16 =	sadd.s32 $0x1, s16;
	_ =	swait.ge [sflag:s29], $0x4000  }
0x7c: {  	p1 =	sne.s32 s16, $0x4;
	[sflag:s29] =	ssyncset.done $0x0  }
.Ltmp1:
0x7d: {  	[sflag:s29] =	ssyncadd.s32 $0xFFFFC000;
	(pc) =	sbr.rel @p1 .LBB2_2-.Ltmp1, $4  }
0x7e: {  	[spmem:s1] =	stream.indirect.scatter.add.f32 [tilespmem:s26], [sflag:$0x3], $0x80, s0, s24, $0xb8;
	[tilespmem:$0x1E0C0] =	vst v63  }
0x7f: {  	_ =	swait.ge [sflag:s23], $0x4000  }
0x80: {  	[sflag:s23] =	ssyncset.done $0x0  }
0x81: {  	[sflag:s23] =	ssyncadd.s32 $0xFFFFC000  }
0x82: {  	[bflag:$0x0] =	sbarrier.arrive $0xFFFF  }
0x83: {  	s16 =	rddreg [dreg:$0x9]  }
0x84: {  	[hbm:s16], [sflag:s8] =	dma.local [spmem:s7], $0x800  }
0x85: {  	_ =	swait.ge [sflag:s23], $0x800  }
0x86: {  	[sflag:s23] =	ssyncset.done $0x0  }
0x87: {  	s18 =	rddreg [dreg:$0xa];
	[sflag:s23] =	ssyncadd.s32 $0xFFFFF800  }
0x88: {  	[hbm:s18], [sflag:s8] =	dma.local [spmem:s9], $0x800  }
0x89: {  	_ =	swait.ge [sflag:s23], $0x800  }
0x8a: {  	[sflag:s23] =	ssyncset.done $0x0  }
0x8b: {  	s19 =	rddreg [dreg:$0xb];
	[sflag:s23] =	ssyncadd.s32 $0xFFFFF800  }
0x8c: {  	[hbm:s19], [sflag:s8] =	dma.local [spmem:s10], $0x800  }
0x8d: {  	_ =	swait.ge [sflag:s23], $0x800  }
0x8e: {  	[sflag:s23] =	ssyncset.done $0x0  }
0x8f: {  	s20 =	rddreg [dreg:$0xc];
	[sflag:s23] =	ssyncadd.s32 $0xFFFFF800  }
0x90: {  	[hbm:s20], [sflag:s8] =	dma.local [spmem:s12], $0x800  }
0x91: {  	_ =	swait.ge [sflag:s23], $0x800  }
0x92: {  	[sflag:s23] =	ssyncset.done $0x0  }
0x93: {  	s21 =	rddreg [dreg:$0xd];
	[sflag:s23] =	ssyncadd.s32 $0xFFFFF800  }
0x94: {  	[hbm:s21], [sflag:s8] =	dma.local [spmem:s13], $0x700  }
0x95: {  	_ =	swait.ge [sflag:s23], $0x700  }
0x96: {  	s3 =	sadd.s32 $0x1, s3;
	[sflag:s23] =	ssyncset.done $0x0  }
0x97: {  	p1 =	sne.s32 s3, s22;
	s7 =	rddreg [dreg:$0xe];
	[sflag:s23] =	ssyncadd.s32 $0xFFFFF900  }
0x98: {  	[hbm:s7], [sflag:s8] =	dma.local @!p0 [spmem:s14], $0x100  }
.Ltmp2:
0x99: {  	_ = 	snop;
	(pc) =	sbr.rel @p1 .LBB2_1-.Ltmp2, $4  }
0x9a: {  	s7 =	simm.s32 @!p0 $0x3  }
0x9b: {  	_ =	swait.ge @!p0 [sflag:s7], $0x100  }
0x9c: {  	[sflag:s7] =	ssyncset.done @!p0 $0x0  }
0x9d: {  	[sflag:s7] =	ssyncadd.s32 @!p0 $0xFFFFFF00  }
0x9e: {  	_ =	sfence.sel $0x180000  }
0x9f: {  	[bflag:$0x0] =	sbarrier.arrive $0xFFFF  }
0xa0: {  	_ =	strace $0x9000004D  }
0xa1: {  	s0 =	stileid.u32;
	[bflag:$0x2] =	sbarrier.arrive $0xFFFF  }
0xa2: {  	p0 =	sne.s32 s0, $0x0;
	s0 =	rddreg [dreg:$0x2]  }
0xa3: {  	s0 =	sadd.s32 @!p0 $0x100000, s0  }
0xa4: {  	[sflag:s0] =	ssyncadd.tile.s32 @!p0 $0x1;
	_ =	shalt  }
.Lfunc_end2:
_tile_overlayer_lowered:
.L_overlay_start_2:
0xa5: {  	(tag) =	ssettag $0x2  }
0xa6: {  	s0 =	rddreg [dreg:$0x0];
	s2 =	stileid.u32  }
0xa7: {  	s1 =	rddreg [dreg:$0x1];
	p0 =	sne.s32 s2, $0x0  }
0xa8: {  	s3 =	rddreg [dreg:$0x2];
	[bflag:$0x3] =	sbarrier.arrive $0xFFFF;
	s2 =	simm.s32 @!p0 $0x1C03  }
0xa9: {  	[timem:s3], [sflag:s2] =	dma.local @!p0 [hbm:s0], s1  }
0xaa: {  	s0 =	simm.s32 @!p0 $0x3  }
0xab: {  	_ =	swait.ge @!p0 [sflag:s0], s1  }
0xac: {  	s1 =	ssub.s32 @!p0 $0x0, s1;
	[sflag:s0] =	ssyncset.done @!p0 $0x0  }
0xad: {  	[sflag:s0] =	ssyncadd.s32 @!p0 s1  }
0xae: {  	[bflag:$0x3] =	sbarrier.arrive $0xFFFF  }
0xaf: {  	_ =	shalt  }

// kernel: kernel.19.cloned.1.call-start
scs
__scs_entry_jumppad:
0x0: {  	(pc) =	sbr.rel $0x88, $3  }
0x1: {  	(tag) =	ssettag $0x0;
	lr =	simm.s32 $0x1  }
0x2: {  	[smem:$0x3F93] =	sst lr;
	_ =	strace $0xD0000000  }
0x3: {  	_ = 	snop  }
0x4: {  	_ = 	snop  }
0x5: {  	_ = 	snop  }
0x6: {  	_ = 	snop  }
0x7: {  	_ = 	snop  }
__scs_overlays_trampoline_lowered:
0x8: {  	[smem:$0x3FA2] =	sst s0  }
0x9: {  	[smem:$0x3FA3] =	sst s1  }
0xa: {  	[smem:$0x3FA4] =	sst s2  }
0xb: {  	[smem:$0x3FA5] =	sst s3  }
0xc: {  	[smem:$0x3FA6] =	sst s4  }
0xd: {  	[smem:$0x3FA7] =	sst s5  }
0xe: {  	[smem:$0x3FA8] =	sst s6  }
0xf: {  	[smem:$0x3FA9] =	sst s7  }
0x10: {  	[smem:$0x3FAA] =	sst s8  }
0x11: {  	[smem:$0x3FAB] =	sst s9;
	s0 =	simm.s32 @!p0 $0x0  }
0x12: {  	s1 =	sld [smem:$0x3F91];
	s0 =	simm.s32 @p0 $0x1  }
0x13: {  	[smem:$0x3FAC] =	sst s0;
	s0 =	simm.s32 @!p1 $0x0  }
0x14: {  	s2 =	sld [smem:$0x3F90];
	s0 =	simm.s32 @p1 $0x1  }
0x15: {  	[smem:$0x3FAD] =	sst s0;
	s0 =	simm.s32 @!p2 $0x0  }
0x16: {  	s3 =	sld [smem:$0x3FDB];
	s0 =	simm.s32 @p2 $0x1  }
0x17: {  	s4 =	simm.s32 $0x1BF5;
	[smem:$0x3FAF] =	sst s0  }
0x18: {  	s0 =	sld [smem:$0x3F92];
	_ =	swait.ge [sflag:s4], $0x0  }
0x19: {  	s7 =	sld [smem:$0x3F93]  }
0x1a: {  	s8 =	sadd.s32 $0xFFFFE003, lr  }
0x1b: {  	s9 =	sadd.s32 $0xFFFFFEF7, lr;
	s5 =	simm.s32 $0xFFFFFFFF;
	p2 =	slt.u32 s8, $0xFFFFF086  }
0x1c: {  	p1 =	slt.u32 s9, $0xF7A;
	s5 =	simm.s32 @!p2 $0x0  }
0x1d: {  	s5 =	simm.s32 @p1 $0x1;
	p0 =	seq.s32 s7, s2  }
0x1e: {  	s7 =	smul.u32 @!p0 $0xF7A, s2;
	p2 =	seq.s32 @!p0 s5, $0x0  }
0x1f: {  	s9 =	smul.u32 $0xF7A, s1;
	s8 =	simm.s32 @!p0 $0x1BF5;
	p2 =	por !p2, p0  }
0x20: {  	[sflag:s8] =	ssyncset.s32 @!p0 $0xFFFFF086;
	s6 =	sadd.s32 @!p0 s3, s7;
	s7 =	simm.s32 @!p0 $0x108  }
0x21: {  	s3 =	sadd.s32 s3, s9;
	s6 =	sadd.s32 @!p0 $0x88, s6;
	s7 =	simm.s32 @p2 $0x1082  }
0x22: {  	[simem:s7], [sflag:s8] =	dma.local @!p0 [hbm:s6], $0xF7A  }
0x23: {  	s9 =	sor.u32 $0xD0000000, s2;
	s6 =	simm.s32 $0x108;
	_ =	swait.ge @!p0 [sflag:s8], $0x0  }
0x24: {  	s3 =	sadd.s32 $0x88, s3;
	s6 =	simm.s32 @!p1 $0x1082;
	[sflag:s4] =	ssyncset.s32 $0xFFFFF086  }
0x25: {  	[simem:s6], [sflag:s4] =	dma.local [hbm:s3], $0xF7A  }
0x26: {  	[smem:$0x3F93] =	sst s1;
	(tag) =	ssettag s2;
	_ =	strace s9  }
0x27: {  	s1 =	sld [smem:$0x3FA3]  }
0x28: {  	s2 =	sld [smem:$0x3FA4]  }
0x29: {  	s4 =	sld [smem:$0x3FA6]  }
0x2a: {  	p0 =	seq.s32 s5, $0x0;
	s5 =	sld [smem:$0x3FA7]  }
0x2b: {  	s6 =	sld [smem:$0x3FA8]  }
0x2c: {  	s7 =	sld [smem:$0x3FA9]  }
0x2d: {  	s3 =	simm.s32 $0x108;
	s8 =	sld [smem:$0x3FAA]  }
0x2e: {  	s3 =	simm.s32 @!p0 $0x1082;
	s9 =	sld [smem:$0x3FAB]  }
0x2f: {  	lr =	sadd.s32 s0, s3;
	s0 =	sld [smem:$0x3FA2]  }
0x30: {  	s3 =	sld [smem:$0x3FA5]  }
0x31: {  	[smem:$0x3FAE] =	sst s10  }
0x32: {  	s10 =	sld [smem:$0x3FAC];
	_ =	sdelay $0x3  }
0x33: {  	p0 =	seq.s32 s10, $0x1;
	s10 =	sld [smem:$0x3FAE];
	_ =	sdelay $0x3  }
0x34: {  	[smem:$0x3FAE] =	sst s10  }
0x35: {  	s10 =	sld [smem:$0x3FAD];
	_ =	sdelay $0x3  }
0x36: {  	p1 =	seq.s32 s10, $0x1;
	s10 =	sld [smem:$0x3FAE];
	_ =	sdelay $0x3  }
0x37: {  	[smem:$0x3FAE] =	sst s10  }
0x38: {  	s10 =	sld [smem:$0x3FAF]  }
0x39: {  	_ = 	snop;
	(pc) =	sbr.ind lr, $3  }
0x3a: {  	_ = 	snop  }
0x3b: {  	_ = 	snop  }
0x3c: {  	p2 =	seq.s32 s10, $0x1;
	s10 =	sld [smem:$0x3FAE]  }
0x3d: {  	_ =	shalt  }
0x3e: {  	_ =	shalt  }
0x3f: {  	_ =	shalt  }
0x40: {  	_ =	shalt  }
0x41: {  	_ =	shalt  }
0x42: {  	_ =	shalt  }
0x43: {  	_ =	shalt  }
0x44: {  	_ =	shalt  }
0x45: {  	_ =	shalt  }
0x46: {  	_ =	shalt  }
0x47: {  	_ =	shalt  }
0x48: {  	_ =	shalt  }
0x49: {  	_ =	shalt  }
0x4a: {  	_ =	shalt  }
0x4b: {  	_ =	shalt  }
0x4c: {  	_ =	shalt  }
0x4d: {  	_ =	shalt  }
0x4e: {  	_ =	shalt  }
0x4f: {  	_ =	shalt  }
0x50: {  	_ =	shalt  }
0x51: {  	_ =	shalt  }
0x52: {  	_ =	shalt  }
0x53: {  	_ =	shalt  }
0x54: {  	_ =	shalt  }
0x55: {  	_ =	shalt  }
0x56: {  	_ =	shalt  }
0x57: {  	_ =	shalt  }
0x58: {  	_ =	shalt  }
0x59: {  	_ =	shalt  }
0x5a: {  	_ =	shalt  }
0x5b: {  	_ =	shalt  }
0x5c: {  	_ =	shalt  }
0x5d: {  	_ =	shalt  }
0x5e: {  	_ =	shalt  }
0x5f: {  	_ =	shalt  }
0x60: {  	_ =	shalt  }
0x61: {  	_ =	shalt  }
0x62: {  	_ =	shalt  }
0x63: {  	_ =	shalt  }
0x64: {  	_ =	shalt  }
0x65: {  	_ =	shalt  }
0x66: {  	_ =	shalt  }
0x67: {  	_ =	shalt  }
0x68: {  	_ =	shalt  }
0x69: {  	_ =	shalt  }
0x6a: {  	_ =	shalt  }
0x6b: {  	_ =	shalt  }
0x6c: {  	_ =	shalt  }
0x6d: {  	_ =	shalt  }
0x6e: {  	_ =	shalt  }
0x6f: {  	_ =	shalt  }
0x70: {  	_ =	shalt  }
0x71: {  	_ =	shalt  }
0x72: {  	_ =	shalt  }
0x73: {  	_ =	shalt  }
0x74: {  	_ =	shalt  }
0x75: {  	_ =	shalt  }
0x76: {  	_ =	shalt  }
0x77: {  	_ =	shalt  }
0x78: {  	_ =	shalt  }
0x79: {  	_ =	shalt  }
0x7a: {  	_ =	shalt  }
0x7b: {  	_ =	shalt  }
0x7c: {  	_ =	shalt  }
0x7d: {  	_ =	shalt  }
0x7e: {  	_ =	shalt  }
0x7f: {  	_ =	shalt  }
0x80: {  	_ =	shalt  }
0x81: {  	_ =	shalt  }
0x82: {  	_ =	shalt  }
0x83: {  	_ =	shalt  }
0x84: {  	_ =	shalt  }
0x85: {  	_ =	shalt  }
0x86: {  	_ =	shalt  }
0x87: {  	_ =	shalt  }
.Lfunc_end0:
.L_simem_size_0:
called_computation.3_lowered:
.L_overlay_start_0:
0x88: {  	s2 =	sld [smem:$0x3FD9]  }
0x89: {  	s3 =	sld [smem:$0x3FFE];
	_ =	sdelay $0x1  }
0x8a: {  	s1 =	srdreg.scid  }
0x8b: {  	s0 =	sand.u32 $0x1, s1  }
0x8c: {  	s16 =	sshll.u32 s0, $0xA;
	s2 =	sadd.s32 s3, s2  }
0x8d: {  	s2 =	sadd.s32 s2, s16  }
0x8e: {  	[smem:$0x3FBA] =	sst s2  }
0x8f: {  	_ = 	snop  }
0x90: {  	(tm) =	ssettm $0x1  }
0x91: {  	s17 =	sld [smem:$0x3FFB];
	_ =	sdelay $0x3  }
0x92: {  	_ =	strace s17  }
0x93: {  	s2 =	sld [smem:$0x3FFC];
	_ =	sdelay $0x3  }
0x94: {  	_ =	strace s2  }
0x95: {  	s2 =	sld [smem:$0x3FFD];
	_ =	sdelay $0x3  }
0x96: {  	_ =	strace s2  }
0x97: {  	_ =	strace $0x8FFFFFFF  }
0x98: {  	s18 =	sld [smem:$0x3FDB];
	_ =	sdelay $0x1  }
0x99: {  	s19 =	simm.s32 $_scs_section_size  }
0x9a: {  	s4 =	simm.s32 $_size__tile_overlayer_lowered;
	s5 =	simm.s32 $_tile_overlayer_lowered  }
0x9b: {  	s22 =	simm.s32 $0x1BFF;
	s21 =	sshll.u32 s5, $0x1;
	s2 =	sadd.s32 s19, s18  }
0x9c: {  	s6 =	simm.s32 $0x0;
	s20 =	sshll.u32 s4, $0x1;
	s4 =	sadd.s32 s21, s2  }
0x9d: {  	[timem:s6], [sflag:s22] =	dma.local [hbm:s4], s20  }
0x9e: {  	_ =	swait.ge [sflag:s22], s20  }
0x9f: {  	s3 =	ssub.s32 $0x0, s20;
	[sflag:s22] =	ssyncset.done $0x0  }
0xa0: {  	[sflag:s22] =	ssyncadd.s32 s3;
	_ =	sdelay $0x1  }
0xa1: {  	s23 =	simm.s32 $0x1B8B  }
0xa2: {  	_ =	swait.ge [sflag:s23], $0x1  }
0xa3: {  	[sflag:s23] =	ssyncset.done $0x0  }
0xa4: {  	s25 =	simm.s32 $0x1B8E;
	s24 =	sld [smem:$0x3FFE];
	[sflag:s23] =	ssyncadd.s32 $0xFFFFFFFF  }
0xa5: {  	s26 =	simm.s32 $execute0_lowered;
	[smem:$0x3FD2] =	sst s25  }
0xa6: {  	s4 =	sshll.u32 s26, $0x1;
	_ =	strace $0x8000004F;
	[dreg:$0x1] =	wrdreg $0xFFFFFFFF  }
0xa7: {  	s28 =	simm.s32 $_size_execute0_lowered;
	s2 =	sadd.s32 s2, s4;
	[dreg:$0x0] =	wrdreg $0x0  }
0xa8: {  	s4 =	sshll.u32 s28, $0x1;
	[dreg:$0x2] =	wrdreg s2  }
0xa9: {  	[dreg:$0x3] =	wrdreg s4  }
0xaa: {  	[dreg:$0x4] =	wrdreg $0xC0  }
0xab: {  	_ =	task [dreg:s6], $0x5FFFF  }
0xac: {  	[dreg:$0x1] =	wrdreg $0xFFFFFFFF  }
0xad: {  	[dreg:$0x0] =	wrdreg $0x60  }
0xae: {  	[dreg:$0x2] =	wrdreg s24  }
0xaf: {  	[dreg:$0x3] =	wrdreg $0xA8000  }
0xb0: {  	[dreg:$0x4] =	wrdreg $0x9  }
0xb1: {  	_ =	task.clear_ibuf [dreg:s6], $0x5FFFF;
	_ =	strace $0x9000004F  }
0xb2: {  	s29 =	simm.s32 $0x9;
	_ =	strace $0x80000051  }
0xb3: {  	_ =	swait.ge [sflag:s29], $0x1  }
0xb4: {  	[sflag:s29] =	ssyncadd.s32 $0xFFFFFFFF  }
0xb5: {  	_ =	strace $0x90000051  }
0xb6: {  	_ =	sfence  }
0xb7: {  	s30 =	sld [smem:$0x0];
	_ =	sdelay $0x2  }
0xb8: {  	s31 =	sshll.u32 s1, $0xD;
	s1 =	sshrl.u32 s1, $0x2  }
0xb9: {  	s3 =	sand.u32 $0x4000, s31;
	s1 =	sadd.s32 s1, s30  }
0xba: {  	s0 =	sor.u32 s3, s0;
	s1 =	sshll.u32 s1, $0x11  }
0xbb: {  	s0 =	sor.u32 s1, s0  }
0xbc: {  	s0 =	sadd.s32 $0x8F2B, s0  }
0xbd: {  	[sflag:s0] =	ssyncadd.remote.s32 $0x1  }
0xbe: {  	_ =	sfence.sel $0xFFFF  }
0xbf: {  	[dreg:$0x0] =	wrdreg $0xFFFFFFFF;
	(pc) =	sbr.abs _section_cstart, $3  }
0xc0: {  	[dreg:$0x1] =	wrdreg $0xFFFFFFFF  }
0xc1: {  	_ =	task.clear_ibuf [dreg:s6], $0x2FFFF;
	_ =	strace $0x9FFFFFFF  }
0xc2: {  	(tm) =	ssettm $0x7FFFFFFF  }
0xc3: {  	_ =	shalt  }
tec
execute0_lowered:
.L_overlay_start_1:
0x0: {  	(tag) =	ssettag $0x1  }
0x1: {  	s0 =	rddreg [dreg:$0x0]  }
0x2: {  	s1 =	rddreg [dreg:$0x1];
	s2 =	simm.s32 $0x0  }
0x3: {  	s3 =	srdreg.scid;
	s16 =	stileid.u32;
	s28 =	simm.s32 $0x1  }
0x4: {  	s29 =	simm.s32 $0x2;
	s30 =	simm.s32 $0x2700;
	s31 =	simm.s32 $0x2680  }
0x5: {  	[smem:$0x7FF] =	sst s2;
	s4 =	sadd.s32 $0x2CA00, s0;
	s3 =	sand.u32 $0x1, s3  }
0x6: {  	s5 =	sadd.s32 $0x4A00, s0;
	s8 =	smul.u32 $0x4E000, s16;
	s6 =	sadd.s32 $0x7AC00, s0  }
0x7: {  	s10 =	smul.u32 $0x13800, s16;
	s0 =	sadd.s32 $0x7B400, s0;
	s18 =	sshll.u32 s16, $0x6  }
0x8: {  	s22 =	sadd.s32 $0x138000, s1;
	p0 =	sne.s32 s16, $0xF;
	s7 =	ssub.s32 $0x2, s3  }
0x9: {  	_ =	strace $0x80000050;
	[dreg:$0x8] =	wrdreg s22;
	s9 =	sshrl.u32 s7, $0x1  }
0xa: {  	s8 =	sshrl.u32 s8, $0x2;
	s19 =	sadd.s32 $0x4000, s10;
	s12 =	sadd.s32 $0x8000, s10  }
0xb: {  	s13 =	sadd.s32 $0xC000, s10;
	s21 =	sadd.s32 $0x10000, s10;
	s8 =	sadd.s32 s8, s1  }
0xc: {  	s7 =	ssub.s32 s7, s9;
	s11 =	sadd.s32 s19, s1;
	[dreg:$0x3] =	wrdreg s8  }
0xd: {  	s20 =	sadd.s32 s12, s1;
	s14 =	sadd.s32 s13, s1;
	[dreg:$0x4] =	wrdreg s11  }
0xe: {  	s15 =	sadd.s32 s21, s1;
	[dreg:$0x5] =	wrdreg s20;
	s11 =	smul.u32 $0xA0000, s3  }
0xf: {  	s8 =	sor.u32 $0x1C03, s18;
	[dreg:$0x6] =	wrdreg s14;
	s3 =	smul.u32 $0x138800, s3  }
0x10: {  	[dreg:$0x7] =	wrdreg s15;
	s15 =	smul.u32 $0xA0, s16;
	s22 =	smax.u32 s7, $0x1  }
0x11: {  	s10 =	sadd.s32 s10, s3;
	s9 =	sadd.s32 s3, s19;
	s12 =	sadd.s32 s3, s12  }
0x12: {  	s24 =	sadd.s32 s3, s13;
	s25 =	sadd.s32 s3, s21;
	s10 =	sshrl.u32 s10, $0x3  }
0x13: {  	s3 =	sshrl.u32 s3, $0x3;
	s9 =	sshrl.u32 s9, $0x3;
	s10 =	sadd.s32 s0, s10  }
0x14: {  	s12 =	sshrl.u32 s12, $0x3;
	s9 =	sadd.s32 s0, s9;
	[dreg:$0x9] =	wrdreg s10  }
0x15: {  	s3 =	sadd.s32 s0, s3;
	s23 =	sadd.s32 s0, s12;
	[dreg:$0xa] =	wrdreg s9  }
0x16: {  	s26 =	sadd.s32 $0x27000, s3;
	s3 =	simm.s32 $0x0;
	[dreg:$0xb] =	wrdreg s23  }
0x17: {  	s9 =	sshrl.u32 s24, $0x3;
	s10 =	sshrl.u32 s25, $0x3;
	[dreg:$0xe] =	wrdreg s26  }
0x18: {  	s23 =	simm.s32 $0x3;
	s24 =	simm.s32 $0x80;
	s9 =	sadd.s32 s0, s9  }
0x19: {  	s25 =	simm.s32 $0x2800;
	s0 =	sadd.s32 s0, s10;
	[dreg:$0xc] =	wrdreg s9  }
0x1a: {  	s26 =	simm.s32 $0x6800;
	[dreg:$0xd] =	wrdreg s0;
	s0 =	simm.s32 $0x2780  }
.LBB2_1:
0x1b: {  	s7 =	rddreg [dreg:$0x3]  }
0x1c: {  	s7 =	sshrl.u32 s7, $0x3  }
0x1d: {  	[spmem:s7], [sflag:s8] =	dma.local [hbm:s6], $0x800  }
0x1e: {  	_ =	swait.ge [sflag:s23], $0x800  }
0x1f: {  	[sflag:s23] =	ssyncset.done $0x0;
	s9 =	rddreg [dreg:$0x4]  }
0x20: {  	[sflag:s23] =	ssyncadd.s32 $0xFFFFF800;
	s9 =	sshrl.u32 s9, $0x3  }
0x21: {  	[spmem:s9], [sflag:s8] =	dma.local [hbm:s6], $0x800  }
0x22: {  	_ =	swait.ge [sflag:s23], $0x800  }
0x23: {  	[sflag:s23] =	ssyncset.done $0x0;
	s10 =	rddreg [dreg:$0x5]  }
0x24: {  	[sflag:s23] =	ssyncadd.s32 $0xFFFFF800;
	s10 =	sshrl.u32 s10, $0x3  }
0x25: {  	[spmem:s10], [sflag:s8] =	dma.local [hbm:s6], $0x800  }
0x26: {  	_ =	swait.ge [sflag:s23], $0x800  }
0x27: {  	[sflag:s23] =	ssyncset.done $0x0;
	s12 =	rddreg [dreg:$0x6]  }
0x28: {  	[sflag:s23] =	ssyncadd.s32 $0xFFFFF800;
	s12 =	sshrl.u32 s12, $0x3  }
0x29: {  	[spmem:s12], [sflag:s8] =	dma.local [hbm:s6], $0x800  }
0x2a: {  	_ =	swait.ge [sflag:s23], $0x800  }
0x2b: {  	[sflag:s23] =	ssyncset.done $0x0;
	s13 =	rddreg [dreg:$0x7]  }
0x2c: {  	[sflag:s23] =	ssyncadd.s32 $0xFFFFF800;
	s13 =	sshrl.u32 s13, $0x3  }
0x2d: {  	[spmem:s13], [sflag:s8] =	dma.local [hbm:s6], $0x700  }
0x2e: {  	_ =	swait.ge [sflag:s23], $0x700  }
0x2f: {  	[sflag:s23] =	ssyncset.done $0x0;
	s14 =	rddreg [dreg:$0x8]  }
0x30: {  	s16 =	simm.s32 @!p0 $0x3;
	[sflag:s23] =	ssyncadd.s32 $0xFFFFF900;
	s14 =	sshrl.u32 @!p0 s14, $0x3  }
0x31: {  	[spmem:s14], [sflag:s8] =	dma.local @!p0 [hbm:s6], $0x180  }
0x32: {  	_ =	swait.ge @!p0 [sflag:s16], $0x180  }
0x33: {  	[sflag:s16] =	ssyncset.done @!p0 $0x0  }
0x34: {  	[sflag:s16] =	ssyncadd.s32 @!p0 $0xFFFFFE80  }
0x35: {  	s16 =	simm.s32 $0x0;
	[bflag:$0x0] =	sbarrier.arrive $0xFFFF  }
.LBB2_2:
0x36: {  	s17 =	smul.u32 $0x28, s16;
	_ =	sdelay $0x1  }
0x37: {  	s17 =	sadd.s32 s15, s17  }
0x38: {  	s17 =	sshll.u32 s17, $0x8  }
0x39: {  	s17 =	sadd.s32 s11, s17  }
0x3a: {  	s17 =	sshrl.u32 s17, $0x3  }
0x3b: {  	s17 =	sadd.s32 s5, s17  }
0x3c: {  	[tilespmem:s2], [sflag:$0x3] =	stream.linear.gather [hbm4b:s17+s2], $0x2800, $0x38;
	[tilespmem:$0x1E0C0] =	vst v63  }
0x3d: {  	_ =	swait.ge [sflag:s23], $0x2800  }
0x3e: {  	[sflag:s23] =	ssyncset.done $0x0  }
0x3f: {  	[sflag:s23] =	ssyncadd.s32 $0xFFFFD800  }
0x40: {  	[tilespmem:s25], [sflag:$0x1] =	stream.indirect.gather [hbm4b:s4+s24], $0x80, s2, s24, $0xb8;
	[tilespmem:$0x1E0C0] =	vst v63  }
0x41: {  	s18 =	simm.s32 $0x100  }
0x42: {  	[tilespmem:s26], [sflag:$0x2] =	stream.indirect.gather [hbm4b:s4+s24], $0x80, s18, s24, $0xb8;
	[tilespmem:$0x1E0C0] =	vst v63  }
0x43: {  	_ =	swait.ge [sflag:s28], $0x4000  }
0x44: {  	[sflag:s28] =	ssyncset.done $0x0  }
0x45: {  	s19 =	simm.s32 $0x80;
	[sflag:s28] =	ssyncadd.s32 $0xFFFFC000  }
0x46: {  	[spmem:s1] =	stream.indirect.scatter.add.f32 [tilespmem:s25], [sflag:$0x3], $0x80, s19, s24, $0xb8;
	[tilespmem:$0x1E0C0] =	vst v63  }
0x47: {  	_ =	swait.ge [sflag:s23], $0x4000  }
0x48: {  	[sflag:s23] =	ssyncset.done $0x0  }
0x49: {  	s20 =	simm.s32 $0x200;
	[sflag:s23] =	ssyncadd.s32 $0xFFFFC000  }
0x4a: {  	[tilespmem:s25], [sflag:$0x1] =	stream.indirect.gather [hbm4b:s4+s24], $0x80, s20, s24, $0xb8;
	[tilespmem:$0x1E0C0] =	vst v63  }
0x4b: {  	_ =	swait.ge [sflag:s29], $0x4000  }
0x4c: {  	[sflag:s29] =	ssyncset.done $0x0  }
0x4d: {  	s21 =	simm.s32 $0x180;
	[sflag:s29] =	ssyncadd.s32 $0xFFFFC000  }
0x4e: {  	[spmem:s1] =	stream.indirect.scatter.add.f32 [tilespmem:s26], [sflag:$0x3], $0x80, s21, s24, $0xb8;
	[tilespmem:$0x1E0C0] =	vst v63  }
0x4f: {  	_ =	swait.ge [sflag:s23], $0x4000  }
0x50: {  	s17 =	simm.s32 $0xFFFFDC00;
	s18 =	simm.s32 $0xFFFF7800;
	[sflag:s23] =	ssyncset.done $0x0  }
.LBB2_3:
0x51: {  	s19 =	sadd.s32 $0x2700, s17  }
0x52: {  	[sflag:s23] =	ssyncadd.s32 $0xFFFFC000;
	s20 =	smov.u32 s18;
	s21 =	sadd.s32 $0x800, s18  }
0x53: {  	[tilespmem:s26], [sflag:$0x2] =	stream.indirect.gather [hbm4b:s4+s24], $0x80, s19, s24, $0xb8;
	[tilespmem:$0x1E0C0] =	vst v63  }
0x54: {  	p1 =	sne.s32 s18, $0xFFFFF800;
	_ =	swait.ge [sflag:s28], $0x4000  }
0x55: {  	[sflag:s28] =	ssyncset.done $0x0  }
0x56: {  	s18 =	sadd.s32 $0x2680, s17;
	[sflag:s28] =	ssyncadd.s32 $0xFFFFC000  }
0x57: {  	[spmem:s1] =	stream.indirect.scatter.add.f32 [tilespmem:s25], [sflag:$0x3], $0x80, s18, s24, $0xb8;
	[tilespmem:$0x1E0C0] =	vst v63  }
0x58: {  	_ =	swait.ge [sflag:s23], $0x4000  }
0x59: {  	[sflag:s23] =	ssyncset.done $0x0  }
0x5a: {  	s18 =	sadd.s32 $0x2800, s17;
	[sflag:s23] =	ssyncadd.s32 $0xFFFFC000  }
0x5b: {  	[tilespmem:s25], [sflag:$0x1] =	stream.indirect.gather [hbm4b:s4+s24], $0x80, s18, s24, $0xb8;
	[tilespmem:$0x1E0C0] =	vst v63  }
0x5c: {  	_ =	swait.ge [sflag:s29], $0x4000  }
.Ltmp0:
0x5d: {  	[sflag:s29] =	ssyncset.done $0x0;
	(pc) =	sbr.rel @p1 .LBB2_3-.Ltmp0, $4  }
0x5e: {  	s17 =	sadd.s32 $0x2780, s17;
	[sflag:s29] =	ssyncadd.s32 $0xFFFFC000  }
0x5f: {  	[spmem:s1] =	stream.indirect.scatter.add.f32 [tilespmem:s26], [sflag:$0x3], $0x80, s17, s24, $0xb8;
	[tilespmem:$0x1E0C0] =	vst v63  }
0x60: {  	_ =	swait.ge [sflag:s23], $0x4000  }
0x61: {  	s18 =	smov.u32 s21;
	s17 =	sshra.s32 s20, $0x2;
	[sflag:s23] =	ssyncset.done $0x0  }
0x62: {  	s18 =	sadd.s32 $0x2700, s17;
	[sflag:s23] =	ssyncadd.s32 $0xFFFFC000  }
0x63: {  	[tilespmem:s26], [sflag:$0x2] =	stream.indirect.gather [hbm4b:s4+s24], $0x80, s18, s24, $0xb8;
	[tilespmem:$0x1E0C0] =	vst v63  }
0x64: {  	_ =	swait.ge [sflag:s28], $0x4000  }
0x65: {  	[sflag:s28] =	ssyncset.done $0x0  }
0x66: {  	s19 =	sadd.s32 $0x2680, s17;
	[sflag:s28] =	ssyncadd.s32 $0xFFFFC000  }
0x67: {  	[spmem:s1] =	stream.indirect.scatter.add.f32 [tilespmem:s25], [sflag:$0x3], $0x80, s19, s24, $0xb8;
	[tilespmem:$0x1E0C0] =	vst v63  }
0x68: {  	_ =	swait.ge [sflag:s23], $0x4000  }
0x69: {  	[sflag:s23] =	ssyncset.done $0x0  }
0x6a: {  	s20 =	sadd.s32 $0x2800, s17;
	[sflag:s23] =	ssyncadd.s32 $0xFFFFC000  }
0x6b: {  	[tilespmem:s25], [sflag:$0x1] =	stream.indirect.gather [hbm4b:s4+s24], $0x80, s20, s24, $0xb8;
	[tilespmem:$0x1E0C0] =	vst v63  }
0x6c: {  	_ =	swait.ge [sflag:s29], $0x4000  }
0x6d: {  	[sflag:s29] =	ssyncset.done $0x0  }
0x6e: {  	s21 =	sadd.s32 $0x2780, s17;
	[sflag:s29] =	ssyncadd.s32 $0xFFFFC000  }
0x6f: {  	[spmem:s1] =	stream.indirect.scatter.add.f32 [tilespmem:s26], [sflag:$0x3], $0x80, s21, s24, $0xb8;
	[tilespmem:$0x1E0C0] =	vst v63  }
0x70: {  	_ =	swait.ge [sflag:s23], $0x4000  }
0x71: {  	[sflag:s23] =	ssyncset.done $0x0  }
0x72: {  	[sflag:s23] =	ssyncadd.s32 $0xFFFFC000  }
0x73: {  	[tilespmem:s26], [sflag:$0x2] =	stream.indirect.gather [hbm4b:s4+s24], $0x80, s30, s24, $0xb8;
	[tilespmem:$0x1E0C0] =	vst v63  }
0x74: {  	_ =	swait.ge [sflag:s28], $0x4000  }
0x75: {  	[sflag:s28] =	ssyncset.done $0x0  }
0x76: {  	[sflag:s28] =	ssyncadd.s32 $0xFFFFC000  }
0x77: {  	[spmem:s1] =	stream.indirect.scatter.add.f32 [tilespmem:s25], [sflag:$0x3], $0x80, s31, s24, $0xb8;
	[tilespmem:$0x1E0C0] =	vst v63  }
0x78: {  	_ =	swait.ge [sflag:s23], $0x4000  }
0x79: {  	[sflag:s23] =	ssyncset.done $0x0  }
0x7a: {  	[sflag:s23] =	ssyncadd.s32 $0xFFFFC000  }
0x7b: {  	s16 =	sadd.s32 $0x1, s16;
	_ =	swait.ge [sflag:s29], $0x4000  }
0x7c: {  	p1 =	sne.s32 s16, $0x4;
	[sflag:s29] =	ssyncset.done $0x0  }
.Ltmp1:
0x7d: {  	[sflag:s29] =	ssyncadd.s32 $0xFFFFC000;
	(pc) =	sbr.rel @p1 .LBB2_2-.Ltmp1, $4  }
0x7e: {  	[spmem:s1] =	stream.indirect.scatter.add.f32 [tilespmem:s26], [sflag:$0x3], $0x80, s0, s24, $0xb8;
	[tilespmem:$0x1E0C0] =	vst v63  }
0x7f: {  	_ =	swait.ge [sflag:s23], $0x4000  }
0x80: {  	[sflag:s23] =	ssyncset.done $0x0  }
0x81: {  	[sflag:s23] =	ssyncadd.s32 $0xFFFFC000  }
0x82: {  	[bflag:$0x0] =	sbarrier.arrive $0xFFFF  }
0x83: {  	s16 =	rddreg [dreg:$0x9]  }
0x84: {  	[hbm:s16], [sflag:s8] =	dma.local [spmem:s7], $0x800  }
0x85: {  	_ =	swait.ge [sflag:s23], $0x800  }
0x86: {  	[sflag:s23] =	ssyncset.done $0x0  }
0x87: {  	s18 =	rddreg [dreg:$0xa];
	[sflag:s23] =	ssyncadd.s32 $0xFFFFF800  }
0x88: {  	[hbm:s18], [sflag:s8] =	dma.local [spmem:s9], $0x800  }
0x89: {  	_ =	swait.ge [sflag:s23], $0x800  }
0x8a: {  	[sflag:s23] =	ssyncset.done $0x0  }
0x8b: {  	s19 =	rddreg [dreg:$0xb];
	[sflag:s23] =	ssyncadd.s32 $0xFFFFF800  }
0x8c: {  	[hbm:s19], [sflag:s8] =	dma.local [spmem:s10], $0x800  }
0x8d: {  	_ =	swait.ge [sflag:s23], $0x800  }
0x8e: {  	[sflag:s23] =	ssyncset.done $0x0  }
0x8f: {  	s20 =	rddreg [dreg:$0xc];
	[sflag:s23] =	ssyncadd.s32 $0xFFFFF800  }
0x90: {  	[hbm:s20], [sflag:s8] =	dma.local [spmem:s12], $0x800  }
0x91: {  	_ =	swait.ge [sflag:s23], $0x800  }
0x92: {  	[sflag:s23] =	ssyncset.done $0x0  }
0x93: {  	s21 =	rddreg [dreg:$0xd];
	[sflag:s23] =	ssyncadd.s32 $0xFFFFF800  }
0x94: {  	[hbm:s21], [sflag:s8] =	dma.local [spmem:s13], $0x700  }
0x95: {  	_ =	swait.ge [sflag:s23], $0x700  }
0x96: {  	s3 =	sadd.s32 $0x1, s3;
	[sflag:s23] =	ssyncset.done $0x0  }
0x97: {  	p1 =	sne.s32 s3, s22;
	s7 =	rddreg [dreg:$0xe];
	[sflag:s23] =	ssyncadd.s32 $0xFFFFF900  }
0x98: {  	[hbm:s7], [sflag:s8] =	dma.local @!p0 [spmem:s14], $0x100  }
.Ltmp2:
0x99: {  	_ = 	snop;
	(pc) =	sbr.rel @p1 .LBB2_1-.Ltmp2, $4  }
0x9a: {  	s7 =	simm.s32 @!p0 $0x3  }
0x9b: {  	_ =	swait.ge @!p0 [sflag:s7], $0x100  }
0x9c: {  	[sflag:s7] =	ssyncset.done @!p0 $0x0  }
0x9d: {  	[sflag:s7] =	ssyncadd.s32 @!p0 $0xFFFFFF00  }
0x9e: {  	_ =	sfence.sel $0x180000  }
0x9f: {  	[bflag:$0x0] =	sbarrier.arrive $0xFFFF  }
0xa0: {  	_ =	strace $0x90000050  }
0xa1: {  	s0 =	stileid.u32;
	[bflag:$0x2] =	sbarrier.arrive $0xFFFF  }
0xa2: {  	p0 =	sne.s32 s0, $0x0;
	s0 =	rddreg [dreg:$0x2]  }
0xa3: {  	s0 =	sadd.s32 @!p0 $0x100000, s0  }
0xa4: {  	[sflag:s0] =	ssyncadd.tile.s32 @!p0 $0x1;
	_ =	shalt  }
.Lfunc_end2:
_tile_overlayer_lowered:
.L_overlay_start_2:
0xa5: {  	(tag) =	ssettag $0x2  }
0xa6: {  	s0 =	rddreg [dreg:$0x0];
	s2 =	stileid.u32  }
0xa7: {  	s1 =	rddreg [dreg:$0x1];
	p0 =	sne.s32 s2, $0x0  }
0xa8: {  	s3 =	rddreg [dreg:$0x2];
	[bflag:$0x3] =	sbarrier.arrive $0xFFFF;
	s2 =	simm.s32 @!p0 $0x1C03  }
0xa9: {  	[timem:s3], [sflag:s2] =	dma.local @!p0 [hbm:s0], s1  }
0xaa: {  	s0 =	simm.s32 @!p0 $0x3  }
0xab: {  	_ =	swait.ge @!p0 [sflag:s0], s1  }
0xac: {  	s1 =	ssub.s32 @!p0 $0x0, s1;
	[sflag:s0] =	ssyncset.done @!p0 $0x0  }
0xad: {  	[sflag:s0] =	ssyncadd.s32 @!p0 s1  }
0xae: {  	[bflag:$0x3] =	sbarrier.arrive $0xFFFF  }
0xaf: {  	_ =	shalt  }

</sc_bundles>
